<compile_context>
chip_gen: v7x
topology: tpu7x:2x2x1
jax: 0.10.2.dev20260603
libtpu: 0.0.44.dev20260713+nightly
codegen_flags: <defaults>
</compile_context>

<pallas_src>
import functools

import jax
import jax.numpy as jnp
from jax import lax
from jax.experimental import pallas as pl
from jax.experimental.pallas import tpu as pltpu
from jax.experimental.pallas import tpu_sc as plsc

N = 100000
C = 128
L = 16
NW = 32
CH = 128
CG = CH // L
NCH = 25
SPAN = NCH * CH
TBASE = N - CH


def _body(x_hbm, idx_hbm, xt_hbm, it_hbm, out_hbm,
          x0, x1, x2, x3, o0, o1, i0, i1, i2, i3, sq_v,
          sx0, sx1, sx2, sx3, si0, si1, si2, si3, so0, so1):
    wid = lax.axis_index("s") * 2 + lax.axis_index("c")
    tstart = jnp.minimum(wid * SPAN, ((N - SPAN) // CH) * CH)

    iota16 = lax.iota(jnp.int32, L)
    xbufs = (x0, x1, x2, x3)
    obufs = (o0, o1)
    ibufs = (i0, i1, i2, i3)
    sxs = (sx0, sx1, sx2, sx3)
    sis = (si0, si1, si2, si3)
    sos = (so0, so1)

    pltpu.sync_copy(x_hbm.at[:, pl.ds(0, CH)], x0)

    @plsc.parallel_loop(0, 64)
    def sq_body(q):
        evec = (q & ~(L - 1)) + jnp.bitwise_and(iota16 + q, L - 1)
        for cg in range(C // L):
            cvec = cg * L + iota16
            col = plsc.load_gather(x0, [cvec, evec])
            plsc.store_scatter(sq_v, [evec, cvec], col * col)

    def start_fetch(k, p):
        rbase = tstart + k * CH
        pltpu.make_async_copy(
            x_hbm.at[:, pl.ds(rbase, CH)], xbufs[p], sxs[p]).start()
        pltpu.make_async_copy(
            idx_hbm.at[pl.ds(rbase, CH)], ibufs[p], sis[p]).start()

    def wait_fetch(k, p):
        rbase = tstart + k * CH
        pltpu.make_async_copy(
            x_hbm.at[:, pl.ds(rbase, CH)], xbufs[p], sxs[p]).wait()
        pltpu.make_async_copy(
            idx_hbm.at[pl.ds(rbase, CH)], ibufs[p], sis[p]).wait()

    def out_copy_to(rbase, p):
        return pltpu.make_async_copy(
            obufs[p], out_hbm.at[pl.ds(rbase, CH), :], sos[p])

    def out_copy(k, p):
        return out_copy_to(tstart + k * CH, p)

    def compute(p4, p2):
        x_v, out_v, idx_v = xbufs[p4], obufs[p2], ibufs[p4]

        @plsc.parallel_loop(0, CH, unroll=2)
        def group_body(q):
            rvec = (q & ~(L - 1)) + jnp.bitwise_and(iota16 + q, L - 1)
            ev_rot = jnp.clip(plsc.load_gather(idx_v, [rvec]), 0, 63)
            for cg in range(C // L):
                cvec = cg * L + iota16
                xv = plsc.load_gather(x_v, [cvec, rvec])
                sv = plsc.load_gather(sq_v, [ev_rot, cvec])
                plsc.store_scatter(out_v, [rvec, cvec], xv * sv)

    for k0 in range(4):
        start_fetch(k0, k0)

    def quad_body(kk, carry):
        for p in range(4):
            k = 4 * kk + p
            wait_fetch(k, p)

            @pl.when(k >= 2)
            def _():
                out_copy(k - 2, p % 2).wait()

            compute(p, p % 2)
            out_copy(k, p % 2).start()

            @pl.when(k + 4 < NCH)
            def _():
                start_fetch(k + 4, p)
        return carry

    lax.fori_loop(0, NCH // 4, quad_body, 0)

    k = NCH - 1
    wait_fetch(k, 0)
    out_copy(k - 2, 0).wait()
    compute(0, 0)
    out_copy(k, 0).start()
    out_copy(k - 1, 1).wait()
    out_copy(k, 0).wait()

    @pl.when(wid == NW - 1)
    def _tail():
        pltpu.sync_copy(xt_hbm, x1)
        pltpu.sync_copy(it_hbm, i1)
        compute(1, 1)
        cp = out_copy_to(TBASE, 1)
        cp.start()
        cp.wait()


@jax.jit
def kernel(inp1, inp2):
    idx32 = inp2.reshape(-1).astype(jnp.int32)
    tail_x = lax.slice(inp1, (0, TBASE), (C, N))
    tail_i = lax.slice(idx32, (TBASE,), (N,))
    mesh = plsc.VectorSubcoreMesh(core_axis_name="c", subcore_axis_name="s")
    run = functools.partial(
        pl.kernel,
        mesh=mesh,
        compiler_params=pltpu.CompilerParams(
            use_tc_tiling_on_sc=True, needs_layout_passes=False
        ),
        out_type=jax.ShapeDtypeStruct((N, C), jnp.float32),
        scratch_types=(
            [pltpu.VMEM((C, CH), jnp.float32)] * 4
            + [pltpu.VMEM((CH, C), jnp.float32)] * 2
            + [pltpu.VMEM((CH,), jnp.int32)] * 4
            + [pltpu.VMEM((64, C), jnp.float32)]
            + [pltpu.SemaphoreType.DMA] * 10
        ),
    )(_body)
    return run(inp1, idx32, tail_x, tail_i)

# --- scband reference (transcript-rebuilt; emitter-appended) ---
"""Pipeline reference for scband-model1-87522843560298 (READ-ONLY COPY).

The authoritative reference and input builder live on the scoring server;
editing this copy changes nothing except your own understanding.
"""

import jax, jax.numpy as jnp
import numpy as np


def setup_inputs(seed: int = 0) -> dict:
    key = jax.random.key(seed)
    k1, k2 = jax.random.split(key)
    inp1 = jax.random.normal(k1, (128, 100000), dtype=jnp.float32)
    inp2 = jax.random.randint(k2, (100000, 1), 0, 64, dtype=jnp.int64)
    return {"inp1": inp1, "inp2": inp2}


def reference(inp1, inp2):
    trans = jnp.transpose(inp1, (1, 0))  # [100000, 128]
    idx = jnp.clip(inp2, 0, 63)          # [100000, 1]
    gather = jnp.take(trans, idx, axis=0)  # [100000, 1, 128]
    squeeze = jnp.squeeze(gather, axis=1)  # [100000, 128]
    mul1 = squeeze * squeeze
    mul2 = trans * mul1                    # [100000, 128]
    return mul2

if __name__ == "__main__":
    import jax
    _d = setup_inputs()
    print(jax.jit(kernel)(*tuple(_d.values())))

</pallas_src>

<mosaic_0001>
#map = affine_map<(d0, d1) -> (0, 0)>
#map1 = affine_map<(d0, d1) -> (0)>
module attributes {stable_mosaic.version = 14 : i64} {
  func.func @_body(%arg0: i32, %arg1: i32, %arg2: memref<128x100000xf32, #tpu.memory_space<hbm>>, %arg3: memref<100000xi32, #tpu.memory_space<hbm>>, %arg4: memref<128x128xf32, #tpu.memory_space<hbm>>, %arg5: memref<128xi32, #tpu.memory_space<hbm>>, %arg6: memref<100000x128xf32, #tpu.memory_space<hbm>>, %arg7: memref<128x128xf32, #tpu.memory_space<vmem>>, %arg8: memref<128x128xf32, #tpu.memory_space<vmem>>, %arg9: memref<128x128xf32, #tpu.memory_space<vmem>>, %arg10: memref<128x128xf32, #tpu.memory_space<vmem>>, %arg11: memref<128x128xf32, #tpu.memory_space<vmem>>, %arg12: memref<128x128xf32, #tpu.memory_space<vmem>>, %arg13: memref<128xi32, #tpu.memory_space<vmem>>, %arg14: memref<128xi32, #tpu.memory_space<vmem>>, %arg15: memref<128xi32, #tpu.memory_space<vmem>>, %arg16: memref<128xi32, #tpu.memory_space<vmem>>, %arg17: memref<64x128xf32, #tpu.memory_space<vmem>>, %arg18: memref<!tpu.dma_semaphore, #tpu.memory_space<semaphore_mem>>, %arg19: memref<!tpu.dma_semaphore, #tpu.memory_space<semaphore_mem>>, %arg20: memref<!tpu.dma_semaphore, #tpu.memory_space<semaphore_mem>>, %arg21: memref<!tpu.dma_semaphore, #tpu.memory_space<semaphore_mem>>, %arg22: memref<!tpu.dma_semaphore, #tpu.memory_space<semaphore_mem>>, %arg23: memref<!tpu.dma_semaphore, #tpu.memory_space<semaphore_mem>>, %arg24: memref<!tpu.dma_semaphore, #tpu.memory_space<semaphore_mem>>, %arg25: memref<!tpu.dma_semaphore, #tpu.memory_space<semaphore_mem>>, %arg26: memref<!tpu.dma_semaphore, #tpu.memory_space<semaphore_mem>>, %arg27: memref<!tpu.dma_semaphore, #tpu.memory_space<semaphore_mem>>) attributes {dimension_semantics = [#tpu.dimension_semantics<core_parallel>, #tpu.dimension_semantics<subcore_parallel>], iteration_bounds = array<i64: 2, 16>, scalar_prefetch = 0 : i64, scratch_operands = 21 : i64, tpu.core_type = #tpu.core_type<sc_vector_subcore>, window_params = [{transform_indices = #map}, {transform_indices = #map1}, {transform_indices = #map}, {transform_indices = #map1}, {transform_indices = #map}]} {
    %mul3A = arith.constant 2 : i32
    %mul3A_0 = arith.muli %arg1, %mul3A : i32
    %add3A = arith.addi %mul3A_0, %arg0 : i32
    %mul3A_1 = arith.constant 3200 : i32
    %mul3A_2 = arith.muli %add3A, %mul3A_1 : i32
    %min3A = arith.constant 96768 : i32
    %min3A_3 = arith.minsi %mul3A_2, %min3A : i32
    %iota3A = tpu.iota {dimensions = array<i32: 0>} : vector<16xi32>
    "tpu.region"() ({
      %run_scoped3A = tpu.sem_alloc : memref<!tpu.dma_semaphore, #tpu.memory_space<semaphore_mem>>
      %dma_start3A_78 = arith.constant 0 : i32
      %dma_start3A_79 = arith.constant 0 : i32
      %dma_start3A_80 = tpu.memref_slice %arg2[%dma_start3A_78, %dma_start3A_79] : memref<128x100000xf32, #tpu.memory_space<hbm>> -> memref<128x128xf32, #tpu.memory_space<hbm>>
      %dma_start3A_81 = arith.constant 0 : i32
      %dma_start3A_82 = arith.constant 0 : i32
      %dma_start3A_83 = tpu.memref_slice %arg2[%dma_start3A_81, %dma_start3A_82] : memref<128x100000xf32, #tpu.memory_space<hbm>> -> memref<128x128xf32, #tpu.memory_space<hbm>>
      tpu.enqueue_dma source(%dma_start3A_83 : memref<128x128xf32, #tpu.memory_space<hbm>>) target(%arg7 : memref<128x128xf32, #tpu.memory_space<vmem>>) target_semaphore(%run_scoped3A : memref<!tpu.dma_semaphore, #tpu.memory_space<semaphore_mem>>)
      %dma_wait3A_84 = arith.constant 0 : i32
      %dma_wait3A_85 = arith.constant 0 : i32
      %dma_wait3A_86 = tpu.memref_slice %arg2[%dma_wait3A_84, %dma_wait3A_85] : memref<128x100000xf32, #tpu.memory_space<hbm>> -> memref<128x128xf32, #tpu.memory_space<hbm>>
      %dma_wait3A_87 = arith.constant 0 : i32
      %dma_wait3A_88 = arith.constant 0 : i32
      %dma_wait3A_89 = tpu.memref_slice %arg2[%dma_wait3A_87, %dma_wait3A_88] : memref<128x100000xf32, #tpu.memory_space<hbm>> -> memref<128x128xf32, #tpu.memory_space<hbm>>
      tpu.wait_dma2 semaphore(%run_scoped3A : memref<!tpu.dma_semaphore, #tpu.memory_space<semaphore_mem>>) src(%dma_wait3A_89 : memref<128x128xf32, #tpu.memory_space<hbm>>) dst(%arg7 : memref<128x128xf32, #tpu.memory_space<vmem>>)
      tpu.yield
    }) : () -> ()
    %parallel_loop3A = arith.constant 0 : i32
    %parallel_loop3A_4 = arith.constant 64 : i32
    %parallel_loop3A_5 = arith.constant 1 : i32
    scf.for %parallel_loop3A_78 = %parallel_loop3A to %parallel_loop3A_4 step %parallel_loop3A_5  : i32 {
      %parallel_loop3A_79 = arith.constant -16 : i32
      %parallel_loop3A_80 = arith.andi %parallel_loop3A_78, %parallel_loop3A_79 : i32
      %parallel_loop3A_81 = vector.broadcast %parallel_loop3A_78 : i32 to vector<16xi32>
      %parallel_loop3A_82 = arith.addi %iota3A, %parallel_loop3A_81 : vector<16xi32>
      %parallel_loop3A_83 = arith.constant 15 : i32
      %parallel_loop3A_84 = vector.broadcast %parallel_loop3A_83 : i32 to vector<16xi32>
      %parallel_loop3A_85 = arith.andi %parallel_loop3A_82, %parallel_loop3A_84 : vector<16xi32>
      %parallel_loop3A_86 = vector.broadcast %parallel_loop3A_80 : i32 to vector<16xi32>
      %parallel_loop3A_87 = arith.addi %parallel_loop3A_86, %parallel_loop3A_85 : vector<16xi32>
      %parallel_loop3A_88 = arith.constant 0 : i32
      %parallel_loop3A_89 = vector.broadcast %parallel_loop3A_88 : i32 to vector<16xi32>
      %parallel_loop3A_90 = arith.addi %parallel_loop3A_89, %iota3A : vector<16xi32>
      %parallel_loop3A_91 = tpu.vector_load_idx %arg7[%parallel_loop3A_90, %parallel_loop3A_87] : memref<128x128xf32, #tpu.memory_space<vmem>>[vector<16xi32>, vector<16xi32>], vector<16xf32>,
      %parallel_loop3A_92 = arith.mulf %parallel_loop3A_91, %parallel_loop3A_91 : vector<16xf32>
      tpu.vector_store_idx %arg17[%parallel_loop3A_87, %parallel_loop3A_90], %parallel_loop3A_92 : memref<64x128xf32, #tpu.memory_space<vmem>>[vector<16xi32>, vector<16xi32>], vector<16xf32>,
      %parallel_loop3A_93 = arith.constant 16 : i32
      %parallel_loop3A_94 = vector.broadcast %parallel_loop3A_93 : i32 to vector<16xi32>
      %parallel_loop3A_95 = arith.addi %parallel_loop3A_94, %iota3A : vector<16xi32>
      %parallel_loop3A_96 = tpu.vector_load_idx %arg7[%parallel_loop3A_95, %parallel_loop3A_87] : memref<128x128xf32, #tpu.memory_space<vmem>>[vector<16xi32>, vector<16xi32>], vector<16xf32>,
      %parallel_loop3A_97 = arith.mulf %parallel_loop3A_96, %parallel_loop3A_96 : vector<16xf32>
      tpu.vector_store_idx %arg17[%parallel_loop3A_87, %parallel_loop3A_95], %parallel_loop3A_97 : memref<64x128xf32, #tpu.memory_space<vmem>>[vector<16xi32>, vector<16xi32>], vector<16xf32>,
      %parallel_loop3A_98 = arith.constant 32 : i32
      %parallel_loop3A_99 = vector.broadcast %parallel_loop3A_98 : i32 to vector<16xi32>
      %parallel_loop3A_100 = arith.addi %parallel_loop3A_99, %iota3A : vector<16xi32>
      %parallel_loop3A_101 = tpu.vector_load_idx %arg7[%parallel_loop3A_100, %parallel_loop3A_87] : memref<128x128xf32, #tpu.memory_space<vmem>>[vector<16xi32>, vector<16xi32>], vector<16xf32>,
      %parallel_loop3A_102 = arith.mulf %parallel_loop3A_101, %parallel_loop3A_101 : vector<16xf32>
      tpu.vector_store_idx %arg17[%parallel_loop3A_87, %parallel_loop3A_100], %parallel_loop3A_102 : memref<64x128xf32, #tpu.memory_space<vmem>>[vector<16xi32>, vector<16xi32>], vector<16xf32>,
      %parallel_loop3A_103 = arith.constant 48 : i32
      %parallel_loop3A_104 = vector.broadcast %parallel_loop3A_103 : i32 to vector<16xi32>
      %parallel_loop3A_105 = arith.addi %parallel_loop3A_104, %iota3A : vector<16xi32>
      %parallel_loop3A_106 = tpu.vector_load_idx %arg7[%parallel_loop3A_105, %parallel_loop3A_87] : memref<128x128xf32, #tpu.memory_space<vmem>>[vector<16xi32>, vector<16xi32>], vector<16xf32>,
      %parallel_loop3A_107 = arith.mulf %parallel_loop3A_106, %parallel_loop3A_106 : vector<16xf32>
      tpu.vector_store_idx %arg17[%parallel_loop3A_87, %parallel_loop3A_105], %parallel_loop3A_107 : memref<64x128xf32, #tpu.memory_space<vmem>>[vector<16xi32>, vector<16xi32>], vector<16xf32>,
      %parallel_loop3A_108 = arith.constant 64 : i32
      %parallel_loop3A_109 = vector.broadcast %parallel_loop3A_108 : i32 to vector<16xi32>
      %parallel_loop3A_110 = arith.addi %parallel_loop3A_109, %iota3A : vector<16xi32>
      %parallel_loop3A_111 = tpu.vector_load_idx %arg7[%parallel_loop3A_110, %parallel_loop3A_87] : memref<128x128xf32, #tpu.memory_space<vmem>>[vector<16xi32>, vector<16xi32>], vector<16xf32>,
      %parallel_loop3A_112 = arith.mulf %parallel_loop3A_111, %parallel_loop3A_111 : vector<16xf32>
      tpu.vector_store_idx %arg17[%parallel_loop3A_87, %parallel_loop3A_110], %parallel_loop3A_112 : memref<64x128xf32, #tpu.memory_space<vmem>>[vector<16xi32>, vector<16xi32>], vector<16xf32>,
      %parallel_loop3A_113 = arith.constant 80 : i32
      %parallel_loop3A_114 = vector.broadcast %parallel_loop3A_113 : i32 to vector<16xi32>
      %parallel_loop3A_115 = arith.addi %parallel_loop3A_114, %iota3A : vector<16xi32>
      %parallel_loop3A_116 = tpu.vector_load_idx %arg7[%parallel_loop3A_115, %parallel_loop3A_87] : memref<128x128xf32, #tpu.memory_space<vmem>>[vector<16xi32>, vector<16xi32>], vector<16xf32>,
      %parallel_loop3A_117 = arith.mulf %parallel_loop3A_116, %parallel_loop3A_116 : vector<16xf32>
      tpu.vector_store_idx %arg17[%parallel_loop3A_87, %parallel_loop3A_115], %parallel_loop3A_117 : memref<64x128xf32, #tpu.memory_space<vmem>>[vector<16xi32>, vector<16xi32>], vector<16xf32>,
      %parallel_loop3A_118 = arith.constant 96 : i32
      %parallel_loop3A_119 = vector.broadcast %parallel_loop3A_118 : i32 to vector<16xi32>
      %parallel_loop3A_120 = arith.addi %parallel_loop3A_119, %iota3A : vector<16xi32>
      %parallel_loop3A_121 = tpu.vector_load_idx %arg7[%parallel_loop3A_120, %parallel_loop3A_87] : memref<128x128xf32, #tpu.memory_space<vmem>>[vector<16xi32>, vector<16xi32>], vector<16xf32>,
      %parallel_loop3A_122 = arith.mulf %parallel_loop3A_121, %parallel_loop3A_121 : vector<16xf32>
      tpu.vector_store_idx %arg17[%parallel_loop3A_87, %parallel_loop3A_120], %parallel_loop3A_122 : memref<64x128xf32, #tpu.memory_space<vmem>>[vector<16xi32>, vector<16xi32>], vector<16xf32>,
      %parallel_loop3A_123 = arith.constant 112 : i32
      %parallel_loop3A_124 = vector.broadcast %parallel_loop3A_123 : i32 to vector<16xi32>
      %parallel_loop3A_125 = arith.addi %parallel_loop3A_124, %iota3A : vector<16xi32>
      %parallel_loop3A_126 = tpu.vector_load_idx %arg7[%parallel_loop3A_125, %parallel_loop3A_87] : memref<128x128xf32, #tpu.memory_space<vmem>>[vector<16xi32>, vector<16xi32>], vector<16xf32>,
      %parallel_loop3A_127 = arith.mulf %parallel_loop3A_126, %parallel_loop3A_126 : vector<16xf32>
      tpu.vector_store_idx %arg17[%parallel_loop3A_87, %parallel_loop3A_125], %parallel_loop3A_127 : memref<64x128xf32, #tpu.memory_space<vmem>>[vector<16xi32>, vector<16xi32>], vector<16xf32>,
    } {sc.loop_unroll_factor = 1 : i64, sc.parallel_access}
    %add3A_6 = arith.constant 0 : i32
    %add3A_7 = arith.addi %min3A_3, %add3A_6 : i32
    %dma_start3A = arith.constant 0 : i32
    %dma_start3A_8 = tpu.memref_slice %arg2[%dma_start3A, %add3A_7] : memref<128x100000xf32, #tpu.memory_space<hbm>> -> memref<128x128xf32, #tpu.memory_space<hbm>>
    %dma_start3A_9 = arith.constant 0 : i32
    %dma_start3A_10 = tpu.memref_slice %arg2[%dma_start3A_9, %add3A_7] : memref<128x100000xf32, #tpu.memory_space<hbm>> -> memref<128x128xf32, #tpu.memory_space<hbm>>
    tpu.enqueue_dma source(%dma_start3A_10 : memref<128x128xf32, #tpu.memory_space<hbm>>) target(%arg7 : memref<128x128xf32, #tpu.memory_space<vmem>>) target_semaphore(%arg18 : memref<!tpu.dma_semaphore, #tpu.memory_space<semaphore_mem>>)
    %dma_start3A_11 = tpu.memref_slice %arg3[%add3A_7] : memref<100000xi32, #tpu.memory_space<hbm>> -> memref<128xi32, #tpu.memory_space<hbm>>
    %dma_start3A_12 = tpu.memref_slice %arg3[%add3A_7] : memref<100000xi32, #tpu.memory_space<hbm>> -> memref<128xi32, #tpu.memory_space<hbm>>
    tpu.enqueue_dma source(%dma_start3A_12 : memref<128xi32, #tpu.memory_space<hbm>>) target(%arg13 : memref<128xi32, #tpu.memory_space<vmem>>) target_semaphore(%arg22 : memref<!tpu.dma_semaphore, #tpu.memory_space<semaphore_mem>>)
    %add3A_13 = arith.constant 128 : i32
    %add3A_14 = arith.addi %min3A_3, %add3A_13 : i32
    %dma_start3A_15 = arith.constant 0 : i32
    %dma_start3A_16 = tpu.memref_slice %arg2[%dma_start3A_15, %add3A_14] : memref<128x100000xf32, #tpu.memory_space<hbm>> -> memref<128x128xf32, #tpu.memory_space<hbm>>
    %dma_start3A_17 = arith.constant 0 : i32
    %dma_start3A_18 = tpu.memref_slice %arg2[%dma_start3A_17, %add3A_14] : memref<128x100000xf32, #tpu.memory_space<hbm>> -> memref<128x128xf32, #tpu.memory_space<hbm>>
    tpu.enqueue_dma source(%dma_start3A_18 : memref<128x128xf32, #tpu.memory_space<hbm>>) target(%arg8 : memref<128x128xf32, #tpu.memory_space<vmem>>) target_semaphore(%arg19 : memref<!tpu.dma_semaphore, #tpu.memory_space<semaphore_mem>>)
    %dma_start3A_19 = tpu.memref_slice %arg3[%add3A_14] : memref<100000xi32, #tpu.memory_space<hbm>> -> memref<128xi32, #tpu.memory_space<hbm>>
    %dma_start3A_20 = tpu.memref_slice %arg3[%add3A_14] : memref<100000xi32, #tpu.memory_space<hbm>> -> memref<128xi32, #tpu.memory_space<hbm>>
    tpu.enqueue_dma source(%dma_start3A_20 : memref<128xi32, #tpu.memory_space<hbm>>) target(%arg14 : memref<128xi32, #tpu.memory_space<vmem>>) target_semaphore(%arg23 : memref<!tpu.dma_semaphore, #tpu.memory_space<semaphore_mem>>)
    %add3A_21 = arith.constant 256 : i32
    %add3A_22 = arith.addi %min3A_3, %add3A_21 : i32
    %dma_start3A_23 = arith.constant 0 : i32
    %dma_start3A_24 = tpu.memref_slice %arg2[%dma_start3A_23, %add3A_22] : memref<128x100000xf32, #tpu.memory_space<hbm>> -> memref<128x128xf32, #tpu.memory_space<hbm>>
    %dma_start3A_25 = arith.constant 0 : i32
    %dma_start3A_26 = tpu.memref_slice %arg2[%dma_start3A_25, %add3A_22] : memref<128x100000xf32, #tpu.memory_space<hbm>> -> memref<128x128xf32, #tpu.memory_space<hbm>>
    tpu.enqueue_dma source(%dma_start3A_26 : memref<128x128xf32, #tpu.memory_space<hbm>>) target(%arg9 : memref<128x128xf32, #tpu.memory_space<vmem>>) target_semaphore(%arg20 : memref<!tpu.dma_semaphore, #tpu.memory_space<semaphore_mem>>)
    %dma_start3A_27 = tpu.memref_slice %arg3[%add3A_22] : memref<100000xi32, #tpu.memory_space<hbm>> -> memref<128xi32, #tpu.memory_space<hbm>>
    %dma_start3A_28 = tpu.memref_slice %arg3[%add3A_22] : memref<100000xi32, #tpu.memory_space<hbm>> -> memref<128xi32, #tpu.memory_space<hbm>>
    tpu.enqueue_dma source(%dma_start3A_28 : memref<128xi32, #tpu.memory_space<hbm>>) target(%arg15 : memref<128xi32, #tpu.memory_space<vmem>>) target_semaphore(%arg24 : memref<!tpu.dma_semaphore, #tpu.memory_space<semaphore_mem>>)
    %add3A_29 = arith.constant 384 : i32
    %add3A_30 = arith.addi %min3A_3, %add3A_29 : i32
    %dma_start3A_31 = arith.constant 0 : i32
    %dma_start3A_32 = tpu.memref_slice %arg2[%dma_start3A_31, %add3A_30] : memref<128x100000xf32, #tpu.memory_space<hbm>> -> memref<128x128xf32, #tpu.memory_space<hbm>>
    %dma_start3A_33 = arith.constant 0 : i32
    %dma_start3A_34 = tpu.memref_slice %arg2[%dma_start3A_33, %add3A_30] : memref<128x100000xf32, #tpu.memory_space<hbm>> -> memref<128x128xf32, #tpu.memory_space<hbm>>
    tpu.enqueue_dma source(%dma_start3A_34 : memref<128x128xf32, #tpu.memory_space<hbm>>) target(%arg10 : memref<128x128xf32, #tpu.memory_space<vmem>>) target_semaphore(%arg21 : memref<!tpu.dma_semaphore, #tpu.memory_space<semaphore_mem>>)
    %dma_start3A_35 = tpu.memref_slice %arg3[%add3A_30] : memref<100000xi32, #tpu.memory_space<hbm>> -> memref<128xi32, #tpu.memory_space<hbm>>
    %dma_start3A_36 = tpu.memref_slice %arg3[%add3A_30] : memref<100000xi32, #tpu.memory_space<hbm>> -> memref<128xi32, #tpu.memory_space<hbm>>
    tpu.enqueue_dma source(%dma_start3A_36 : memref<128xi32, #tpu.memory_space<hbm>>) target(%arg16 : memref<128xi32, #tpu.memory_space<vmem>>) target_semaphore(%arg25 : memref<!tpu.dma_semaphore, #tpu.memory_space<semaphore_mem>>)
    %scan3A = arith.constant 0 : i32
    %scan3A_37 = arith.constant 0 : i32
    %scan3A_38 = arith.constant 6 : i32
    %scan3A_39 = arith.addi %scan3A_37, %scan3A_38 : i32
    %scan3A_40 = arith.constant 1 : i32
    scf.for %scan3A_78 = %scan3A_37 to %scan3A_39 step %scan3A_40  : i32 {
      %mul3A_79 = arith.constant 4 : i32
      %mul3A_80 = arith.muli %mul3A_79, %scan3A_78 : i32
      %add3A_81 = arith.constant 0 : i32
      %add3A_82 = arith.addi %mul3A_80, %add3A_81 : i32
      %mul3A_83 = arith.constant 128 : i32
      %mul3A_84 = arith.muli %add3A_82, %mul3A_83 : i32
      %add3A_85 = arith.addi %min3A_3, %mul3A_84 : i32
      %dma_wait3A_86 = arith.constant 0 : i32
      %dma_wait3A_87 = tpu.memref_slice %arg2[%dma_wait3A_86, %add3A_85] : memref<128x100000xf32, #tpu.memory_space<hbm>> -> memref<128x128xf32, #tpu.memory_space<hbm>>
      %dma_wait3A_88 = arith.constant 0 : i32
      %dma_wait3A_89 = tpu.memref_slice %arg2[%dma_wait3A_88, %add3A_85] : memref<128x100000xf32, #tpu.memory_space<hbm>> -> memref<128x128xf32, #tpu.memory_space<hbm>>
      tpu.wait_dma2 semaphore(%arg18 : memref<!tpu.dma_semaphore, #tpu.memory_space<semaphore_mem>>) src(%dma_wait3A_89 : memref<128x128xf32, #tpu.memory_space<hbm>>) dst(%arg7 : memref<128x128xf32, #tpu.memory_space<vmem>>)
      %dma_wait3A_90 = tpu.memref_slice %arg3[%add3A_85] : memref<100000xi32, #tpu.memory_space<hbm>> -> memref<128xi32, #tpu.memory_space<hbm>>
      %dma_wait3A_91 = tpu.memref_slice %arg3[%add3A_85] : memref<100000xi32, #tpu.memory_space<hbm>> -> memref<128xi32, #tpu.memory_space<hbm>>
      tpu.wait_dma2 semaphore(%arg22 : memref<!tpu.dma_semaphore, #tpu.memory_space<semaphore_mem>>) src(%dma_wait3A_91 : memref<128xi32, #tpu.memory_space<hbm>>) dst(%arg13 : memref<128xi32, #tpu.memory_space<vmem>>)
      %ge3A = arith.constant 2 : i32
      %ge3A_92 = arith.cmpi sge, %add3A_82, %ge3A : i32
      %convert_element_type3A_93 = arith.extui %ge3A_92 : i1 to i32
      %cond3A_94 = arith.constant 0 : i32
      %cond3A_95 = arith.cmpi ne, %convert_element_type3A_93, %cond3A_94 : i32
      scf.if %cond3A_95 {
        %sub3A = arith.constant 2 : i32
        %sub3A_217 = arith.subi %add3A_82, %sub3A : i32
        %mul3A_218 = arith.constant 128 : i32
        %mul3A_219 = arith.muli %sub3A_217, %mul3A_218 : i32
        %add3A_220 = arith.addi %min3A_3, %mul3A_219 : i32
        %dma_wait3A_221 = arith.constant 0 : i32
        %dma_wait3A_222 = tpu.memref_slice %arg6[%add3A_220, %dma_wait3A_221] : memref<100000x128xf32, #tpu.memory_space<hbm>> -> memref<128x128xf32, #tpu.memory_space<hbm>>
        %dma_wait3A_223 = arith.constant 0 : i32
        %dma_wait3A_224 = tpu.memref_slice %arg6[%add3A_220, %dma_wait3A_223] : memref<100000x128xf32, #tpu.memory_space<hbm>> -> memref<128x128xf32, #tpu.memory_space<hbm>>
        tpu.wait_dma2 semaphore(%arg26 : memref<!tpu.dma_semaphore, #tpu.memory_space<semaphore_mem>>) src(%arg11 : memref<128x128xf32, #tpu.memory_space<vmem>>) dst(%dma_wait3A_224 : memref<128x128xf32, #tpu.memory_space<hbm>>)
      } else {
      }
      %parallel_loop3A_96 = arith.constant 0 : i32
      %parallel_loop3A_97 = arith.constant 128 : i32
      %parallel_loop3A_98 = arith.constant 1 : i32
      scf.for %parallel_loop3A_217 = %parallel_loop3A_96 to %parallel_loop3A_97 step %parallel_loop3A_98  : i32 {
        %parallel_loop3A_218 = arith.constant -16 : i32
        %parallel_loop3A_219 = arith.andi %parallel_loop3A_217, %parallel_loop3A_218 : i32
        %parallel_loop3A_220 = vector.broadcast %parallel_loop3A_217 : i32 to vector<16xi32>
        %parallel_loop3A_221 = arith.addi %iota3A, %parallel_loop3A_220 : vector<16xi32>
        %parallel_loop3A_222 = arith.constant 15 : i32
        %parallel_loop3A_223 = vector.broadcast %parallel_loop3A_222 : i32 to vector<16xi32>
        %parallel_loop3A_224 = arith.andi %parallel_loop3A_221, %parallel_loop3A_223 : vector<16xi32>
        %parallel_loop3A_225 = vector.broadcast %parallel_loop3A_219 : i32 to vector<16xi32>
        %parallel_loop3A_226 = arith.addi %parallel_loop3A_225, %parallel_loop3A_224 : vector<16xi32>
        %parallel_loop3A_227 = tpu.vector_load_idx %arg13[%parallel_loop3A_226] : memref<128xi32, #tpu.memory_space<vmem>>[vector<16xi32>], vector<16xi32>,
        %parallel_loop3A_228 = arith.constant 0 : i32
        %parallel_loop3A_229 = arith.constant 63 : i32
        %parallel_loop3A_230 = vector.broadcast %parallel_loop3A_228 : i32 to vector<16xi32>
        %parallel_loop3A_231 = arith.maxsi %parallel_loop3A_230, %parallel_loop3A_227 : vector<16xi32>
        %parallel_loop3A_232 = vector.broadcast %parallel_loop3A_229 : i32 to vector<16xi32>
        %parallel_loop3A_233 = arith.minsi %parallel_loop3A_232, %parallel_loop3A_231 : vector<16xi32>
        %parallel_loop3A_234 = arith.constant 0 : i32
        %parallel_loop3A_235 = vector.broadcast %parallel_loop3A_234 : i32 to vector<16xi32>
        %parallel_loop3A_236 = arith.addi %parallel_loop3A_235, %iota3A : vector<16xi32>
        %parallel_loop3A_237 = tpu.vector_load_idx %arg7[%parallel_loop3A_236, %parallel_loop3A_226] : memref<128x128xf32, #tpu.memory_space<vmem>>[vector<16xi32>, vector<16xi32>], vector<16xf32>,
        %parallel_loop3A_238 = tpu.vector_load_idx %arg17[%parallel_loop3A_233, %parallel_loop3A_236] : memref<64x128xf32, #tpu.memory_space<vmem>>[vector<16xi32>, vector<16xi32>], vector<16xf32>,
        %parallel_loop3A_239 = arith.mulf %parallel_loop3A_237, %parallel_loop3A_238 : vector<16xf32>
        tpu.vector_store_idx %arg11[%parallel_loop3A_226, %parallel_loop3A_236], %parallel_loop3A_239 : memref<128x128xf32, #tpu.memory_space<vmem>>[vector<16xi32>, vector<16xi32>], vector<16xf32>,
        %parallel_loop3A_240 = arith.constant 16 : i32
        %parallel_loop3A_241 = vector.broadcast %parallel_loop3A_240 : i32 to vector<16xi32>
        %parallel_loop3A_242 = arith.addi %parallel_loop3A_241, %iota3A : vector<16xi32>
        %parallel_loop3A_243 = tpu.vector_load_idx %arg7[%parallel_loop3A_242, %parallel_loop3A_226] : memref<128x128xf32, #tpu.memory_space<vmem>>[vector<16xi32>, vector<16xi32>], vector<16xf32>,
        %parallel_loop3A_244 = tpu.vector_load_idx %arg17[%parallel_loop3A_233, %parallel_loop3A_242] : memref<64x128xf32, #tpu.memory_space<vmem>>[vector<16xi32>, vector<16xi32>], vector<16xf32>,
        %parallel_loop3A_245 = arith.mulf %parallel_loop3A_243, %parallel_loop3A_244 : vector<16xf32>
        tpu.vector_store_idx %arg11[%parallel_loop3A_226, %parallel_loop3A_242], %parallel_loop3A_245 : memref<128x128xf32, #tpu.memory_space<vmem>>[vector<16xi32>, vector<16xi32>], vector<16xf32>,
        %parallel_loop3A_246 = arith.constant 32 : i32
        %parallel_loop3A_247 = vector.broadcast %parallel_loop3A_246 : i32 to vector<16xi32>
        %parallel_loop3A_248 = arith.addi %parallel_loop3A_247, %iota3A : vector<16xi32>
        %parallel_loop3A_249 = tpu.vector_load_idx %arg7[%parallel_loop3A_248, %parallel_loop3A_226] : memref<128x128xf32, #tpu.memory_space<vmem>>[vector<16xi32>, vector<16xi32>], vector<16xf32>,
        %parallel_loop3A_250 = tpu.vector_load_idx %arg17[%parallel_loop3A_233, %parallel_loop3A_248] : memref<64x128xf32, #tpu.memory_space<vmem>>[vector<16xi32>, vector<16xi32>], vector<16xf32>,
        %parallel_loop3A_251 = arith.mulf %parallel_loop3A_249, %parallel_loop3A_250 : vector<16xf32>
        tpu.vector_store_idx %arg11[%parallel_loop3A_226, %parallel_loop3A_248], %parallel_loop3A_251 : memref<128x128xf32, #tpu.memory_space<vmem>>[vector<16xi32>, vector<16xi32>], vector<16xf32>,
        %parallel_loop3A_252 = arith.constant 48 : i32
        %parallel_loop3A_253 = vector.broadcast %parallel_loop3A_252 : i32 to vector<16xi32>
        %parallel_loop3A_254 = arith.addi %parallel_loop3A_253, %iota3A : vector<16xi32>
        %parallel_loop3A_255 = tpu.vector_load_idx %arg7[%parallel_loop3A_254, %parallel_loop3A_226] : memref<128x128xf32, #tpu.memory_space<vmem>>[vector<16xi32>, vector<16xi32>], vector<16xf32>,
        %parallel_loop3A_256 = tpu.vector_load_idx %arg17[%parallel_loop3A_233, %parallel_loop3A_254] : memref<64x128xf32, #tpu.memory_space<vmem>>[vector<16xi32>, vector<16xi32>], vector<16xf32>,
        %parallel_loop3A_257 = arith.mulf %parallel_loop3A_255, %parallel_loop3A_256 : vector<16xf32>
        tpu.vector_store_idx %arg11[%parallel_loop3A_226, %parallel_loop3A_254], %parallel_loop3A_257 : memref<128x128xf32, #tpu.memory_space<vmem>>[vector<16xi32>, vector<16xi32>], vector<16xf32>,
        %parallel_loop3A_258 = arith.constant 64 : i32
        %parallel_loop3A_259 = vector.broadcast %parallel_loop3A_258 : i32 to vector<16xi32>
        %parallel_loop3A_260 = arith.addi %parallel_loop3A_259, %iota3A : vector<16xi32>
        %parallel_loop3A_261 = tpu.vector_load_idx %arg7[%parallel_loop3A_260, %parallel_loop3A_226] : memref<128x128xf32, #tpu.memory_space<vmem>>[vector<16xi32>, vector<16xi32>], vector<16xf32>,
        %parallel_loop3A_262 = tpu.vector_load_idx %arg17[%parallel_loop3A_233, %parallel_loop3A_260] : memref<64x128xf32, #tpu.memory_space<vmem>>[vector<16xi32>, vector<16xi32>], vector<16xf32>,
        %parallel_loop3A_263 = arith.mulf %parallel_loop3A_261, %parallel_loop3A_262 : vector<16xf32>
        tpu.vector_store_idx %arg11[%parallel_loop3A_226, %parallel_loop3A_260], %parallel_loop3A_263 : memref<128x128xf32, #tpu.memory_space<vmem>>[vector<16xi32>, vector<16xi32>], vector<16xf32>,
        %parallel_loop3A_264 = arith.constant 80 : i32
        %parallel_loop3A_265 = vector.broadcast %parallel_loop3A_264 : i32 to vector<16xi32>
        %parallel_loop3A_266 = arith.addi %parallel_loop3A_265, %iota3A : vector<16xi32>
        %parallel_loop3A_267 = tpu.vector_load_idx %arg7[%parallel_loop3A_266, %parallel_loop3A_226] : memref<128x128xf32, #tpu.memory_space<vmem>>[vector<16xi32>, vector<16xi32>], vector<16xf32>,
        %parallel_loop3A_268 = tpu.vector_load_idx %arg17[%parallel_loop3A_233, %parallel_loop3A_266] : memref<64x128xf32, #tpu.memory_space<vmem>>[vector<16xi32>, vector<16xi32>], vector<16xf32>,
        %parallel_loop3A_269 = arith.mulf %parallel_loop3A_267, %parallel_loop3A_268 : vector<16xf32>
        tpu.vector_store_idx %arg11[%parallel_loop3A_226, %parallel_loop3A_266], %parallel_loop3A_269 : memref<128x128xf32, #tpu.memory_space<vmem>>[vector<16xi32>, vector<16xi32>], vector<16xf32>,
        %parallel_loop3A_270 = arith.constant 96 : i32
        %parallel_loop3A_271 = vector.broadcast %parallel_loop3A_270 : i32 to vector<16xi32>
        %parallel_loop3A_272 = arith.addi %parallel_loop3A_271, %iota3A : vector<16xi32>
        %parallel_loop3A_273 = tpu.vector_load_idx %arg7[%parallel_loop3A_272, %parallel_loop3A_226] : memref<128x128xf32, #tpu.memory_space<vmem>>[vector<16xi32>, vector<16xi32>], vector<16xf32>,
        %parallel_loop3A_274 = tpu.vector_load_idx %arg17[%parallel_loop3A_233, %parallel_loop3A_272] : memref<64x128xf32, #tpu.memory_space<vmem>>[vector<16xi32>, vector<16xi32>], vector<16xf32>,
        %parallel_loop3A_275 = arith.mulf %parallel_loop3A_273, %parallel_loop3A_274 : vector<16xf32>
        tpu.vector_store_idx %arg11[%parallel_loop3A_226, %parallel_loop3A_272], %parallel_loop3A_275 : memref<128x128xf32, #tpu.memory_space<vmem>>[vector<16xi32>, vector<16xi32>], vector<16xf32>,
        %parallel_loop3A_276 = arith.constant 112 : i32
        %parallel_loop3A_277 = vector.broadcast %parallel_loop3A_276 : i32 to vector<16xi32>
        %parallel_loop3A_278 = arith.addi %parallel_loop3A_277, %iota3A : vector<16xi32>
        %parallel_loop3A_279 = tpu.vector_load_idx %arg7[%parallel_loop3A_278, %parallel_loop3A_226] : memref<128x128xf32, #tpu.memory_space<vmem>>[vector<16xi32>, vector<16xi32>], vector<16xf32>,
        %parallel_loop3A_280 = tpu.vector_load_idx %arg17[%parallel_loop3A_233, %parallel_loop3A_278] : memref<64x128xf32, #tpu.memory_space<vmem>>[vector<16xi32>, vector<16xi32>], vector<16xf32>,
        %parallel_loop3A_281 = arith.mulf %parallel_loop3A_279, %parallel_loop3A_280 : vector<16xf32>
        tpu.vector_store_idx %arg11[%parallel_loop3A_226, %parallel_loop3A_278], %parallel_loop3A_281 : memref<128x128xf32, #tpu.memory_space<vmem>>[vector<16xi32>, vector<16xi32>], vector<16xf32>,
      } {sc.loop_unroll_factor = 2 : i64, sc.parallel_access}
      %mul3A_99 = arith.constant 128 : i32
      %mul3A_100 = arith.muli %add3A_82, %mul3A_99 : i32
      %add3A_101 = arith.addi %min3A_3, %mul3A_100 : i32
      %dma_start3A_102 = arith.constant 0 : i32
      %dma_start3A_103 = tpu.memref_slice %arg6[%add3A_101, %dma_start3A_102] : memref<100000x128xf32, #tpu.memory_space<hbm>> -> memref<128x128xf32, #tpu.memory_space<hbm>>
      %dma_start3A_104 = arith.constant 0 : i32
      %dma_start3A_105 = tpu.memref_slice %arg6[%add3A_101, %dma_start3A_104] : memref<100000x128xf32, #tpu.memory_space<hbm>> -> memref<128x128xf32, #tpu.memory_space<hbm>>
      tpu.enqueue_dma source(%arg11 : memref<128x128xf32, #tpu.memory_space<vmem>>) target(%dma_start3A_105 : memref<128x128xf32, #tpu.memory_space<hbm>>) target_semaphore(%arg26 : memref<!tpu.dma_semaphore, #tpu.memory_space<semaphore_mem>>)
      %add3A_106 = arith.constant 4 : i32
      %add3A_107 = arith.addi %add3A_82, %add3A_106 : i32
      %lt3A = arith.constant 25 : i32
      %lt3A_108 = arith.cmpi slt, %add3A_107, %lt3A : i32
      %convert_element_type3A_109 = arith.extui %lt3A_108 : i1 to i32
      %cond3A_110 = arith.constant 0 : i32
      %cond3A_111 = arith.cmpi ne, %convert_element_type3A_109, %cond3A_110 : i32
      scf.if %cond3A_111 {
        %add3A_217 = arith.constant 4 : i32
        %add3A_218 = arith.addi %add3A_82, %add3A_217 : i32
        %mul3A_219 = arith.constant 128 : i32
        %mul3A_220 = arith.muli %add3A_218, %mul3A_219 : i32
        %add3A_221 = arith.addi %min3A_3, %mul3A_220 : i32
        %dma_start3A_222 = arith.constant 0 : i32
        %dma_start3A_223 = tpu.memref_slice %arg2[%dma_start3A_222, %add3A_221] : memref<128x100000xf32, #tpu.memory_space<hbm>> -> memref<128x128xf32, #tpu.memory_space<hbm>>
        %dma_start3A_224 = arith.constant 0 : i32
        %dma_start3A_225 = tpu.memref_slice %arg2[%dma_start3A_224, %add3A_221] : memref<128x100000xf32, #tpu.memory_space<hbm>> -> memref<128x128xf32, #tpu.memory_space<hbm>>
        tpu.enqueue_dma source(%dma_start3A_225 : memref<128x128xf32, #tpu.memory_space<hbm>>) target(%arg7 : memref<128x128xf32, #tpu.memory_space<vmem>>) target_semaphore(%arg18 : memref<!tpu.dma_semaphore, #tpu.memory_space<semaphore_mem>>)
        %dma_start3A_226 = tpu.memref_slice %arg3[%add3A_221] : memref<100000xi32, #tpu.memory_space<hbm>> -> memref<128xi32, #tpu.memory_space<hbm>>
        %dma_start3A_227 = tpu.memref_slice %arg3[%add3A_221] : memref<100000xi32, #tpu.memory_space<hbm>> -> memref<128xi32, #tpu.memory_space<hbm>>
        tpu.enqueue_dma source(%dma_start3A_227 : memref<128xi32, #tpu.memory_space<hbm>>) target(%arg13 : memref<128xi32, #tpu.memory_space<vmem>>) target_semaphore(%arg22 : memref<!tpu.dma_semaphore, #tpu.memory_space<semaphore_mem>>)
      } else {
      }
      %mul3A_112 = arith.constant 4 : i32
      %mul3A_113 = arith.muli %mul3A_112, %scan3A_78 : i32
      %add3A_114 = arith.constant 1 : i32
      %add3A_115 = arith.addi %mul3A_113, %add3A_114 : i32
      %mul3A_116 = arith.constant 128 : i32
      %mul3A_117 = arith.muli %add3A_115, %mul3A_116 : i32
      %add3A_118 = arith.addi %min3A_3, %mul3A_117 : i32
      %dma_wait3A_119 = arith.constant 0 : i32
      %dma_wait3A_120 = tpu.memref_slice %arg2[%dma_wait3A_119, %add3A_118] : memref<128x100000xf32, #tpu.memory_space<hbm>> -> memref<128x128xf32, #tpu.memory_space<hbm>>
      %dma_wait3A_121 = arith.constant 0 : i32
      %dma_wait3A_122 = tpu.memref_slice %arg2[%dma_wait3A_121, %add3A_118] : memref<128x100000xf32, #tpu.memory_space<hbm>> -> memref<128x128xf32, #tpu.memory_space<hbm>>
      tpu.wait_dma2 semaphore(%arg19 : memref<!tpu.dma_semaphore, #tpu.memory_space<semaphore_mem>>) src(%dma_wait3A_122 : memref<128x128xf32, #tpu.memory_space<hbm>>) dst(%arg8 : memref<128x128xf32, #tpu.memory_space<vmem>>)
      %dma_wait3A_123 = tpu.memref_slice %arg3[%add3A_118] : memref<100000xi32, #tpu.memory_space<hbm>> -> memref<128xi32, #tpu.memory_space<hbm>>
      %dma_wait3A_124 = tpu.memref_slice %arg3[%add3A_118] : memref<100000xi32, #tpu.memory_space<hbm>> -> memref<128xi32, #tpu.memory_space<hbm>>
      tpu.wait_dma2 semaphore(%arg23 : memref<!tpu.dma_semaphore, #tpu.memory_space<semaphore_mem>>) src(%dma_wait3A_124 : memref<128xi32, #tpu.memory_space<hbm>>) dst(%arg14 : memref<128xi32, #tpu.memory_space<vmem>>)
      %ge3A_125 = arith.constant 2 : i32
      %ge3A_126 = arith.cmpi sge, %add3A_115, %ge3A_125 : i32
      %convert_element_type3A_127 = arith.extui %ge3A_126 : i1 to i32
      %cond3A_128 = arith.constant 0 : i32
      %cond3A_129 = arith.cmpi ne, %convert_element_type3A_127, %cond3A_128 : i32
      scf.if %cond3A_129 {
        %sub3A = arith.constant 2 : i32
        %sub3A_217 = arith.subi %add3A_115, %sub3A : i32
        %mul3A_218 = arith.constant 128 : i32
        %mul3A_219 = arith.muli %sub3A_217, %mul3A_218 : i32
        %add3A_220 = arith.addi %min3A_3, %mul3A_219 : i32
        %dma_wait3A_221 = arith.constant 0 : i32
        %dma_wait3A_222 = tpu.memref_slice %arg6[%add3A_220, %dma_wait3A_221] : memref<100000x128xf32, #tpu.memory_space<hbm>> -> memref<128x128xf32, #tpu.memory_space<hbm>>
        %dma_wait3A_223 = arith.constant 0 : i32
        %dma_wait3A_224 = tpu.memref_slice %arg6[%add3A_220, %dma_wait3A_223] : memref<100000x128xf32, #tpu.memory_space<hbm>> -> memref<128x128xf32, #tpu.memory_space<hbm>>
        tpu.wait_dma2 semaphore(%arg27 : memref<!tpu.dma_semaphore, #tpu.memory_space<semaphore_mem>>) src(%arg12 : memref<128x128xf32, #tpu.memory_space<vmem>>) dst(%dma_wait3A_224 : memref<128x128xf32, #tpu.memory_space<hbm>>)
      } else {
      }
      %parallel_loop3A_130 = arith.constant 0 : i32
      %parallel_loop3A_131 = arith.constant 128 : i32
      %parallel_loop3A_132 = arith.constant 1 : i32
      scf.for %parallel_loop3A_217 = %parallel_loop3A_130 to %parallel_loop3A_131 step %parallel_loop3A_132  : i32 {
        %parallel_loop3A_218 = arith.constant -16 : i32
        %parallel_loop3A_219 = arith.andi %parallel_loop3A_217, %parallel_loop3A_218 : i32
        %parallel_loop3A_220 = vector.broadcast %parallel_loop3A_217 : i32 to vector<16xi32>
        %parallel_loop3A_221 = arith.addi %iota3A, %parallel_loop3A_220 : vector<16xi32>
        %parallel_loop3A_222 = arith.constant 15 : i32
        %parallel_loop3A_223 = vector.broadcast %parallel_loop3A_222 : i32 to vector<16xi32>
        %parallel_loop3A_224 = arith.andi %parallel_loop3A_221, %parallel_loop3A_223 : vector<16xi32>
        %parallel_loop3A_225 = vector.broadcast %parallel_loop3A_219 : i32 to vector<16xi32>
        %parallel_loop3A_226 = arith.addi %parallel_loop3A_225, %parallel_loop3A_224 : vector<16xi32>
        %parallel_loop3A_227 = tpu.vector_load_idx %arg14[%parallel_loop3A_226] : memref<128xi32, #tpu.memory_space<vmem>>[vector<16xi32>], vector<16xi32>,
        %parallel_loop3A_228 = arith.constant 0 : i32
        %parallel_loop3A_229 = arith.constant 63 : i32
        %parallel_loop3A_230 = vector.broadcast %parallel_loop3A_228 : i32 to vector<16xi32>
        %parallel_loop3A_231 = arith.maxsi %parallel_loop3A_230, %parallel_loop3A_227 : vector<16xi32>
        %parallel_loop3A_232 = vector.broadcast %parallel_loop3A_229 : i32 to vector<16xi32>
        %parallel_loop3A_233 = arith.minsi %parallel_loop3A_232, %parallel_loop3A_231 : vector<16xi32>
        %parallel_loop3A_234 = arith.constant 0 : i32
        %parallel_loop3A_235 = vector.broadcast %parallel_loop3A_234 : i32 to vector<16xi32>
        %parallel_loop3A_236 = arith.addi %parallel_loop3A_235, %iota3A : vector<16xi32>
        %parallel_loop3A_237 = tpu.vector_load_idx %arg8[%parallel_loop3A_236, %parallel_loop3A_226] : memref<128x128xf32, #tpu.memory_space<vmem>>[vector<16xi32>, vector<16xi32>], vector<16xf32>,
        %parallel_loop3A_238 = tpu.vector_load_idx %arg17[%parallel_loop3A_233, %parallel_loop3A_236] : memref<64x128xf32, #tpu.memory_space<vmem>>[vector<16xi32>, vector<16xi32>], vector<16xf32>,
        %parallel_loop3A_239 = arith.mulf %parallel_loop3A_237, %parallel_loop3A_238 : vector<16xf32>
        tpu.vector_store_idx %arg12[%parallel_loop3A_226, %parallel_loop3A_236], %parallel_loop3A_239 : memref<128x128xf32, #tpu.memory_space<vmem>>[vector<16xi32>, vector<16xi32>], vector<16xf32>,
        %parallel_loop3A_240 = arith.constant 16 : i32
        %parallel_loop3A_241 = vector.broadcast %parallel_loop3A_240 : i32 to vector<16xi32>
        %parallel_loop3A_242 = arith.addi %parallel_loop3A_241, %iota3A : vector<16xi32>
        %parallel_loop3A_243 = tpu.vector_load_idx %arg8[%parallel_loop3A_242, %parallel_loop3A_226] : memref<128x128xf32, #tpu.memory_space<vmem>>[vector<16xi32>, vector<16xi32>], vector<16xf32>,
        %parallel_loop3A_244 = tpu.vector_load_idx %arg17[%parallel_loop3A_233, %parallel_loop3A_242] : memref<64x128xf32, #tpu.memory_space<vmem>>[vector<16xi32>, vector<16xi32>], vector<16xf32>,
        %parallel_loop3A_245 = arith.mulf %parallel_loop3A_243, %parallel_loop3A_244 : vector<16xf32>
        tpu.vector_store_idx %arg12[%parallel_loop3A_226, %parallel_loop3A_242], %parallel_loop3A_245 : memref<128x128xf32, #tpu.memory_space<vmem>>[vector<16xi32>, vector<16xi32>], vector<16xf32>,
        %parallel_loop3A_246 = arith.constant 32 : i32
        %parallel_loop3A_247 = vector.broadcast %parallel_loop3A_246 : i32 to vector<16xi32>
        %parallel_loop3A_248 = arith.addi %parallel_loop3A_247, %iota3A : vector<16xi32>
        %parallel_loop3A_249 = tpu.vector_load_idx %arg8[%parallel_loop3A_248, %parallel_loop3A_226] : memref<128x128xf32, #tpu.memory_space<vmem>>[vector<16xi32>, vector<16xi32>], vector<16xf32>,
        %parallel_loop3A_250 = tpu.vector_load_idx %arg17[%parallel_loop3A_233, %parallel_loop3A_248] : memref<64x128xf32, #tpu.memory_space<vmem>>[vector<16xi32>, vector<16xi32>], vector<16xf32>,
        %parallel_loop3A_251 = arith.mulf %parallel_loop3A_249, %parallel_loop3A_250 : vector<16xf32>
        tpu.vector_store_idx %arg12[%parallel_loop3A_226, %parallel_loop3A_248], %parallel_loop3A_251 : memref<128x128xf32, #tpu.memory_space<vmem>>[vector<16xi32>, vector<16xi32>], vector<16xf32>,
        %parallel_loop3A_252 = arith.constant 48 : i32
        %parallel_loop3A_253 = vector.broadcast %parallel_loop3A_252 : i32 to vector<16xi32>
        %parallel_loop3A_254 = arith.addi %parallel_loop3A_253, %iota3A : vector<16xi32>
        %parallel_loop3A_255 = tpu.vector_load_idx %arg8[%parallel_loop3A_254, %parallel_loop3A_226] : memref<128x128xf32, #tpu.memory_space<vmem>>[vector<16xi32>, vector<16xi32>], vector<16xf32>,
        %parallel_loop3A_256 = tpu.vector_load_idx %arg17[%parallel_loop3A_233, %parallel_loop3A_254] : memref<64x128xf32, #tpu.memory_space<vmem>>[vector<16xi32>, vector<16xi32>], vector<16xf32>,
        %parallel_loop3A_257 = arith.mulf %parallel_loop3A_255, %parallel_loop3A_256 : vector<16xf32>
        tpu.vector_store_idx %arg12[%parallel_loop3A_226, %parallel_loop3A_254], %parallel_loop3A_257 : memref<128x128xf32, #tpu.memory_space<vmem>>[vector<16xi32>, vector<16xi32>], vector<16xf32>,
        %parallel_loop3A_258 = arith.constant 64 : i32
        %parallel_loop3A_259 = vector.broadcast %parallel_loop3A_258 : i32 to vector<16xi32>
        %parallel_loop3A_260 = arith.addi %parallel_loop3A_259, %iota3A : vector<16xi32>
        %parallel_loop3A_261 = tpu.vector_load_idx %arg8[%parallel_loop3A_260, %parallel_loop3A_226] : memref<128x128xf32, #tpu.memory_space<vmem>>[vector<16xi32>, vector<16xi32>], vector<16xf32>,
        %parallel_loop3A_262 = tpu.vector_load_idx %arg17[%parallel_loop3A_233, %parallel_loop3A_260] : memref<64x128xf32, #tpu.memory_space<vmem>>[vector<16xi32>, vector<16xi32>], vector<16xf32>,
        %parallel_loop3A_263 = arith.mulf %parallel_loop3A_261, %parallel_loop3A_262 : vector<16xf32>
        tpu.vector_store_idx %arg12[%parallel_loop3A_226, %parallel_loop3A_260], %parallel_loop3A_263 : memref<128x128xf32, #tpu.memory_space<vmem>>[vector<16xi32>, vector<16xi32>], vector<16xf32>,
        %parallel_loop3A_264 = arith.constant 80 : i32
        %parallel_loop3A_265 = vector.broadcast %parallel_loop3A_264 : i32 to vector<16xi32>
        %parallel_loop3A_266 = arith.addi %parallel_loop3A_265, %iota3A : vector<16xi32>
        %parallel_loop3A_267 = tpu.vector_load_idx %arg8[%parallel_loop3A_266, %parallel_loop3A_226] : memref<128x128xf32, #tpu.memory_space<vmem>>[vector<16xi32>, vector<16xi32>], vector<16xf32>,
        %parallel_loop3A_268 = tpu.vector_load_idx %arg17[%parallel_loop3A_233, %parallel_loop3A_266] : memref<64x128xf32, #tpu.memory_space<vmem>>[vector<16xi32>, vector<16xi32>], vector<16xf32>,
        %parallel_loop3A_269 = arith.mulf %parallel_loop3A_267, %parallel_loop3A_268 : vector<16xf32>
        tpu.vector_store_idx %arg12[%parallel_loop3A_226, %parallel_loop3A_266], %parallel_loop3A_269 : memref<128x128xf32, #tpu.memory_space<vmem>>[vector<16xi32>, vector<16xi32>], vector<16xf32>,
        %parallel_loop3A_270 = arith.constant 96 : i32
        %parallel_loop3A_271 = vector.broadcast %parallel_loop3A_270 : i32 to vector<16xi32>
        %parallel_loop3A_272 = arith.addi %parallel_loop3A_271, %iota3A : vector<16xi32>
        %parallel_loop3A_273 = tpu.vector_load_idx %arg8[%parallel_loop3A_272, %parallel_loop3A_226] : memref<128x128xf32, #tpu.memory_space<vmem>>[vector<16xi32>, vector<16xi32>], vector<16xf32>,
        %parallel_loop3A_274 = tpu.vector_load_idx %arg17[%parallel_loop3A_233, %parallel_loop3A_272] : memref<64x128xf32, #tpu.memory_space<vmem>>[vector<16xi32>, vector<16xi32>], vector<16xf32>,
        %parallel_loop3A_275 = arith.mulf %parallel_loop3A_273, %parallel_loop3A_274 : vector<16xf32>
        tpu.vector_store_idx %arg12[%parallel_loop3A_226, %parallel_loop3A_272], %parallel_loop3A_275 : memref<128x128xf32, #tpu.memory_space<vmem>>[vector<16xi32>, vector<16xi32>], vector<16xf32>,
        %parallel_loop3A_276 = arith.constant 112 : i32
        %parallel_loop3A_277 = vector.broadcast %parallel_loop3A_276 : i32 to vector<16xi32>
        %parallel_loop3A_278 = arith.addi %parallel_loop3A_277, %iota3A : vector<16xi32>
        %parallel_loop3A_279 = tpu.vector_load_idx %arg8[%parallel_loop3A_278, %parallel_loop3A_226] : memref<128x128xf32, #tpu.memory_space<vmem>>[vector<16xi32>, vector<16xi32>], vector<16xf32>,
        %parallel_loop3A_280 = tpu.vector_load_idx %arg17[%parallel_loop3A_233, %parallel_loop3A_278] : memref<64x128xf32, #tpu.memory_space<vmem>>[vector<16xi32>, vector<16xi32>], vector<16xf32>,
        %parallel_loop3A_281 = arith.mulf %parallel_loop3A_279, %parallel_loop3A_280 : vector<16xf32>
        tpu.vector_store_idx %arg12[%parallel_loop3A_226, %parallel_loop3A_278], %parallel_loop3A_281 : memref<128x128xf32, #tpu.memory_space<vmem>>[vector<16xi32>, vector<16xi32>], vector<16xf32>,
      } {sc.loop_unroll_factor = 2 : i64, sc.parallel_access}
      %mul3A_133 = arith.constant 128 : i32
      %mul3A_134 = arith.muli %add3A_115, %mul3A_133 : i32
      %add3A_135 = arith.addi %min3A_3, %mul3A_134 : i32
      %dma_start3A_136 = arith.constant 0 : i32
      %dma_start3A_137 = tpu.memref_slice %arg6[%add3A_135, %dma_start3A_136] : memref<100000x128xf32, #tpu.memory_space<hbm>> -> memref<128x128xf32, #tpu.memory_space<hbm>>
      %dma_start3A_138 = arith.constant 0 : i32
      %dma_start3A_139 = tpu.memref_slice %arg6[%add3A_135, %dma_start3A_138] : memref<100000x128xf32, #tpu.memory_space<hbm>> -> memref<128x128xf32, #tpu.memory_space<hbm>>
      tpu.enqueue_dma source(%arg12 : memref<128x128xf32, #tpu.memory_space<vmem>>) target(%dma_start3A_139 : memref<128x128xf32, #tpu.memory_space<hbm>>) target_semaphore(%arg27 : memref<!tpu.dma_semaphore, #tpu.memory_space<semaphore_mem>>)
      %add3A_140 = arith.constant 4 : i32
      %add3A_141 = arith.addi %add3A_115, %add3A_140 : i32
      %lt3A_142 = arith.constant 25 : i32
      %lt3A_143 = arith.cmpi slt, %add3A_141, %lt3A_142 : i32
      %convert_element_type3A_144 = arith.extui %lt3A_143 : i1 to i32
      %cond3A_145 = arith.constant 0 : i32
      %cond3A_146 = arith.cmpi ne, %convert_element_type3A_144, %cond3A_145 : i32
      scf.if %cond3A_146 {
        %add3A_217 = arith.constant 4 : i32
        %add3A_218 = arith.addi %add3A_115, %add3A_217 : i32
        %mul3A_219 = arith.constant 128 : i32
        %mul3A_220 = arith.muli %add3A_218, %mul3A_219 : i32
        %add3A_221 = arith.addi %min3A_3, %mul3A_220 : i32
        %dma_start3A_222 = arith.constant 0 : i32
        %dma_start3A_223 = tpu.memref_slice %arg2[%dma_start3A_222, %add3A_221] : memref<128x100000xf32, #tpu.memory_space<hbm>> -> memref<128x128xf32, #tpu.memory_space<hbm>>
        %dma_start3A_224 = arith.constant 0 : i32
        %dma_start3A_225 = tpu.memref_slice %arg2[%dma_start3A_224, %add3A_221] : memref<128x100000xf32, #tpu.memory_space<hbm>> -> memref<128x128xf32, #tpu.memory_space<hbm>>
        tpu.enqueue_dma source(%dma_start3A_225 : memref<128x128xf32, #tpu.memory_space<hbm>>) target(%arg8 : memref<128x128xf32, #tpu.memory_space<vmem>>) target_semaphore(%arg19 : memref<!tpu.dma_semaphore, #tpu.memory_space<semaphore_mem>>)
        %dma_start3A_226 = tpu.memref_slice %arg3[%add3A_221] : memref<100000xi32, #tpu.memory_space<hbm>> -> memref<128xi32, #tpu.memory_space<hbm>>
        %dma_start3A_227 = tpu.memref_slice %arg3[%add3A_221] : memref<100000xi32, #tpu.memory_space<hbm>> -> memref<128xi32, #tpu.memory_space<hbm>>
        tpu.enqueue_dma source(%dma_start3A_227 : memref<128xi32, #tpu.memory_space<hbm>>) target(%arg14 : memref<128xi32, #tpu.memory_space<vmem>>) target_semaphore(%arg23 : memref<!tpu.dma_semaphore, #tpu.memory_space<semaphore_mem>>)
      } else {
      }
      %mul3A_147 = arith.constant 4 : i32
      %mul3A_148 = arith.muli %mul3A_147, %scan3A_78 : i32
      %add3A_149 = arith.constant 2 : i32
      %add3A_150 = arith.addi %mul3A_148, %add3A_149 : i32
      %mul3A_151 = arith.constant 128 : i32
      %mul3A_152 = arith.muli %add3A_150, %mul3A_151 : i32
      %add3A_153 = arith.addi %min3A_3, %mul3A_152 : i32
      %dma_wait3A_154 = arith.constant 0 : i32
      %dma_wait3A_155 = tpu.memref_slice %arg2[%dma_wait3A_154, %add3A_153] : memref<128x100000xf32, #tpu.memory_space<hbm>> -> memref<128x128xf32, #tpu.memory_space<hbm>>
      %dma_wait3A_156 = arith.constant 0 : i32
      %dma_wait3A_157 = tpu.memref_slice %arg2[%dma_wait3A_156, %add3A_153] : memref<128x100000xf32, #tpu.memory_space<hbm>> -> memref<128x128xf32, #tpu.memory_space<hbm>>
      tpu.wait_dma2 semaphore(%arg20 : memref<!tpu.dma_semaphore, #tpu.memory_space<semaphore_mem>>) src(%dma_wait3A_157 : memref<128x128xf32, #tpu.memory_space<hbm>>) dst(%arg9 : memref<128x128xf32, #tpu.memory_space<vmem>>)
      %dma_wait3A_158 = tpu.memref_slice %arg3[%add3A_153] : memref<100000xi32, #tpu.memory_space<hbm>> -> memref<128xi32, #tpu.memory_space<hbm>>
      %dma_wait3A_159 = tpu.memref_slice %arg3[%add3A_153] : memref<100000xi32, #tpu.memory_space<hbm>> -> memref<128xi32, #tpu.memory_space<hbm>>
      tpu.wait_dma2 semaphore(%arg24 : memref<!tpu.dma_semaphore, #tpu.memory_space<semaphore_mem>>) src(%dma_wait3A_159 : memref<128xi32, #tpu.memory_space<hbm>>) dst(%arg15 : memref<128xi32, #tpu.memory_space<vmem>>)
      %ge3A_160 = arith.constant 2 : i32
      %ge3A_161 = arith.cmpi sge, %add3A_150, %ge3A_160 : i32
      %convert_element_type3A_162 = arith.extui %ge3A_161 : i1 to i32
      %cond3A_163 = arith.constant 0 : i32
      %cond3A_164 = arith.cmpi ne, %convert_element_type3A_162, %cond3A_163 : i32
      scf.if %cond3A_164 {
        %sub3A = arith.constant 2 : i32
        %sub3A_217 = arith.subi %add3A_150, %sub3A : i32
        %mul3A_218 = arith.constant 128 : i32
        %mul3A_219 = arith.muli %sub3A_217, %mul3A_218 : i32
        %add3A_220 = arith.addi %min3A_3, %mul3A_219 : i32
        %dma_wait3A_221 = arith.constant 0 : i32
        %dma_wait3A_222 = tpu.memref_slice %arg6[%add3A_220, %dma_wait3A_221] : memref<100000x128xf32, #tpu.memory_space<hbm>> -> memref<128x128xf32, #tpu.memory_space<hbm>>
        %dma_wait3A_223 = arith.constant 0 : i32
        %dma_wait3A_224 = tpu.memref_slice %arg6[%add3A_220, %dma_wait3A_223] : memref<100000x128xf32, #tpu.memory_space<hbm>> -> memref<128x128xf32, #tpu.memory_space<hbm>>
        tpu.wait_dma2 semaphore(%arg26 : memref<!tpu.dma_semaphore, #tpu.memory_space<semaphore_mem>>) src(%arg11 : memref<128x128xf32, #tpu.memory_space<vmem>>) dst(%dma_wait3A_224 : memref<128x128xf32, #tpu.memory_space<hbm>>)
      } else {
      }
      %parallel_loop3A_165 = arith.constant 0 : i32
      %parallel_loop3A_166 = arith.constant 128 : i32
      %parallel_loop3A_167 = arith.constant 1 : i32
      scf.for %parallel_loop3A_217 = %parallel_loop3A_165 to %parallel_loop3A_166 step %parallel_loop3A_167  : i32 {
        %parallel_loop3A_218 = arith.constant -16 : i32
        %parallel_loop3A_219 = arith.andi %parallel_loop3A_217, %parallel_loop3A_218 : i32
        %parallel_loop3A_220 = vector.broadcast %parallel_loop3A_217 : i32 to vector<16xi32>
        %parallel_loop3A_221 = arith.addi %iota3A, %parallel_loop3A_220 : vector<16xi32>
        %parallel_loop3A_222 = arith.constant 15 : i32
        %parallel_loop3A_223 = vector.broadcast %parallel_loop3A_222 : i32 to vector<16xi32>
        %parallel_loop3A_224 = arith.andi %parallel_loop3A_221, %parallel_loop3A_223 : vector<16xi32>
        %parallel_loop3A_225 = vector.broadcast %parallel_loop3A_219 : i32 to vector<16xi32>
        %parallel_loop3A_226 = arith.addi %parallel_loop3A_225, %parallel_loop3A_224 : vector<16xi32>
        %parallel_loop3A_227 = tpu.vector_load_idx %arg15[%parallel_loop3A_226] : memref<128xi32, #tpu.memory_space<vmem>>[vector<16xi32>], vector<16xi32>,
        %parallel_loop3A_228 = arith.constant 0 : i32
        %parallel_loop3A_229 = arith.constant 63 : i32
        %parallel_loop3A_230 = vector.broadcast %parallel_loop3A_228 : i32 to vector<16xi32>
        %parallel_loop3A_231 = arith.maxsi %parallel_loop3A_230, %parallel_loop3A_227 : vector<16xi32>
        %parallel_loop3A_232 = vector.broadcast %parallel_loop3A_229 : i32 to vector<16xi32>
        %parallel_loop3A_233 = arith.minsi %parallel_loop3A_232, %parallel_loop3A_231 : vector<16xi32>
        %parallel_loop3A_234 = arith.constant 0 : i32
        %parallel_loop3A_235 = vector.broadcast %parallel_loop3A_234 : i32 to vector<16xi32>
        %parallel_loop3A_236 = arith.addi %parallel_loop3A_235, %iota3A : vector<16xi32>
        %parallel_loop3A_237 = tpu.vector_load_idx %arg9[%parallel_loop3A_236, %parallel_loop3A_226] : memref<128x128xf32, #tpu.memory_space<vmem>>[vector<16xi32>, vector<16xi32>], vector<16xf32>,
        %parallel_loop3A_238 = tpu.vector_load_idx %arg17[%parallel_loop3A_233, %parallel_loop3A_236] : memref<64x128xf32, #tpu.memory_space<vmem>>[vector<16xi32>, vector<16xi32>], vector<16xf32>,
        %parallel_loop3A_239 = arith.mulf %parallel_loop3A_237, %parallel_loop3A_238 : vector<16xf32>
        tpu.vector_store_idx %arg11[%parallel_loop3A_226, %parallel_loop3A_236], %parallel_loop3A_239 : memref<128x128xf32, #tpu.memory_space<vmem>>[vector<16xi32>, vector<16xi32>], vector<16xf32>,
        %parallel_loop3A_240 = arith.constant 16 : i32
        %parallel_loop3A_241 = vector.broadcast %parallel_loop3A_240 : i32 to vector<16xi32>
        %parallel_loop3A_242 = arith.addi %parallel_loop3A_241, %iota3A : vector<16xi32>
        %parallel_loop3A_243 = tpu.vector_load_idx %arg9[%parallel_loop3A_242, %parallel_loop3A_226] : memref<128x128xf32, #tpu.memory_space<vmem>>[vector<16xi32>, vector<16xi32>], vector<16xf32>,
        %parallel_loop3A_244 = tpu.vector_load_idx %arg17[%parallel_loop3A_233, %parallel_loop3A_242] : memref<64x128xf32, #tpu.memory_space<vmem>>[vector<16xi32>, vector<16xi32>], vector<16xf32>,
        %parallel_loop3A_245 = arith.mulf %parallel_loop3A_243, %parallel_loop3A_244 : vector<16xf32>
        tpu.vector_store_idx %arg11[%parallel_loop3A_226, %parallel_loop3A_242], %parallel_loop3A_245 : memref<128x128xf32, #tpu.memory_space<vmem>>[vector<16xi32>, vector<16xi32>], vector<16xf32>,
        %parallel_loop3A_246 = arith.constant 32 : i32
        %parallel_loop3A_247 = vector.broadcast %parallel_loop3A_246 : i32 to vector<16xi32>
        %parallel_loop3A_248 = arith.addi %parallel_loop3A_247, %iota3A : vector<16xi32>
        %parallel_loop3A_249 = tpu.vector_load_idx %arg9[%parallel_loop3A_248, %parallel_loop3A_226] : memref<128x128xf32, #tpu.memory_space<vmem>>[vector<16xi32>, vector<16xi32>], vector<16xf32>,
        %parallel_loop3A_250 = tpu.vector_load_idx %arg17[%parallel_loop3A_233, %parallel_loop3A_248] : memref<64x128xf32, #tpu.memory_space<vmem>>[vector<16xi32>, vector<16xi32>], vector<16xf32>,
        %parallel_loop3A_251 = arith.mulf %parallel_loop3A_249, %parallel_loop3A_250 : vector<16xf32>
        tpu.vector_store_idx %arg11[%parallel_loop3A_226, %parallel_loop3A_248], %parallel_loop3A_251 : memref<128x128xf32, #tpu.memory_space<vmem>>[vector<16xi32>, vector<16xi32>], vector<16xf32>,
        %parallel_loop3A_252 = arith.constant 48 : i32
        %parallel_loop3A_253 = vector.broadcast %parallel_loop3A_252 : i32 to vector<16xi32>
        %parallel_loop3A_254 = arith.addi %parallel_loop3A_253, %iota3A : vector<16xi32>
        %parallel_loop3A_255 = tpu.vector_load_idx %arg9[%parallel_loop3A_254, %parallel_loop3A_226] : memref<128x128xf32, #tpu.memory_space<vmem>>[vector<16xi32>, vector<16xi32>], vector<16xf32>,
        %parallel_loop3A_256 = tpu.vector_load_idx %arg17[%parallel_loop3A_233, %parallel_loop3A_254] : memref<64x128xf32, #tpu.memory_space<vmem>>[vector<16xi32>, vector<16xi32>], vector<16xf32>,
        %parallel_loop3A_257 = arith.mulf %parallel_loop3A_255, %parallel_loop3A_256 : vector<16xf32>
        tpu.vector_store_idx %arg11[%parallel_loop3A_226, %parallel_loop3A_254], %parallel_loop3A_257 : memref<128x128xf32, #tpu.memory_space<vmem>>[vector<16xi32>, vector<16xi32>], vector<16xf32>,
        %parallel_loop3A_258 = arith.constant 64 : i32
        %parallel_loop3A_259 = vector.broadcast %parallel_loop3A_258 : i32 to vector<16xi32>
        %parallel_loop3A_260 = arith.addi %parallel_loop3A_259, %iota3A : vector<16xi32>
        %parallel_loop3A_261 = tpu.vector_load_idx %arg9[%parallel_loop3A_260, %parallel_loop3A_226] : memref<128x128xf32, #tpu.memory_space<vmem>>[vector<16xi32>, vector<16xi32>], vector<16xf32>,
        %parallel_loop3A_262 = tpu.vector_load_idx %arg17[%parallel_loop3A_233, %parallel_loop3A_260] : memref<64x128xf32, #tpu.memory_space<vmem>>[vector<16xi32>, vector<16xi32>], vector<16xf32>,
        %parallel_loop3A_263 = arith.mulf %parallel_loop3A_261, %parallel_loop3A_262 : vector<16xf32>
        tpu.vector_store_idx %arg11[%parallel_loop3A_226, %parallel_loop3A_260], %parallel_loop3A_263 : memref<128x128xf32, #tpu.memory_space<vmem>>[vector<16xi32>, vector<16xi32>], vector<16xf32>,
        %parallel_loop3A_264 = arith.constant 80 : i32
        %parallel_loop3A_265 = vector.broadcast %parallel_loop3A_264 : i32 to vector<16xi32>
        %parallel_loop3A_266 = arith.addi %parallel_loop3A_265, %iota3A : vector<16xi32>
        %parallel_loop3A_267 = tpu.vector_load_idx %arg9[%parallel_loop3A_266, %parallel_loop3A_226] : memref<128x128xf32, #tpu.memory_space<vmem>>[vector<16xi32>, vector<16xi32>], vector<16xf32>,
        %parallel_loop3A_268 = tpu.vector_load_idx %arg17[%parallel_loop3A_233, %parallel_loop3A_266] : memref<64x128xf32, #tpu.memory_space<vmem>>[vector<16xi32>, vector<16xi32>], vector<16xf32>,
        %parallel_loop3A_269 = arith.mulf %parallel_loop3A_267, %parallel_loop3A_268 : vector<16xf32>
        tpu.vector_store_idx %arg11[%parallel_loop3A_226, %parallel_loop3A_266], %parallel_loop3A_269 : memref<128x128xf32, #tpu.memory_space<vmem>>[vector<16xi32>, vector<16xi32>], vector<16xf32>,
        %parallel_loop3A_270 = arith.constant 96 : i32
        %parallel_loop3A_271 = vector.broadcast %parallel_loop3A_270 : i32 to vector<16xi32>
        %parallel_loop3A_272 = arith.addi %parallel_loop3A_271, %iota3A : vector<16xi32>
        %parallel_loop3A_273 = tpu.vector_load_idx %arg9[%parallel_loop3A_272, %parallel_loop3A_226] : memref<128x128xf32, #tpu.memory_space<vmem>>[vector<16xi32>, vector<16xi32>], vector<16xf32>,
        %parallel_loop3A_274 = tpu.vector_load_idx %arg17[%parallel_loop3A_233, %parallel_loop3A_272] : memref<64x128xf32, #tpu.memory_space<vmem>>[vector<16xi32>, vector<16xi32>], vector<16xf32>,
        %parallel_loop3A_275 = arith.mulf %parallel_loop3A_273, %parallel_loop3A_274 : vector<16xf32>
        tpu.vector_store_idx %arg11[%parallel_loop3A_226, %parallel_loop3A_272], %parallel_loop3A_275 : memref<128x128xf32, #tpu.memory_space<vmem>>[vector<16xi32>, vector<16xi32>], vector<16xf32>,
        %parallel_loop3A_276 = arith.constant 112 : i32
        %parallel_loop3A_277 = vector.broadcast %parallel_loop3A_276 : i32 to vector<16xi32>
        %parallel_loop3A_278 = arith.addi %parallel_loop3A_277, %iota3A : vector<16xi32>
        %parallel_loop3A_279 = tpu.vector_load_idx %arg9[%parallel_loop3A_278, %parallel_loop3A_226] : memref<128x128xf32, #tpu.memory_space<vmem>>[vector<16xi32>, vector<16xi32>], vector<16xf32>,
        %parallel_loop3A_280 = tpu.vector_load_idx %arg17[%parallel_loop3A_233, %parallel_loop3A_278] : memref<64x128xf32, #tpu.memory_space<vmem>>[vector<16xi32>, vector<16xi32>], vector<16xf32>,
        %parallel_loop3A_281 = arith.mulf %parallel_loop3A_279, %parallel_loop3A_280 : vector<16xf32>
        tpu.vector_store_idx %arg11[%parallel_loop3A_226, %parallel_loop3A_278], %parallel_loop3A_281 : memref<128x128xf32, #tpu.memory_space<vmem>>[vector<16xi32>, vector<16xi32>], vector<16xf32>,
      } {sc.loop_unroll_factor = 2 : i64, sc.parallel_access}
      %mul3A_168 = arith.constant 128 : i32
      %mul3A_169 = arith.muli %add3A_150, %mul3A_168 : i32
      %add3A_170 = arith.addi %min3A_3, %mul3A_169 : i32
      %dma_start3A_171 = arith.constant 0 : i32
      %dma_start3A_172 = tpu.memref_slice %arg6[%add3A_170, %dma_start3A_171] : memref<100000x128xf32, #tpu.memory_space<hbm>> -> memref<128x128xf32, #tpu.memory_space<hbm>>
      %dma_start3A_173 = arith.constant 0 : i32
      %dma_start3A_174 = tpu.memref_slice %arg6[%add3A_170, %dma_start3A_173] : memref<100000x128xf32, #tpu.memory_space<hbm>> -> memref<128x128xf32, #tpu.memory_space<hbm>>
      tpu.enqueue_dma source(%arg11 : memref<128x128xf32, #tpu.memory_space<vmem>>) target(%dma_start3A_174 : memref<128x128xf32, #tpu.memory_space<hbm>>) target_semaphore(%arg26 : memref<!tpu.dma_semaphore, #tpu.memory_space<semaphore_mem>>)
      %add3A_175 = arith.constant 4 : i32
      %add3A_176 = arith.addi %add3A_150, %add3A_175 : i32
      %lt3A_177 = arith.constant 25 : i32
      %lt3A_178 = arith.cmpi slt, %add3A_176, %lt3A_177 : i32
      %convert_element_type3A_179 = arith.extui %lt3A_178 : i1 to i32
      %cond3A_180 = arith.constant 0 : i32
      %cond3A_181 = arith.cmpi ne, %convert_element_type3A_179, %cond3A_180 : i32
      scf.if %cond3A_181 {
        %add3A_217 = arith.constant 4 : i32
        %add3A_218 = arith.addi %add3A_150, %add3A_217 : i32
        %mul3A_219 = arith.constant 128 : i32
        %mul3A_220 = arith.muli %add3A_218, %mul3A_219 : i32
        %add3A_221 = arith.addi %min3A_3, %mul3A_220 : i32
        %dma_start3A_222 = arith.constant 0 : i32
        %dma_start3A_223 = tpu.memref_slice %arg2[%dma_start3A_222, %add3A_221] : memref<128x100000xf32, #tpu.memory_space<hbm>> -> memref<128x128xf32, #tpu.memory_space<hbm>>
        %dma_start3A_224 = arith.constant 0 : i32
        %dma_start3A_225 = tpu.memref_slice %arg2[%dma_start3A_224, %add3A_221] : memref<128x100000xf32, #tpu.memory_space<hbm>> -> memref<128x128xf32, #tpu.memory_space<hbm>>
        tpu.enqueue_dma source(%dma_start3A_225 : memref<128x128xf32, #tpu.memory_space<hbm>>) target(%arg9 : memref<128x128xf32, #tpu.memory_space<vmem>>) target_semaphore(%arg20 : memref<!tpu.dma_semaphore, #tpu.memory_space<semaphore_mem>>)
        %dma_start3A_226 = tpu.memref_slice %arg3[%add3A_221] : memref<100000xi32, #tpu.memory_space<hbm>> -> memref<128xi32, #tpu.memory_space<hbm>>
        %dma_start3A_227 = tpu.memref_slice %arg3[%add3A_221] : memref<100000xi32, #tpu.memory_space<hbm>> -> memref<128xi32, #tpu.memory_space<hbm>>
        tpu.enqueue_dma source(%dma_start3A_227 : memref<128xi32, #tpu.memory_space<hbm>>) target(%arg15 : memref<128xi32, #tpu.memory_space<vmem>>) target_semaphore(%arg24 : memref<!tpu.dma_semaphore, #tpu.memory_space<semaphore_mem>>)
      } else {
      }
      %mul3A_182 = arith.constant 4 : i32
      %mul3A_183 = arith.muli %mul3A_182, %scan3A_78 : i32
      %add3A_184 = arith.constant 3 : i32
      %add3A_185 = arith.addi %mul3A_183, %add3A_184 : i32
      %mul3A_186 = arith.constant 128 : i32
      %mul3A_187 = arith.muli %add3A_185, %mul3A_186 : i32
      %add3A_188 = arith.addi %min3A_3, %mul3A_187 : i32
      %dma_wait3A_189 = arith.constant 0 : i32
      %dma_wait3A_190 = tpu.memref_slice %arg2[%dma_wait3A_189, %add3A_188] : memref<128x100000xf32, #tpu.memory_space<hbm>> -> memref<128x128xf32, #tpu.memory_space<hbm>>
      %dma_wait3A_191 = arith.constant 0 : i32
      %dma_wait3A_192 = tpu.memref_slice %arg2[%dma_wait3A_191, %add3A_188] : memref<128x100000xf32, #tpu.memory_space<hbm>> -> memref<128x128xf32, #tpu.memory_space<hbm>>
      tpu.wait_dma2 semaphore(%arg21 : memref<!tpu.dma_semaphore, #tpu.memory_space<semaphore_mem>>) src(%dma_wait3A_192 : memref<128x128xf32, #tpu.memory_space<hbm>>) dst(%arg10 : memref<128x128xf32, #tpu.memory_space<vmem>>)
      %dma_wait3A_193 = tpu.memref_slice %arg3[%add3A_188] : memref<100000xi32, #tpu.memory_space<hbm>> -> memref<128xi32, #tpu.memory_space<hbm>>
      %dma_wait3A_194 = tpu.memref_slice %arg3[%add3A_188] : memref<100000xi32, #tpu.memory_space<hbm>> -> memref<128xi32, #tpu.memory_space<hbm>>
      tpu.wait_dma2 semaphore(%arg25 : memref<!tpu.dma_semaphore, #tpu.memory_space<semaphore_mem>>) src(%dma_wait3A_194 : memref<128xi32, #tpu.memory_space<hbm>>) dst(%arg16 : memref<128xi32, #tpu.memory_space<vmem>>)
      %ge3A_195 = arith.constant 2 : i32
      %ge3A_196 = arith.cmpi sge, %add3A_185, %ge3A_195 : i32
      %convert_element_type3A_197 = arith.extui %ge3A_196 : i1 to i32
      %cond3A_198 = arith.constant 0 : i32
      %cond3A_199 = arith.cmpi ne, %convert_element_type3A_197, %cond3A_198 : i32
      scf.if %cond3A_199 {
        %sub3A = arith.constant 2 : i32
        %sub3A_217 = arith.subi %add3A_185, %sub3A : i32
        %mul3A_218 = arith.constant 128 : i32
        %mul3A_219 = arith.muli %sub3A_217, %mul3A_218 : i32
        %add3A_220 = arith.addi %min3A_3, %mul3A_219 : i32
        %dma_wait3A_221 = arith.constant 0 : i32
        %dma_wait3A_222 = tpu.memref_slice %arg6[%add3A_220, %dma_wait3A_221] : memref<100000x128xf32, #tpu.memory_space<hbm>> -> memref<128x128xf32, #tpu.memory_space<hbm>>
        %dma_wait3A_223 = arith.constant 0 : i32
        %dma_wait3A_224 = tpu.memref_slice %arg6[%add3A_220, %dma_wait3A_223] : memref<100000x128xf32, #tpu.memory_space<hbm>> -> memref<128x128xf32, #tpu.memory_space<hbm>>
        tpu.wait_dma2 semaphore(%arg27 : memref<!tpu.dma_semaphore, #tpu.memory_space<semaphore_mem>>) src(%arg12 : memref<128x128xf32, #tpu.memory_space<vmem>>) dst(%dma_wait3A_224 : memref<128x128xf32, #tpu.memory_space<hbm>>)
      } else {
      }
      %parallel_loop3A_200 = arith.constant 0 : i32
      %parallel_loop3A_201 = arith.constant 128 : i32
      %parallel_loop3A_202 = arith.constant 1 : i32
      scf.for %parallel_loop3A_217 = %parallel_loop3A_200 to %parallel_loop3A_201 step %parallel_loop3A_202  : i32 {
        %parallel_loop3A_218 = arith.constant -16 : i32
        %parallel_loop3A_219 = arith.andi %parallel_loop3A_217, %parallel_loop3A_218 : i32
        %parallel_loop3A_220 = vector.broadcast %parallel_loop3A_217 : i32 to vector<16xi32>
        %parallel_loop3A_221 = arith.addi %iota3A, %parallel_loop3A_220 : vector<16xi32>
        %parallel_loop3A_222 = arith.constant 15 : i32
        %parallel_loop3A_223 = vector.broadcast %parallel_loop3A_222 : i32 to vector<16xi32>
        %parallel_loop3A_224 = arith.andi %parallel_loop3A_221, %parallel_loop3A_223 : vector<16xi32>
        %parallel_loop3A_225 = vector.broadcast %parallel_loop3A_219 : i32 to vector<16xi32>
        %parallel_loop3A_226 = arith.addi %parallel_loop3A_225, %parallel_loop3A_224 : vector<16xi32>
        %parallel_loop3A_227 = tpu.vector_load_idx %arg16[%parallel_loop3A_226] : memref<128xi32, #tpu.memory_space<vmem>>[vector<16xi32>], vector<16xi32>,
        %parallel_loop3A_228 = arith.constant 0 : i32
        %parallel_loop3A_229 = arith.constant 63 : i32
        %parallel_loop3A_230 = vector.broadcast %parallel_loop3A_228 : i32 to vector<16xi32>
        %parallel_loop3A_231 = arith.maxsi %parallel_loop3A_230, %parallel_loop3A_227 : vector<16xi32>
        %parallel_loop3A_232 = vector.broadcast %parallel_loop3A_229 : i32 to vector<16xi32>
        %parallel_loop3A_233 = arith.minsi %parallel_loop3A_232, %parallel_loop3A_231 : vector<16xi32>
        %parallel_loop3A_234 = arith.constant 0 : i32
        %parallel_loop3A_235 = vector.broadcast %parallel_loop3A_234 : i32 to vector<16xi32>
        %parallel_loop3A_236 = arith.addi %parallel_loop3A_235, %iota3A : vector<16xi32>
        %parallel_loop3A_237 = tpu.vector_load_idx %arg10[%parallel_loop3A_236, %parallel_loop3A_226] : memref<128x128xf32, #tpu.memory_space<vmem>>[vector<16xi32>, vector<16xi32>], vector<16xf32>,
        %parallel_loop3A_238 = tpu.vector_load_idx %arg17[%parallel_loop3A_233, %parallel_loop3A_236] : memref<64x128xf32, #tpu.memory_space<vmem>>[vector<16xi32>, vector<16xi32>], vector<16xf32>,
        %parallel_loop3A_239 = arith.mulf %parallel_loop3A_237, %parallel_loop3A_238 : vector<16xf32>
        tpu.vector_store_idx %arg12[%parallel_loop3A_226, %parallel_loop3A_236], %parallel_loop3A_239 : memref<128x128xf32, #tpu.memory_space<vmem>>[vector<16xi32>, vector<16xi32>], vector<16xf32>,
        %parallel_loop3A_240 = arith.constant 16 : i32
        %parallel_loop3A_241 = vector.broadcast %parallel_loop3A_240 : i32 to vector<16xi32>
        %parallel_loop3A_242 = arith.addi %parallel_loop3A_241, %iota3A : vector<16xi32>
        %parallel_loop3A_243 = tpu.vector_load_idx %arg10[%parallel_loop3A_242, %parallel_loop3A_226] : memref<128x128xf32, #tpu.memory_space<vmem>>[vector<16xi32>, vector<16xi32>], vector<16xf32>,
        %parallel_loop3A_244 = tpu.vector_load_idx %arg17[%parallel_loop3A_233, %parallel_loop3A_242] : memref<64x128xf32, #tpu.memory_space<vmem>>[vector<16xi32>, vector<16xi32>], vector<16xf32>,
        %parallel_loop3A_245 = arith.mulf %parallel_loop3A_243, %parallel_loop3A_244 : vector<16xf32>
        tpu.vector_store_idx %arg12[%parallel_loop3A_226, %parallel_loop3A_242], %parallel_loop3A_245 : memref<128x128xf32, #tpu.memory_space<vmem>>[vector<16xi32>, vector<16xi32>], vector<16xf32>,
        %parallel_loop3A_246 = arith.constant 32 : i32
        %parallel_loop3A_247 = vector.broadcast %parallel_loop3A_246 : i32 to vector<16xi32>
        %parallel_loop3A_248 = arith.addi %parallel_loop3A_247, %iota3A : vector<16xi32>
        %parallel_loop3A_249 = tpu.vector_load_idx %arg10[%parallel_loop3A_248, %parallel_loop3A_226] : memref<128x128xf32, #tpu.memory_space<vmem>>[vector<16xi32>, vector<16xi32>], vector<16xf32>,
        %parallel_loop3A_250 = tpu.vector_load_idx %arg17[%parallel_loop3A_233, %parallel_loop3A_248] : memref<64x128xf32, #tpu.memory_space<vmem>>[vector<16xi32>, vector<16xi32>], vector<16xf32>,
        %parallel_loop3A_251 = arith.mulf %parallel_loop3A_249, %parallel_loop3A_250 : vector<16xf32>
        tpu.vector_store_idx %arg12[%parallel_loop3A_226, %parallel_loop3A_248], %parallel_loop3A_251 : memref<128x128xf32, #tpu.memory_space<vmem>>[vector<16xi32>, vector<16xi32>], vector<16xf32>,
        %parallel_loop3A_252 = arith.constant 48 : i32
        %parallel_loop3A_253 = vector.broadcast %parallel_loop3A_252 : i32 to vector<16xi32>
        %parallel_loop3A_254 = arith.addi %parallel_loop3A_253, %iota3A : vector<16xi32>
        %parallel_loop3A_255 = tpu.vector_load_idx %arg10[%parallel_loop3A_254, %parallel_loop3A_226] : memref<128x128xf32, #tpu.memory_space<vmem>>[vector<16xi32>, vector<16xi32>], vector<16xf32>,
        %parallel_loop3A_256 = tpu.vector_load_idx %arg17[%parallel_loop3A_233, %parallel_loop3A_254] : memref<64x128xf32, #tpu.memory_space<vmem>>[vector<16xi32>, vector<16xi32>], vector<16xf32>,
        %parallel_loop3A_257 = arith.mulf %parallel_loop3A_255, %parallel_loop3A_256 : vector<16xf32>
        tpu.vector_store_idx %arg12[%parallel_loop3A_226, %parallel_loop3A_254], %parallel_loop3A_257 : memref<128x128xf32, #tpu.memory_space<vmem>>[vector<16xi32>, vector<16xi32>], vector<16xf32>,
        %parallel_loop3A_258 = arith.constant 64 : i32
        %parallel_loop3A_259 = vector.broadcast %parallel_loop3A_258 : i32 to vector<16xi32>
        %parallel_loop3A_260 = arith.addi %parallel_loop3A_259, %iota3A : vector<16xi32>
        %parallel_loop3A_261 = tpu.vector_load_idx %arg10[%parallel_loop3A_260, %parallel_loop3A_226] : memref<128x128xf32, #tpu.memory_space<vmem>>[vector<16xi32>, vector<16xi32>], vector<16xf32>,
        %parallel_loop3A_262 = tpu.vector_load_idx %arg17[%parallel_loop3A_233, %parallel_loop3A_260] : memref<64x128xf32, #tpu.memory_space<vmem>>[vector<16xi32>, vector<16xi32>], vector<16xf32>,
        %parallel_loop3A_263 = arith.mulf %parallel_loop3A_261, %parallel_loop3A_262 : vector<16xf32>
        tpu.vector_store_idx %arg12[%parallel_loop3A_226, %parallel_loop3A_260], %parallel_loop3A_263 : memref<128x128xf32, #tpu.memory_space<vmem>>[vector<16xi32>, vector<16xi32>], vector<16xf32>,
        %parallel_loop3A_264 = arith.constant 80 : i32
        %parallel_loop3A_265 = vector.broadcast %parallel_loop3A_264 : i32 to vector<16xi32>
        %parallel_loop3A_266 = arith.addi %parallel_loop3A_265, %iota3A : vector<16xi32>
        %parallel_loop3A_267 = tpu.vector_load_idx %arg10[%parallel_loop3A_266, %parallel_loop3A_226] : memref<128x128xf32, #tpu.memory_space<vmem>>[vector<16xi32>, vector<16xi32>], vector<16xf32>,
        %parallel_loop3A_268 = tpu.vector_load_idx %arg17[%parallel_loop3A_233, %parallel_loop3A_266] : memref<64x128xf32, #tpu.memory_space<vmem>>[vector<16xi32>, vector<16xi32>], vector<16xf32>,
        %parallel_loop3A_269 = arith.mulf %parallel_loop3A_267, %parallel_loop3A_268 : vector<16xf32>
        tpu.vector_store_idx %arg12[%parallel_loop3A_226, %parallel_loop3A_266], %parallel_loop3A_269 : memref<128x128xf32, #tpu.memory_space<vmem>>[vector<16xi32>, vector<16xi32>], vector<16xf32>,
        %parallel_loop3A_270 = arith.constant 96 : i32
        %parallel_loop3A_271 = vector.broadcast %parallel_loop3A_270 : i32 to vector<16xi32>
        %parallel_loop3A_272 = arith.addi %parallel_loop3A_271, %iota3A : vector<16xi32>
        %parallel_loop3A_273 = tpu.vector_load_idx %arg10[%parallel_loop3A_272, %parallel_loop3A_226] : memref<128x128xf32, #tpu.memory_space<vmem>>[vector<16xi32>, vector<16xi32>], vector<16xf32>,
        %parallel_loop3A_274 = tpu.vector_load_idx %arg17[%parallel_loop3A_233, %parallel_loop3A_272] : memref<64x128xf32, #tpu.memory_space<vmem>>[vector<16xi32>, vector<16xi32>], vector<16xf32>,
        %parallel_loop3A_275 = arith.mulf %parallel_loop3A_273, %parallel_loop3A_274 : vector<16xf32>
        tpu.vector_store_idx %arg12[%parallel_loop3A_226, %parallel_loop3A_272], %parallel_loop3A_275 : memref<128x128xf32, #tpu.memory_space<vmem>>[vector<16xi32>, vector<16xi32>], vector<16xf32>,
        %parallel_loop3A_276 = arith.constant 112 : i32
        %parallel_loop3A_277 = vector.broadcast %parallel_loop3A_276 : i32 to vector<16xi32>
        %parallel_loop3A_278 = arith.addi %parallel_loop3A_277, %iota3A : vector<16xi32>
        %parallel_loop3A_279 = tpu.vector_load_idx %arg10[%parallel_loop3A_278, %parallel_loop3A_226] : memref<128x128xf32, #tpu.memory_space<vmem>>[vector<16xi32>, vector<16xi32>], vector<16xf32>,
        %parallel_loop3A_280 = tpu.vector_load_idx %arg17[%parallel_loop3A_233, %parallel_loop3A_278] : memref<64x128xf32, #tpu.memory_space<vmem>>[vector<16xi32>, vector<16xi32>], vector<16xf32>,
        %parallel_loop3A_281 = arith.mulf %parallel_loop3A_279, %parallel_loop3A_280 : vector<16xf32>
        tpu.vector_store_idx %arg12[%parallel_loop3A_226, %parallel_loop3A_278], %parallel_loop3A_281 : memref<128x128xf32, #tpu.memory_space<vmem>>[vector<16xi32>, vector<16xi32>], vector<16xf32>,
      } {sc.loop_unroll_factor = 2 : i64, sc.parallel_access}
      %mul3A_203 = arith.constant 128 : i32
      %mul3A_204 = arith.muli %add3A_185, %mul3A_203 : i32
      %add3A_205 = arith.addi %min3A_3, %mul3A_204 : i32
      %dma_start3A_206 = arith.constant 0 : i32
      %dma_start3A_207 = tpu.memref_slice %arg6[%add3A_205, %dma_start3A_206] : memref<100000x128xf32, #tpu.memory_space<hbm>> -> memref<128x128xf32, #tpu.memory_space<hbm>>
      %dma_start3A_208 = arith.constant 0 : i32
      %dma_start3A_209 = tpu.memref_slice %arg6[%add3A_205, %dma_start3A_208] : memref<100000x128xf32, #tpu.memory_space<hbm>> -> memref<128x128xf32, #tpu.memory_space<hbm>>
      tpu.enqueue_dma source(%arg12 : memref<128x128xf32, #tpu.memory_space<vmem>>) target(%dma_start3A_209 : memref<128x128xf32, #tpu.memory_space<hbm>>) target_semaphore(%arg27 : memref<!tpu.dma_semaphore, #tpu.memory_space<semaphore_mem>>)
      %add3A_210 = arith.constant 4 : i32
      %add3A_211 = arith.addi %add3A_185, %add3A_210 : i32
      %lt3A_212 = arith.constant 25 : i32
      %lt3A_213 = arith.cmpi slt, %add3A_211, %lt3A_212 : i32
      %convert_element_type3A_214 = arith.extui %lt3A_213 : i1 to i32
      %cond3A_215 = arith.constant 0 : i32
      %cond3A_216 = arith.cmpi ne, %convert_element_type3A_214, %cond3A_215 : i32
      scf.if %cond3A_216 {
        %add3A_217 = arith.constant 4 : i32
        %add3A_218 = arith.addi %add3A_185, %add3A_217 : i32
        %mul3A_219 = arith.constant 128 : i32
        %mul3A_220 = arith.muli %add3A_218, %mul3A_219 : i32
        %add3A_221 = arith.addi %min3A_3, %mul3A_220 : i32
        %dma_start3A_222 = arith.constant 0 : i32
        %dma_start3A_223 = tpu.memref_slice %arg2[%dma_start3A_222, %add3A_221] : memref<128x100000xf32, #tpu.memory_space<hbm>> -> memref<128x128xf32, #tpu.memory_space<hbm>>
        %dma_start3A_224 = arith.constant 0 : i32
        %dma_start3A_225 = tpu.memref_slice %arg2[%dma_start3A_224, %add3A_221] : memref<128x100000xf32, #tpu.memory_space<hbm>> -> memref<128x128xf32, #tpu.memory_space<hbm>>
        tpu.enqueue_dma source(%dma_start3A_225 : memref<128x128xf32, #tpu.memory_space<hbm>>) target(%arg10 : memref<128x128xf32, #tpu.memory_space<vmem>>) target_semaphore(%arg21 : memref<!tpu.dma_semaphore, #tpu.memory_space<semaphore_mem>>)
        %dma_start3A_226 = tpu.memref_slice %arg3[%add3A_221] : memref<100000xi32, #tpu.memory_space<hbm>> -> memref<128xi32, #tpu.memory_space<hbm>>
        %dma_start3A_227 = tpu.memref_slice %arg3[%add3A_221] : memref<100000xi32, #tpu.memory_space<hbm>> -> memref<128xi32, #tpu.memory_space<hbm>>
        tpu.enqueue_dma source(%dma_start3A_227 : memref<128xi32, #tpu.memory_space<hbm>>) target(%arg16 : memref<128xi32, #tpu.memory_space<vmem>>) target_semaphore(%arg25 : memref<!tpu.dma_semaphore, #tpu.memory_space<semaphore_mem>>)
      } else {
      }
    }
    %scan3A_41 = arith.constant 6 : i32
    %add3A_42 = arith.constant 3072 : i32
    %add3A_43 = arith.addi %min3A_3, %add3A_42 : i32
    %dma_wait3A = arith.constant 0 : i32
    %dma_wait3A_44 = tpu.memref_slice %arg2[%dma_wait3A, %add3A_43] : memref<128x100000xf32, #tpu.memory_space<hbm>> -> memref<128x128xf32, #tpu.memory_space<hbm>>
    %dma_wait3A_45 = arith.constant 0 : i32
    %dma_wait3A_46 = tpu.memref_slice %arg2[%dma_wait3A_45, %add3A_43] : memref<128x100000xf32, #tpu.memory_space<hbm>> -> memref<128x128xf32, #tpu.memory_space<hbm>>
    tpu.wait_dma2 semaphore(%arg18 : memref<!tpu.dma_semaphore, #tpu.memory_space<semaphore_mem>>) src(%dma_wait3A_46 : memref<128x128xf32, #tpu.memory_space<hbm>>) dst(%arg7 : memref<128x128xf32, #tpu.memory_space<vmem>>)
    %dma_wait3A_47 = tpu.memref_slice %arg3[%add3A_43] : memref<100000xi32, #tpu.memory_space<hbm>> -> memref<128xi32, #tpu.memory_space<hbm>>
    %dma_wait3A_48 = tpu.memref_slice %arg3[%add3A_43] : memref<100000xi32, #tpu.memory_space<hbm>> -> memref<128xi32, #tpu.memory_space<hbm>>
    tpu.wait_dma2 semaphore(%arg22 : memref<!tpu.dma_semaphore, #tpu.memory_space<semaphore_mem>>) src(%dma_wait3A_48 : memref<128xi32, #tpu.memory_space<hbm>>) dst(%arg13 : memref<128xi32, #tpu.memory_space<vmem>>)
    %add3A_49 = arith.constant 2816 : i32
    %add3A_50 = arith.addi %min3A_3, %add3A_49 : i32
    %dma_wait3A_51 = arith.constant 0 : i32
    %dma_wait3A_52 = tpu.memref_slice %arg6[%add3A_50, %dma_wait3A_51] : memref<100000x128xf32, #tpu.memory_space<hbm>> -> memref<128x128xf32, #tpu.memory_space<hbm>>
    %dma_wait3A_53 = arith.constant 0 : i32
    %dma_wait3A_54 = tpu.memref_slice %arg6[%add3A_50, %dma_wait3A_53] : memref<100000x128xf32, #tpu.memory_space<hbm>> -> memref<128x128xf32, #tpu.memory_space<hbm>>
    tpu.wait_dma2 semaphore(%arg26 : memref<!tpu.dma_semaphore, #tpu.memory_space<semaphore_mem>>) src(%arg11 : memref<128x128xf32, #tpu.memory_space<vmem>>) dst(%dma_wait3A_54 : memref<128x128xf32, #tpu.memory_space<hbm>>)
    %parallel_loop3A_55 = arith.constant 0 : i32
    %parallel_loop3A_56 = arith.constant 128 : i32
    %parallel_loop3A_57 = arith.constant 1 : i32
    scf.for %parallel_loop3A_78 = %parallel_loop3A_55 to %parallel_loop3A_56 step %parallel_loop3A_57  : i32 {
      %parallel_loop3A_79 = arith.constant -16 : i32
      %parallel_loop3A_80 = arith.andi %parallel_loop3A_78, %parallel_loop3A_79 : i32
      %parallel_loop3A_81 = vector.broadcast %parallel_loop3A_78 : i32 to vector<16xi32>
      %parallel_loop3A_82 = arith.addi %iota3A, %parallel_loop3A_81 : vector<16xi32>
      %parallel_loop3A_83 = arith.constant 15 : i32
      %parallel_loop3A_84 = vector.broadcast %parallel_loop3A_83 : i32 to vector<16xi32>
      %parallel_loop3A_85 = arith.andi %parallel_loop3A_82, %parallel_loop3A_84 : vector<16xi32>
      %parallel_loop3A_86 = vector.broadcast %parallel_loop3A_80 : i32 to vector<16xi32>
      %parallel_loop3A_87 = arith.addi %parallel_loop3A_86, %parallel_loop3A_85 : vector<16xi32>
      %parallel_loop3A_88 = tpu.vector_load_idx %arg13[%parallel_loop3A_87] : memref<128xi32, #tpu.memory_space<vmem>>[vector<16xi32>], vector<16xi32>,
      %parallel_loop3A_89 = arith.constant 0 : i32
      %parallel_loop3A_90 = arith.constant 63 : i32
      %parallel_loop3A_91 = vector.broadcast %parallel_loop3A_89 : i32 to vector<16xi32>
      %parallel_loop3A_92 = arith.maxsi %parallel_loop3A_91, %parallel_loop3A_88 : vector<16xi32>
      %parallel_loop3A_93 = vector.broadcast %parallel_loop3A_90 : i32 to vector<16xi32>
      %parallel_loop3A_94 = arith.minsi %parallel_loop3A_93, %parallel_loop3A_92 : vector<16xi32>
      %parallel_loop3A_95 = arith.constant 0 : i32
      %parallel_loop3A_96 = vector.broadcast %parallel_loop3A_95 : i32 to vector<16xi32>
      %parallel_loop3A_97 = arith.addi %parallel_loop3A_96, %iota3A : vector<16xi32>
      %parallel_loop3A_98 = tpu.vector_load_idx %arg7[%parallel_loop3A_97, %parallel_loop3A_87] : memref<128x128xf32, #tpu.memory_space<vmem>>[vector<16xi32>, vector<16xi32>], vector<16xf32>,
      %parallel_loop3A_99 = tpu.vector_load_idx %arg17[%parallel_loop3A_94, %parallel_loop3A_97] : memref<64x128xf32, #tpu.memory_space<vmem>>[vector<16xi32>, vector<16xi32>], vector<16xf32>,
      %parallel_loop3A_100 = arith.mulf %parallel_loop3A_98, %parallel_loop3A_99 : vector<16xf32>
      tpu.vector_store_idx %arg11[%parallel_loop3A_87, %parallel_loop3A_97], %parallel_loop3A_100 : memref<128x128xf32, #tpu.memory_space<vmem>>[vector<16xi32>, vector<16xi32>], vector<16xf32>,
      %parallel_loop3A_101 = arith.constant 16 : i32
      %parallel_loop3A_102 = vector.broadcast %parallel_loop3A_101 : i32 to vector<16xi32>
      %parallel_loop3A_103 = arith.addi %parallel_loop3A_102, %iota3A : vector<16xi32>
      %parallel_loop3A_104 = tpu.vector_load_idx %arg7[%parallel_loop3A_103, %parallel_loop3A_87] : memref<128x128xf32, #tpu.memory_space<vmem>>[vector<16xi32>, vector<16xi32>], vector<16xf32>,
      %parallel_loop3A_105 = tpu.vector_load_idx %arg17[%parallel_loop3A_94, %parallel_loop3A_103] : memref<64x128xf32, #tpu.memory_space<vmem>>[vector<16xi32>, vector<16xi32>], vector<16xf32>,
      %parallel_loop3A_106 = arith.mulf %parallel_loop3A_104, %parallel_loop3A_105 : vector<16xf32>
      tpu.vector_store_idx %arg11[%parallel_loop3A_87, %parallel_loop3A_103], %parallel_loop3A_106 : memref<128x128xf32, #tpu.memory_space<vmem>>[vector<16xi32>, vector<16xi32>], vector<16xf32>,
      %parallel_loop3A_107 = arith.constant 32 : i32
      %parallel_loop3A_108 = vector.broadcast %parallel_loop3A_107 : i32 to vector<16xi32>
      %parallel_loop3A_109 = arith.addi %parallel_loop3A_108, %iota3A : vector<16xi32>
      %parallel_loop3A_110 = tpu.vector_load_idx %arg7[%parallel_loop3A_109, %parallel_loop3A_87] : memref<128x128xf32, #tpu.memory_space<vmem>>[vector<16xi32>, vector<16xi32>], vector<16xf32>,
      %parallel_loop3A_111 = tpu.vector_load_idx %arg17[%parallel_loop3A_94, %parallel_loop3A_109] : memref<64x128xf32, #tpu.memory_space<vmem>>[vector<16xi32>, vector<16xi32>], vector<16xf32>,
      %parallel_loop3A_112 = arith.mulf %parallel_loop3A_110, %parallel_loop3A_111 : vector<16xf32>
      tpu.vector_store_idx %arg11[%parallel_loop3A_87, %parallel_loop3A_109], %parallel_loop3A_112 : memref<128x128xf32, #tpu.memory_space<vmem>>[vector<16xi32>, vector<16xi32>], vector<16xf32>,
      %parallel_loop3A_113 = arith.constant 48 : i32
      %parallel_loop3A_114 = vector.broadcast %parallel_loop3A_113 : i32 to vector<16xi32>
      %parallel_loop3A_115 = arith.addi %parallel_loop3A_114, %iota3A : vector<16xi32>
      %parallel_loop3A_116 = tpu.vector_load_idx %arg7[%parallel_loop3A_115, %parallel_loop3A_87] : memref<128x128xf32, #tpu.memory_space<vmem>>[vector<16xi32>, vector<16xi32>], vector<16xf32>,
      %parallel_loop3A_117 = tpu.vector_load_idx %arg17[%parallel_loop3A_94, %parallel_loop3A_115] : memref<64x128xf32, #tpu.memory_space<vmem>>[vector<16xi32>, vector<16xi32>], vector<16xf32>,
      %parallel_loop3A_118 = arith.mulf %parallel_loop3A_116, %parallel_loop3A_117 : vector<16xf32>
      tpu.vector_store_idx %arg11[%parallel_loop3A_87, %parallel_loop3A_115], %parallel_loop3A_118 : memref<128x128xf32, #tpu.memory_space<vmem>>[vector<16xi32>, vector<16xi32>], vector<16xf32>,
      %parallel_loop3A_119 = arith.constant 64 : i32
      %parallel_loop3A_120 = vector.broadcast %parallel_loop3A_119 : i32 to vector<16xi32>
      %parallel_loop3A_121 = arith.addi %parallel_loop3A_120, %iota3A : vector<16xi32>
      %parallel_loop3A_122 = tpu.vector_load_idx %arg7[%parallel_loop3A_121, %parallel_loop3A_87] : memref<128x128xf32, #tpu.memory_space<vmem>>[vector<16xi32>, vector<16xi32>], vector<16xf32>,
      %parallel_loop3A_123 = tpu.vector_load_idx %arg17[%parallel_loop3A_94, %parallel_loop3A_121] : memref<64x128xf32, #tpu.memory_space<vmem>>[vector<16xi32>, vector<16xi32>], vector<16xf32>,
      %parallel_loop3A_124 = arith.mulf %parallel_loop3A_122, %parallel_loop3A_123 : vector<16xf32>
      tpu.vector_store_idx %arg11[%parallel_loop3A_87, %parallel_loop3A_121], %parallel_loop3A_124 : memref<128x128xf32, #tpu.memory_space<vmem>>[vector<16xi32>, vector<16xi32>], vector<16xf32>,
      %parallel_loop3A_125 = arith.constant 80 : i32
      %parallel_loop3A_126 = vector.broadcast %parallel_loop3A_125 : i32 to vector<16xi32>
      %parallel_loop3A_127 = arith.addi %parallel_loop3A_126, %iota3A : vector<16xi32>
      %parallel_loop3A_128 = tpu.vector_load_idx %arg7[%parallel_loop3A_127, %parallel_loop3A_87] : memref<128x128xf32, #tpu.memory_space<vmem>>[vector<16xi32>, vector<16xi32>], vector<16xf32>,
      %parallel_loop3A_129 = tpu.vector_load_idx %arg17[%parallel_loop3A_94, %parallel_loop3A_127] : memref<64x128xf32, #tpu.memory_space<vmem>>[vector<16xi32>, vector<16xi32>], vector<16xf32>,
      %parallel_loop3A_130 = arith.mulf %parallel_loop3A_128, %parallel_loop3A_129 : vector<16xf32>
      tpu.vector_store_idx %arg11[%parallel_loop3A_87, %parallel_loop3A_127], %parallel_loop3A_130 : memref<128x128xf32, #tpu.memory_space<vmem>>[vector<16xi32>, vector<16xi32>], vector<16xf32>,
      %parallel_loop3A_131 = arith.constant 96 : i32
      %parallel_loop3A_132 = vector.broadcast %parallel_loop3A_131 : i32 to vector<16xi32>
      %parallel_loop3A_133 = arith.addi %parallel_loop3A_132, %iota3A : vector<16xi32>
      %parallel_loop3A_134 = tpu.vector_load_idx %arg7[%parallel_loop3A_133, %parallel_loop3A_87] : memref<128x128xf32, #tpu.memory_space<vmem>>[vector<16xi32>, vector<16xi32>], vector<16xf32>,
      %parallel_loop3A_135 = tpu.vector_load_idx %arg17[%parallel_loop3A_94, %parallel_loop3A_133] : memref<64x128xf32, #tpu.memory_space<vmem>>[vector<16xi32>, vector<16xi32>], vector<16xf32>,
      %parallel_loop3A_136 = arith.mulf %parallel_loop3A_134, %parallel_loop3A_135 : vector<16xf32>
      tpu.vector_store_idx %arg11[%parallel_loop3A_87, %parallel_loop3A_133], %parallel_loop3A_136 : memref<128x128xf32, #tpu.memory_space<vmem>>[vector<16xi32>, vector<16xi32>], vector<16xf32>,
      %parallel_loop3A_137 = arith.constant 112 : i32
      %parallel_loop3A_138 = vector.broadcast %parallel_loop3A_137 : i32 to vector<16xi32>
      %parallel_loop3A_139 = arith.addi %parallel_loop3A_138, %iota3A : vector<16xi32>
      %parallel_loop3A_140 = tpu.vector_load_idx %arg7[%parallel_loop3A_139, %parallel_loop3A_87] : memref<128x128xf32, #tpu.memory_space<vmem>>[vector<16xi32>, vector<16xi32>], vector<16xf32>,
      %parallel_loop3A_141 = tpu.vector_load_idx %arg17[%parallel_loop3A_94, %parallel_loop3A_139] : memref<64x128xf32, #tpu.memory_space<vmem>>[vector<16xi32>, vector<16xi32>], vector<16xf32>,
      %parallel_loop3A_142 = arith.mulf %parallel_loop3A_140, %parallel_loop3A_141 : vector<16xf32>
      tpu.vector_store_idx %arg11[%parallel_loop3A_87, %parallel_loop3A_139], %parallel_loop3A_142 : memref<128x128xf32, #tpu.memory_space<vmem>>[vector<16xi32>, vector<16xi32>], vector<16xf32>,
    } {sc.loop_unroll_factor = 2 : i64, sc.parallel_access}
    %add3A_58 = arith.constant 3072 : i32
    %add3A_59 = arith.addi %min3A_3, %add3A_58 : i32
    %dma_start3A_60 = arith.constant 0 : i32
    %dma_start3A_61 = tpu.memref_slice %arg6[%add3A_59, %dma_start3A_60] : memref<100000x128xf32, #tpu.memory_space<hbm>> -> memref<128x128xf32, #tpu.memory_space<hbm>>
    %dma_start3A_62 = arith.constant 0 : i32
    %dma_start3A_63 = tpu.memref_slice %arg6[%add3A_59, %dma_start3A_62] : memref<100000x128xf32, #tpu.memory_space<hbm>> -> memref<128x128xf32, #tpu.memory_space<hbm>>
    tpu.enqueue_dma source(%arg11 : memref<128x128xf32, #tpu.memory_space<vmem>>) target(%dma_start3A_63 : memref<128x128xf32, #tpu.memory_space<hbm>>) target_semaphore(%arg26 : memref<!tpu.dma_semaphore, #tpu.memory_space<semaphore_mem>>)
    %add3A_64 = arith.constant 2944 : i32
    %add3A_65 = arith.addi %min3A_3, %add3A_64 : i32
    %dma_wait3A_66 = arith.constant 0 : i32
    %dma_wait3A_67 = tpu.memref_slice %arg6[%add3A_65, %dma_wait3A_66] : memref<100000x128xf32, #tpu.memory_space<hbm>> -> memref<128x128xf32, #tpu.memory_space<hbm>>
    %dma_wait3A_68 = arith.constant 0 : i32
    %dma_wait3A_69 = tpu.memref_slice %arg6[%add3A_65, %dma_wait3A_68] : memref<100000x128xf32, #tpu.memory_space<hbm>> -> memref<128x128xf32, #tpu.memory_space<hbm>>
    tpu.wait_dma2 semaphore(%arg27 : memref<!tpu.dma_semaphore, #tpu.memory_space<semaphore_mem>>) src(%arg12 : memref<128x128xf32, #tpu.memory_space<vmem>>) dst(%dma_wait3A_69 : memref<128x128xf32, #tpu.memory_space<hbm>>)
    %add3A_70 = arith.constant 3072 : i32
    %add3A_71 = arith.addi %min3A_3, %add3A_70 : i32
    %dma_wait3A_72 = arith.constant 0 : i32
    %dma_wait3A_73 = tpu.memref_slice %arg6[%add3A_71, %dma_wait3A_72] : memref<100000x128xf32, #tpu.memory_space<hbm>> -> memref<128x128xf32, #tpu.memory_space<hbm>>
    %dma_wait3A_74 = arith.constant 0 : i32
    %dma_wait3A_75 = tpu.memref_slice %arg6[%add3A_71, %dma_wait3A_74] : memref<100000x128xf32, #tpu.memory_space<hbm>> -> memref<128x128xf32, #tpu.memory_space<hbm>>
    tpu.wait_dma2 semaphore(%arg26 : memref<!tpu.dma_semaphore, #tpu.memory_space<semaphore_mem>>) src(%arg11 : memref<128x128xf32, #tpu.memory_space<vmem>>) dst(%dma_wait3A_75 : memref<128x128xf32, #tpu.memory_space<hbm>>)
    %eq3A = arith.constant 31 : i32
    %eq3A_76 = arith.cmpi eq, %add3A, %eq3A : i32
    %convert_element_type3A = arith.extui %eq3A_76 : i1 to i32
    %cond3A = arith.constant 0 : i32
    %cond3A_77 = arith.cmpi ne, %convert_element_type3A, %cond3A : i32
    scf.if %cond3A_77 {
      "tpu.region"() ({
        %run_scoped3A = tpu.sem_alloc : memref<!tpu.dma_semaphore, #tpu.memory_space<semaphore_mem>>
        tpu.enqueue_dma source(%arg4 : memref<128x128xf32, #tpu.memory_space<hbm>>) target(%arg8 : memref<128x128xf32, #tpu.memory_space<vmem>>) target_semaphore(%run_scoped3A : memref<!tpu.dma_semaphore, #tpu.memory_space<semaphore_mem>>)
        tpu.wait_dma2 semaphore(%run_scoped3A : memref<!tpu.dma_semaphore, #tpu.memory_space<semaphore_mem>>) src(%arg4 : memref<128x128xf32, #tpu.memory_space<hbm>>) dst(%arg8 : memref<128x128xf32, #tpu.memory_space<vmem>>)
        tpu.yield
      }) : () -> ()
      "tpu.region"() ({
        %run_scoped3A = tpu.sem_alloc : memref<!tpu.dma_semaphore, #tpu.memory_space<semaphore_mem>>
        tpu.enqueue_dma source(%arg5 : memref<128xi32, #tpu.memory_space<hbm>>) target(%arg14 : memref<128xi32, #tpu.memory_space<vmem>>) target_semaphore(%run_scoped3A : memref<!tpu.dma_semaphore, #tpu.memory_space<semaphore_mem>>)
        tpu.wait_dma2 semaphore(%run_scoped3A : memref<!tpu.dma_semaphore, #tpu.memory_space<semaphore_mem>>) src(%arg5 : memref<128xi32, #tpu.memory_space<hbm>>) dst(%arg14 : memref<128xi32, #tpu.memory_space<vmem>>)
        tpu.yield
      }) : () -> ()
      %parallel_loop3A_78 = arith.constant 0 : i32
      %parallel_loop3A_79 = arith.constant 128 : i32
      %parallel_loop3A_80 = arith.constant 1 : i32
      scf.for %parallel_loop3A_93 = %parallel_loop3A_78 to %parallel_loop3A_79 step %parallel_loop3A_80  : i32 {
        %parallel_loop3A_94 = arith.constant -16 : i32
        %parallel_loop3A_95 = arith.andi %parallel_loop3A_93, %parallel_loop3A_94 : i32
        %parallel_loop3A_96 = vector.broadcast %parallel_loop3A_93 : i32 to vector<16xi32>
        %parallel_loop3A_97 = arith.addi %iota3A, %parallel_loop3A_96 : vector<16xi32>
        %parallel_loop3A_98 = arith.constant 15 : i32
        %parallel_loop3A_99 = vector.broadcast %parallel_loop3A_98 : i32 to vector<16xi32>
        %parallel_loop3A_100 = arith.andi %parallel_loop3A_97, %parallel_loop3A_99 : vector<16xi32>
        %parallel_loop3A_101 = vector.broadcast %parallel_loop3A_95 : i32 to vector<16xi32>
        %parallel_loop3A_102 = arith.addi %parallel_loop3A_101, %parallel_loop3A_100 : vector<16xi32>
        %parallel_loop3A_103 = tpu.vector_load_idx %arg14[%parallel_loop3A_102] : memref<128xi32, #tpu.memory_space<vmem>>[vector<16xi32>], vector<16xi32>,
        %parallel_loop3A_104 = arith.constant 0 : i32
        %parallel_loop3A_105 = arith.constant 63 : i32
        %parallel_loop3A_106 = vector.broadcast %parallel_loop3A_104 : i32 to vector<16xi32>
        %parallel_loop3A_107 = arith.maxsi %parallel_loop3A_106, %parallel_loop3A_103 : vector<16xi32>
        %parallel_loop3A_108 = vector.broadcast %parallel_loop3A_105 : i32 to vector<16xi32>
        %parallel_loop3A_109 = arith.minsi %parallel_loop3A_108, %parallel_loop3A_107 : vector<16xi32>
        %parallel_loop3A_110 = arith.constant 0 : i32
        %parallel_loop3A_111 = vector.broadcast %parallel_loop3A_110 : i32 to vector<16xi32>
        %parallel_loop3A_112 = arith.addi %parallel_loop3A_111, %iota3A : vector<16xi32>
        %parallel_loop3A_113 = tpu.vector_load_idx %arg8[%parallel_loop3A_112, %parallel_loop3A_102] : memref<128x128xf32, #tpu.memory_space<vmem>>[vector<16xi32>, vector<16xi32>], vector<16xf32>,
        %parallel_loop3A_114 = tpu.vector_load_idx %arg17[%parallel_loop3A_109, %parallel_loop3A_112] : memref<64x128xf32, #tpu.memory_space<vmem>>[vector<16xi32>, vector<16xi32>], vector<16xf32>,
        %parallel_loop3A_115 = arith.mulf %parallel_loop3A_113, %parallel_loop3A_114 : vector<16xf32>
        tpu.vector_store_idx %arg12[%parallel_loop3A_102, %parallel_loop3A_112], %parallel_loop3A_115 : memref<128x128xf32, #tpu.memory_space<vmem>>[vector<16xi32>, vector<16xi32>], vector<16xf32>,
        %parallel_loop3A_116 = arith.constant 16 : i32
        %parallel_loop3A_117 = vector.broadcast %parallel_loop3A_116 : i32 to vector<16xi32>
        %parallel_loop3A_118 = arith.addi %parallel_loop3A_117, %iota3A : vector<16xi32>
        %parallel_loop3A_119 = tpu.vector_load_idx %arg8[%parallel_loop3A_118, %parallel_loop3A_102] : memref<128x128xf32, #tpu.memory_space<vmem>>[vector<16xi32>, vector<16xi32>], vector<16xf32>,
        %parallel_loop3A_120 = tpu.vector_load_idx %arg17[%parallel_loop3A_109, %parallel_loop3A_118] : memref<64x128xf32, #tpu.memory_space<vmem>>[vector<16xi32>, vector<16xi32>], vector<16xf32>,
        %parallel_loop3A_121 = arith.mulf %parallel_loop3A_119, %parallel_loop3A_120 : vector<16xf32>
        tpu.vector_store_idx %arg12[%parallel_loop3A_102, %parallel_loop3A_118], %parallel_loop3A_121 : memref<128x128xf32, #tpu.memory_space<vmem>>[vector<16xi32>, vector<16xi32>], vector<16xf32>,
        %parallel_loop3A_122 = arith.constant 32 : i32
        %parallel_loop3A_123 = vector.broadcast %parallel_loop3A_122 : i32 to vector<16xi32>
        %parallel_loop3A_124 = arith.addi %parallel_loop3A_123, %iota3A : vector<16xi32>
        %parallel_loop3A_125 = tpu.vector_load_idx %arg8[%parallel_loop3A_124, %parallel_loop3A_102] : memref<128x128xf32, #tpu.memory_space<vmem>>[vector<16xi32>, vector<16xi32>], vector<16xf32>,
        %parallel_loop3A_126 = tpu.vector_load_idx %arg17[%parallel_loop3A_109, %parallel_loop3A_124] : memref<64x128xf32, #tpu.memory_space<vmem>>[vector<16xi32>, vector<16xi32>], vector<16xf32>,
        %parallel_loop3A_127 = arith.mulf %parallel_loop3A_125, %parallel_loop3A_126 : vector<16xf32>
        tpu.vector_store_idx %arg12[%parallel_loop3A_102, %parallel_loop3A_124], %parallel_loop3A_127 : memref<128x128xf32, #tpu.memory_space<vmem>>[vector<16xi32>, vector<16xi32>], vector<16xf32>,
        %parallel_loop3A_128 = arith.constant 48 : i32
        %parallel_loop3A_129 = vector.broadcast %parallel_loop3A_128 : i32 to vector<16xi32>
        %parallel_loop3A_130 = arith.addi %parallel_loop3A_129, %iota3A : vector<16xi32>
        %parallel_loop3A_131 = tpu.vector_load_idx %arg8[%parallel_loop3A_130, %parallel_loop3A_102] : memref<128x128xf32, #tpu.memory_space<vmem>>[vector<16xi32>, vector<16xi32>], vector<16xf32>,
        %parallel_loop3A_132 = tpu.vector_load_idx %arg17[%parallel_loop3A_109, %parallel_loop3A_130] : memref<64x128xf32, #tpu.memory_space<vmem>>[vector<16xi32>, vector<16xi32>], vector<16xf32>,
        %parallel_loop3A_133 = arith.mulf %parallel_loop3A_131, %parallel_loop3A_132 : vector<16xf32>
        tpu.vector_store_idx %arg12[%parallel_loop3A_102, %parallel_loop3A_130], %parallel_loop3A_133 : memref<128x128xf32, #tpu.memory_space<vmem>>[vector<16xi32>, vector<16xi32>], vector<16xf32>,
        %parallel_loop3A_134 = arith.constant 64 : i32
        %parallel_loop3A_135 = vector.broadcast %parallel_loop3A_134 : i32 to vector<16xi32>
        %parallel_loop3A_136 = arith.addi %parallel_loop3A_135, %iota3A : vector<16xi32>
        %parallel_loop3A_137 = tpu.vector_load_idx %arg8[%parallel_loop3A_136, %parallel_loop3A_102] : memref<128x128xf32, #tpu.memory_space<vmem>>[vector<16xi32>, vector<16xi32>], vector<16xf32>,
        %parallel_loop3A_138 = tpu.vector_load_idx %arg17[%parallel_loop3A_109, %parallel_loop3A_136] : memref<64x128xf32, #tpu.memory_space<vmem>>[vector<16xi32>, vector<16xi32>], vector<16xf32>,
        %parallel_loop3A_139 = arith.mulf %parallel_loop3A_137, %parallel_loop3A_138 : vector<16xf32>
        tpu.vector_store_idx %arg12[%parallel_loop3A_102, %parallel_loop3A_136], %parallel_loop3A_139 : memref<128x128xf32, #tpu.memory_space<vmem>>[vector<16xi32>, vector<16xi32>], vector<16xf32>,
        %parallel_loop3A_140 = arith.constant 80 : i32
        %parallel_loop3A_141 = vector.broadcast %parallel_loop3A_140 : i32 to vector<16xi32>
        %parallel_loop3A_142 = arith.addi %parallel_loop3A_141, %iota3A : vector<16xi32>
        %parallel_loop3A_143 = tpu.vector_load_idx %arg8[%parallel_loop3A_142, %parallel_loop3A_102] : memref<128x128xf32, #tpu.memory_space<vmem>>[vector<16xi32>, vector<16xi32>], vector<16xf32>,
        %parallel_loop3A_144 = tpu.vector_load_idx %arg17[%parallel_loop3A_109, %parallel_loop3A_142] : memref<64x128xf32, #tpu.memory_space<vmem>>[vector<16xi32>, vector<16xi32>], vector<16xf32>,
        %parallel_loop3A_145 = arith.mulf %parallel_loop3A_143, %parallel_loop3A_144 : vector<16xf32>
        tpu.vector_store_idx %arg12[%parallel_loop3A_102, %parallel_loop3A_142], %parallel_loop3A_145 : memref<128x128xf32, #tpu.memory_space<vmem>>[vector<16xi32>, vector<16xi32>], vector<16xf32>,
        %parallel_loop3A_146 = arith.constant 96 : i32
        %parallel_loop3A_147 = vector.broadcast %parallel_loop3A_146 : i32 to vector<16xi32>
        %parallel_loop3A_148 = arith.addi %parallel_loop3A_147, %iota3A : vector<16xi32>
        %parallel_loop3A_149 = tpu.vector_load_idx %arg8[%parallel_loop3A_148, %parallel_loop3A_102] : memref<128x128xf32, #tpu.memory_space<vmem>>[vector<16xi32>, vector<16xi32>], vector<16xf32>,
        %parallel_loop3A_150 = tpu.vector_load_idx %arg17[%parallel_loop3A_109, %parallel_loop3A_148] : memref<64x128xf32, #tpu.memory_space<vmem>>[vector<16xi32>, vector<16xi32>], vector<16xf32>,
        %parallel_loop3A_151 = arith.mulf %parallel_loop3A_149, %parallel_loop3A_150 : vector<16xf32>
        tpu.vector_store_idx %arg12[%parallel_loop3A_102, %parallel_loop3A_148], %parallel_loop3A_151 : memref<128x128xf32, #tpu.memory_space<vmem>>[vector<16xi32>, vector<16xi32>], vector<16xf32>,
        %parallel_loop3A_152 = arith.constant 112 : i32
        %parallel_loop3A_153 = vector.broadcast %parallel_loop3A_152 : i32 to vector<16xi32>
        %parallel_loop3A_154 = arith.addi %parallel_loop3A_153, %iota3A : vector<16xi32>
        %parallel_loop3A_155 = tpu.vector_load_idx %arg8[%parallel_loop3A_154, %parallel_loop3A_102] : memref<128x128xf32, #tpu.memory_space<vmem>>[vector<16xi32>, vector<16xi32>], vector<16xf32>,
        %parallel_loop3A_156 = tpu.vector_load_idx %arg17[%parallel_loop3A_109, %parallel_loop3A_154] : memref<64x128xf32, #tpu.memory_space<vmem>>[vector<16xi32>, vector<16xi32>], vector<16xf32>,
        %parallel_loop3A_157 = arith.mulf %parallel_loop3A_155, %parallel_loop3A_156 : vector<16xf32>
        tpu.vector_store_idx %arg12[%parallel_loop3A_102, %parallel_loop3A_154], %parallel_loop3A_157 : memref<128x128xf32, #tpu.memory_space<vmem>>[vector<16xi32>, vector<16xi32>], vector<16xf32>,
      } {sc.loop_unroll_factor = 2 : i64, sc.parallel_access}
      %dma_start3A_81 = arith.constant 99872 : i32
      %dma_start3A_82 = arith.constant 0 : i32
      %dma_start3A_83 = tpu.memref_slice %arg6[%dma_start3A_81, %dma_start3A_82] : memref<100000x128xf32, #tpu.memory_space<hbm>> -> memref<128x128xf32, #tpu.memory_space<hbm>>
      %dma_start3A_84 = arith.constant 99872 : i32
      %dma_start3A_85 = arith.constant 0 : i32
      %dma_start3A_86 = tpu.memref_slice %arg6[%dma_start3A_84, %dma_start3A_85] : memref<100000x128xf32, #tpu.memory_space<hbm>> -> memref<128x128xf32, #tpu.memory_space<hbm>>
      tpu.enqueue_dma source(%arg12 : memref<128x128xf32, #tpu.memory_space<vmem>>) target(%dma_start3A_86 : memref<128x128xf32, #tpu.memory_space<hbm>>) target_semaphore(%arg27 : memref<!tpu.dma_semaphore, #tpu.memory_space<semaphore_mem>>)
      %dma_wait3A_87 = arith.constant 99872 : i32
      %dma_wait3A_88 = arith.constant 0 : i32
      %dma_wait3A_89 = tpu.memref_slice %arg6[%dma_wait3A_87, %dma_wait3A_88] : memref<100000x128xf32, #tpu.memory_space<hbm>> -> memref<128x128xf32, #tpu.memory_space<hbm>>
      %dma_wait3A_90 = arith.constant 99872 : i32
      %dma_wait3A_91 = arith.constant 0 : i32
      %dma_wait3A_92 = tpu.memref_slice %arg6[%dma_wait3A_90, %dma_wait3A_91] : memref<100000x128xf32, #tpu.memory_space<hbm>> -> memref<128x128xf32, #tpu.memory_space<hbm>>
      tpu.wait_dma2 semaphore(%arg27 : memref<!tpu.dma_semaphore, #tpu.memory_space<semaphore_mem>>) src(%arg12 : memref<128x128xf32, #tpu.memory_space<vmem>>) dst(%dma_wait3A_92 : memref<128x128xf32, #tpu.memory_space<hbm>>)
    } else {
    }
    return
  }
}

</mosaic_0001>

<sc_bundles>
// kernel: kernel.3.cloned.1.call-start
scs
__scs_entry_jumppad:
0x0: {  	(pc) =	sbr.rel $0x88, $3  }
0x1: {  	(tag) =	ssettag $0x0;
	lr =	simm.s32 $0x1  }
0x2: {  	[smem:$0x3F9F] =	sst lr;
	_ =	strace $0xD0000000  }
0x3: {  	_ = 	snop  }
0x4: {  	_ = 	snop  }
0x5: {  	_ = 	snop  }
0x6: {  	_ = 	snop  }
0x7: {  	_ = 	snop  }
__scs_overlays_trampoline_lowered:
0x8: {  	[smem:$0x3FAE] =	sst s0  }
0x9: {  	[smem:$0x3FAF] =	sst s1  }
0xa: {  	[smem:$0x3FB0] =	sst s2  }
0xb: {  	[smem:$0x3FB1] =	sst s3  }
0xc: {  	[smem:$0x3FB2] =	sst s4  }
0xd: {  	[smem:$0x3FB3] =	sst s5  }
0xe: {  	[smem:$0x3FB4] =	sst s6  }
0xf: {  	[smem:$0x3FB5] =	sst s7  }
0x10: {  	[smem:$0x3FB6] =	sst s8  }
0x11: {  	[smem:$0x3FB7] =	sst s9;
	s0 =	simm.s32 @!p0 $0x0  }
0x12: {  	s1 =	sld [smem:$0x3F9D];
	s0 =	simm.s32 @p0 $0x1  }
0x13: {  	[smem:$0x3FB8] =	sst s0;
	s0 =	simm.s32 @!p1 $0x0  }
0x14: {  	s2 =	sld [smem:$0x3F9C];
	s0 =	simm.s32 @p1 $0x1  }
0x15: {  	[smem:$0x3FB9] =	sst s0;
	s0 =	simm.s32 @!p2 $0x0  }
0x16: {  	s3 =	sld [smem:$0x3FDB];
	s0 =	simm.s32 @p2 $0x1  }
0x17: {  	s4 =	simm.s32 $0x1BF5;
	[smem:$0x3FBB] =	sst s0  }
0x18: {  	s0 =	sld [smem:$0x3F9E];
	_ =	swait.ge [sflag:s4], $0x0  }
0x19: {  	s7 =	sld [smem:$0x3F9F]  }
0x1a: {  	s8 =	sadd.s32 $0xFFFFE003, lr  }
0x1b: {  	s9 =	sadd.s32 $0xFFFFFEF7, lr;
	s5 =	simm.s32 $0xFFFFFFFF;
	p2 =	slt.u32 s8, $0xFFFFF086  }
0x1c: {  	p1 =	slt.u32 s9, $0xF7A;
	s5 =	simm.s32 @!p2 $0x0  }
0x1d: {  	s5 =	simm.s32 @p1 $0x1;
	p0 =	seq.s32 s7, s2  }
0x1e: {  	s7 =	smul.u32 @!p0 $0xF7A, s2;
	p2 =	seq.s32 @!p0 s5, $0x0  }
0x1f: {  	s9 =	smul.u32 $0xF7A, s1;
	s8 =	simm.s32 @!p0 $0x1BF5;
	p2 =	por !p2, p0  }
0x20: {  	[sflag:s8] =	ssyncset.s32 @!p0 $0xFFFFF086;
	s6 =	sadd.s32 @!p0 s3, s7;
	s7 =	simm.s32 @!p0 $0x108  }
0x21: {  	s3 =	sadd.s32 s3, s9;
	s6 =	sadd.s32 @!p0 $0x88, s6;
	s7 =	simm.s32 @p2 $0x1082  }
0x22: {  	[simem:s7], [sflag:s8] =	dma.local @!p0 [hbm:s6], $0xF7A  }
0x23: {  	s9 =	sor.u32 $0xD0000000, s2;
	s6 =	simm.s32 $0x108;
	_ =	swait.ge @!p0 [sflag:s8], $0x0  }
0x24: {  	s3 =	sadd.s32 $0x88, s3;
	s6 =	simm.s32 @!p1 $0x1082;
	[sflag:s4] =	ssyncset.s32 $0xFFFFF086  }
0x25: {  	[simem:s6], [sflag:s4] =	dma.local [hbm:s3], $0xF7A  }
0x26: {  	[smem:$0x3F9F] =	sst s1;
	(tag) =	ssettag s2;
	_ =	strace s9  }
0x27: {  	s1 =	sld [smem:$0x3FAF]  }
0x28: {  	s2 =	sld [smem:$0x3FB0]  }
0x29: {  	s4 =	sld [smem:$0x3FB2]  }
0x2a: {  	p0 =	seq.s32 s5, $0x0;
	s5 =	sld [smem:$0x3FB3]  }
0x2b: {  	s6 =	sld [smem:$0x3FB4]  }
0x2c: {  	s7 =	sld [smem:$0x3FB5]  }
0x2d: {  	s3 =	simm.s32 $0x108;
	s8 =	sld [smem:$0x3FB6]  }
0x2e: {  	s3 =	simm.s32 @!p0 $0x1082;
	s9 =	sld [smem:$0x3FB7]  }
0x2f: {  	lr =	sadd.s32 s0, s3;
	s0 =	sld [smem:$0x3FAE]  }
0x30: {  	s3 =	sld [smem:$0x3FB1]  }
0x31: {  	[smem:$0x3FBA] =	sst s10  }
0x32: {  	s10 =	sld [smem:$0x3FB8];
	_ =	sdelay $0x3  }
0x33: {  	p0 =	seq.s32 s10, $0x1;
	s10 =	sld [smem:$0x3FBA];
	_ =	sdelay $0x3  }
0x34: {  	[smem:$0x3FBA] =	sst s10  }
0x35: {  	s10 =	sld [smem:$0x3FB9];
	_ =	sdelay $0x3  }
0x36: {  	p1 =	seq.s32 s10, $0x1;
	s10 =	sld [smem:$0x3FBA];
	_ =	sdelay $0x3  }
0x37: {  	[smem:$0x3FBA] =	sst s10  }
0x38: {  	s10 =	sld [smem:$0x3FBB]  }
0x39: {  	_ = 	snop;
	(pc) =	sbr.ind lr, $3  }
0x3a: {  	_ = 	snop  }
0x3b: {  	_ = 	snop  }
0x3c: {  	p2 =	seq.s32 s10, $0x1;
	s10 =	sld [smem:$0x3FBA]  }
0x3d: {  	_ =	shalt  }
0x3e: {  	_ =	shalt  }
0x3f: {  	_ =	shalt  }
0x40: {  	_ =	shalt  }
0x41: {  	_ =	shalt  }
0x42: {  	_ =	shalt  }
0x43: {  	_ =	shalt  }
0x44: {  	_ =	shalt  }
0x45: {  	_ =	shalt  }
0x46: {  	_ =	shalt  }
0x47: {  	_ =	shalt  }
0x48: {  	_ =	shalt  }
0x49: {  	_ =	shalt  }
0x4a: {  	_ =	shalt  }
0x4b: {  	_ =	shalt  }
0x4c: {  	_ =	shalt  }
0x4d: {  	_ =	shalt  }
0x4e: {  	_ =	shalt  }
0x4f: {  	_ =	shalt  }
0x50: {  	_ =	shalt  }
0x51: {  	_ =	shalt  }
0x52: {  	_ =	shalt  }
0x53: {  	_ =	shalt  }
0x54: {  	_ =	shalt  }
0x55: {  	_ =	shalt  }
0x56: {  	_ =	shalt  }
0x57: {  	_ =	shalt  }
0x58: {  	_ =	shalt  }
0x59: {  	_ =	shalt  }
0x5a: {  	_ =	shalt  }
0x5b: {  	_ =	shalt  }
0x5c: {  	_ =	shalt  }
0x5d: {  	_ =	shalt  }
0x5e: {  	_ =	shalt  }
0x5f: {  	_ =	shalt  }
0x60: {  	_ =	shalt  }
0x61: {  	_ =	shalt  }
0x62: {  	_ =	shalt  }
0x63: {  	_ =	shalt  }
0x64: {  	_ =	shalt  }
0x65: {  	_ =	shalt  }
0x66: {  	_ =	shalt  }
0x67: {  	_ =	shalt  }
0x68: {  	_ =	shalt  }
0x69: {  	_ =	shalt  }
0x6a: {  	_ =	shalt  }
0x6b: {  	_ =	shalt  }
0x6c: {  	_ =	shalt  }
0x6d: {  	_ =	shalt  }
0x6e: {  	_ =	shalt  }
0x6f: {  	_ =	shalt  }
0x70: {  	_ =	shalt  }
0x71: {  	_ =	shalt  }
0x72: {  	_ =	shalt  }
0x73: {  	_ =	shalt  }
0x74: {  	_ =	shalt  }
0x75: {  	_ =	shalt  }
0x76: {  	_ =	shalt  }
0x77: {  	_ =	shalt  }
0x78: {  	_ =	shalt  }
0x79: {  	_ =	shalt  }
0x7a: {  	_ =	shalt  }
0x7b: {  	_ =	shalt  }
0x7c: {  	_ =	shalt  }
0x7d: {  	_ =	shalt  }
0x7e: {  	_ =	shalt  }
0x7f: {  	_ =	shalt  }
0x80: {  	_ =	shalt  }
0x81: {  	_ =	shalt  }
0x82: {  	_ =	shalt  }
0x83: {  	_ =	shalt  }
0x84: {  	_ =	shalt  }
0x85: {  	_ =	shalt  }
0x86: {  	_ =	shalt  }
0x87: {  	_ =	shalt  }
.Lfunc_end0:
.L_simem_size_0:
called_computation_lowered:
.L_overlay_start_0:
0x88: {  	s2 =	sld [smem:$0x3FD9]  }
0x89: {  	s3 =	sld [smem:$0x3FFE];
	_ =	sdelay $0x1  }
0x8a: {  	s1 =	srdreg.scid  }
0x8b: {  	s0 =	sand.u32 $0x1, s1  }
0x8c: {  	s17 =	sshll.u32 s0, $0xA;
	s2 =	sadd.s32 s3, s2  }
0x8d: {  	s2 =	sadd.s32 s2, s17  }
0x8e: {  	[smem:$0x3FC6] =	sst s2  }
0x8f: {  	_ = 	snop  }
0x90: {  	s2 =	sld [smem:$0x3FD0];
	(tm) =	ssettm $0x1  }
0x91: {  	s18 =	sld [smem:$0x3FFB];
	_ =	sdelay $0x3  }
0x92: {  	_ =	strace s18  }
0x93: {  	s3 =	sld [smem:$0x3FFC];
	_ =	sdelay $0x3  }
0x94: {  	_ =	strace s3  }
0x95: {  	s3 =	sld [smem:$0x3FFD];
	_ =	sdelay $0x3  }
0x96: {  	_ =	strace s3  }
0x97: {  	_ =	strace $0x8FFFFFFF  }
0x98: {  	s19 =	sld [smem:$0x3FDB];
	_ =	sdelay $0x1  }
0x99: {  	s4 =	simm.s32 $_scs_section_size  }
0x9a: {  	s5 =	simm.s32 $_size__tile_overlayer_lowered;
	s6 =	simm.s32 $_tile_overlayer_lowered  }
0x9b: {  	s22 =	simm.s32 $0x1BFF;
	s21 =	sshll.u32 s6, $0x1;
	s3 =	sadd.s32 s4, s19  }
0x9c: {  	s7 =	simm.s32 $0x0;
	s20 =	sshll.u32 s5, $0x1;
	s5 =	sadd.s32 s21, s3  }
0x9d: {  	[timem:s7], [sflag:s22] =	dma.local [hbm:s5], s20  }
0x9e: {  	_ =	swait.ge [sflag:s22], s20  }
0x9f: {  	s4 =	ssub.s32 $0x0, s20;
	[sflag:s22] =	ssyncset.done $0x0  }
0xa0: {  	[sflag:s22] =	ssyncadd.s32 s4;
	_ =	sdelay $0x1  }
0xa1: {  	s23 =	simm.s32 $0x1B8B  }
0xa2: {  	_ =	swait.ge [sflag:s23], $0x1  }
0xa3: {  	[sflag:s23] =	ssyncset.done $0x0  }
0xa4: {  	s25 =	simm.s32 $0x1B8E;
	s24 =	sld [smem:$0x3FFE];
	[sflag:s23] =	ssyncadd.s32 $0xFFFFFFFF  }
0xa5: {  	s26 =	simm.s32 $execute0_lowered;
	[smem:$0x3FD2] =	sst s25  }
0xa6: {  	s5 =	sshll.u32 s26, $0x1;
	_ =	strace $0x80000046;
	[dreg:$0x1] =	wrdreg $0xFFFFFFFF  }
0xa7: {  	s28 =	simm.s32 $_size_execute0_lowered;
	s3 =	sadd.s32 s3, s5;
	[dreg:$0x0] =	wrdreg $0x0  }
0xa8: {  	s5 =	sshll.u32 s28, $0x1;
	[dreg:$0x2] =	wrdreg s3  }
0xa9: {  	[dreg:$0x3] =	wrdreg s5  }
0xaa: {  	[dreg:$0x4] =	wrdreg $0xC0  }
0xab: {  	_ =	task [dreg:s7], $0x5FFFF  }
0xac: {  	[dreg:$0x1] =	wrdreg $0xFFFFFFFF  }
0xad: {  	[dreg:$0x0] =	wrdreg $0x60  }
0xae: {  	[dreg:$0x2] =	wrdreg s24  }
0xaf: {  	[dreg:$0x3] =	wrdreg s2  }
0xb0: {  	[dreg:$0x4] =	wrdreg $0x9  }
0xb1: {  	_ =	task.clear_ibuf [dreg:s7], $0x5FFFF;
	_ =	strace $0x90000046  }
0xb2: {  	s29 =	simm.s32 $0x9;
	_ =	strace $0x80000048  }
0xb3: {  	_ =	swait.ge [sflag:s29], $0x1  }
0xb4: {  	[sflag:s29] =	ssyncadd.s32 $0xFFFFFFFF  }
0xb5: {  	_ =	strace $0x90000048  }
0xb6: {  	_ =	sfence  }
0xb7: {  	s30 =	sld [smem:$0x0];
	_ =	sdelay $0x2  }
0xb8: {  	s31 =	sshll.u32 s1, $0xD;
	s1 =	sshrl.u32 s1, $0x2  }
0xb9: {  	s3 =	sand.u32 $0x4000, s31;
	s1 =	sadd.s32 s1, s30  }
0xba: {  	s0 =	sor.u32 s3, s0;
	s1 =	sshll.u32 s1, $0x11  }
0xbb: {  	s0 =	sor.u32 s1, s0  }
0xbc: {  	s0 =	sadd.s32 $0x8F2B, s0  }
0xbd: {  	[sflag:s0] =	ssyncadd.remote.s32 $0x1  }
0xbe: {  	_ =	sfence.sel $0xFFFF  }
0xbf: {  	[dreg:$0x0] =	wrdreg $0xFFFFFFFF;
	(pc) =	sbr.abs _section_cstart, $3  }
0xc0: {  	[dreg:$0x1] =	wrdreg $0xFFFFFFFF  }
0xc1: {  	_ =	task.clear_ibuf [dreg:s7], $0x2FFFF;
	_ =	strace $0x9FFFFFFF  }
0xc2: {  	(tm) =	ssettm $0x7FFFFFFF  }
0xc3: {  	_ =	shalt  }
tec
execute0_lowered:
.L_overlay_start_1:
0x0: {  	(tag) =	ssettag $0x1  }
0x1: {  	s0 =	rddreg [dreg:$0x0]  }
0x2: {  	s8 =	rddreg [dreg:$0x1];
	s1 =	srdreg.scid  }
0x3: {  	s2 =	stileid.u32;
	s3 =	simm.s32 $0x0;
	s29 =	simm.s32 $0xC3800  }
0x4: {  	s31 =	simm.s32 $0x18200;
	s10 =	simm.s32 $0x18180;
	s11 =	simm.s32 $0x1  }
0x5: {  	s1 =	sand.u32 $0x1, s1;
	[smem:$0x7FF] =	sst s3;
	s5 =	sadd.s32 $0x200, s0  }
0x6: {  	s4 =	sshll.u32 s2, $0x1;
	s12 =	sadd.s32 $0x18A600, s0;
	s28 =	sadd.s32 $0x186200, s8  }
0x7: {  	s6 =	sor.u32 s1, s4;
	_ =	strace $0x80000047;
	s4 =	sadd.s32 $0x3600, s0  }
0x8: {  	[dreg:$0x3] =	wrdreg s12;
	s1 =	ssub.s32 $0x2, s1;
	s0 =	sadd.s32 $0x3400, s0  }
0x9: {  	[dreg:$0x17] =	wrdreg s28;
	s7 =	smul.u32 $0xC80, s6;
	s13 =	sshrl.u32 s1, $0x1  }
0xa: {  	s30 =	simm.s32 $0x9;
	[dreg:$0x4] =	wrdreg s0;
	s0 =	ssub.s32 s1, s13  }
0xb: {  	s12 =	simm.s32 $0x5;
	s7 =	smin.u32 s7, $0x17A00;
	s0 =	smax.u32 s0, $0x1  }
0xc: {  	p0 =	sne.s32 s6, $0x1F;
	s9 =	sadd.s32 s4, s7;
	[dreg:$0x16] =	wrdreg s0  }
0xd: {  	s6 =	simm.s32 $0x18080;
	s15 =	sadd.s32 $0x80, s7;
	[dreg:$0x6] =	wrdreg s9  }
0xe: {  	s13 =	simm.s32 $0xA;
	s17 =	sadd.s32 $0x100, s7;
	[dreg:$0x5] =	wrdreg s15  }
0xf: {  	s14 =	sshrl.u32 s7, $0x3;
	s19 =	sadd.s32 $0x180, s7;
	[dreg:$0xa] =	wrdreg s17  }
0x10: {  	s22 =	sshll.u32 s7, $0x4;
	s1 =	sadd.s32 s5, s14;
	[dreg:$0xc] =	wrdreg s19  }
0x11: {  	s7 =	sshrl.u32 s7, $0x7;
	s2 =	sadd.s32 s4, s15;
	[dreg:$0x7] =	wrdreg s1  }
0x12: {  	s0 =	simm.s32 $0x18000;
	s18 =	sadd.s32 s4, s17;
	[dreg:$0x8] =	wrdreg s2  }
0x13: {  	s16 =	sshrl.u32 s15, $0x3;
	s20 =	sadd.s32 s4, s19;
	[dreg:$0xb] =	wrdreg s18  }
0x14: {  	s21 =	sshrl.u32 s19, $0x3;
	s23 =	sadd.s32 $0x4, s7;
	[dreg:$0xe] =	wrdreg s20  }
0x15: {  	s24 =	sadd.s32 $0x5, s7;
	s25 =	sadd.s32 $0x6, s7;
	[dreg:$0x11] =	wrdreg s23  }
0x16: {  	s26 =	sadd.s32 $0x7, s7;
	s7 =	simm.s32 $0x8000;
	[dreg:$0x12] =	wrdreg s24  }
0x17: {  	s9 =	simm.s32 $0xC000;
	s14 =	simm.s32 $0x10000;
	[dreg:$0x13] =	wrdreg s25  }
0x18: {  	s15 =	simm.s32 $0x0;
	s1 =	sadd.s32 s5, s16;
	[dreg:$0x14] =	wrdreg s26  }
0x19: {  	s16 =	simm.s32 $0x400;
	s26 =	simm.s32 $0x18100;
	s18 =	simm.s32 $0x14000  }
0x1a: {  	v0 =	vlaneseq.u32;
	s24 =	simm.s32 $0x3;
	[dreg:$0x9] =	wrdreg s1;
	s1 =	sshrl.u32 s17, $0x3  }
.Ltmp0:
0x1b: {  	v1 =	vmul.u32 $0x80, v0;
	v3 =	vor.u32 $0x10, v0;
	v5 =	vor.u32 $0x20, v0;
	s25 =	simm.s32 $0x7;
	s1 =	sadd.s32 s5, s1;
	(pc) =	sbr.rel .LBB2_1-.Ltmp0, $4  }
0x1c: {  	v7 =	vor.u32 $0x30, v0;
	v9 =	vor.u32 $0x40, v0;
	v11 =	vor.u32 $0x50, v0;
	s23 =	simm.s32 $0x4;
	[dreg:$0xd] =	wrdreg s1;
	s1 =	sadd.s32 s5, s21  }
0x1d: {  	v13 =	vor.u32 $0x60, v0;
	v15 =	vor.u32 $0x70, v0;
	v2 =	vor.u32 $0x800, v1;
	s20 =	simm.s32 $0x0;
	[dreg:$0xf] =	wrdreg s1;
	s1 =	sadd.s32 s8, s22  }
0x1e: {  	v4 =	vor.u32 $0x1000, v1;
	v6 =	vor.u32 $0x1800, v1;
	v8 =	vor.u32 $0x2000, v1;
	s17 =	smov.u32 s8;
	[dreg:$0x10] =	wrdreg s1;
	s1 =	sadd.s32 $0xC000, s1  }
0x1f: {  	v10 =	vor.u32 $0x2800, v1;
	v12 =	vor.u32 $0x3000, v1;
	v14 =	vor.u32 $0x3800, v1;
	s8 =	simm.s32 $0x8;
	[dreg:$0x15] =	wrdreg s1;
	s1 =	simm.s32 $0x4000  }
.LBB2_20:
0x20: {  	s15 =	sadd.s32 $0x1, s15;
	s2 =	rddreg [dreg:$0x16]  }
0x21: {  	p1 =	sne.s32 s15, s2  }
.Ltmp1:
0x22: {  	_ = 	snop;
	(pc) =	sbr.rel @!p1 .LBB2_21-.Ltmp1, $2  }
0x23: {  	_ =	sdelay $0x2  }
0x24: {  	s16 =	simm.s32 $0x400  }
.LBB2_1:
0x25: {  	v16 =	vadd.s32 s3, v0  }
0x26: {  	s22 =	sand.u32 $0x30, s3;
	v16 =	vand.u32 $0xF, v16  }
0x27: {  	v26 =	vor.u32 s22, v16  }
0x28: {  	[tilespmem:s3], [sflag:$0xB] =	stream.strided.gather [hbm4b:s4+s16], $0x4000, s29, s16, $0x38;
	v16 =	vor.u32 v1, v26;
	[tilespmem:$0x1A200] =	vst v63  }
0x29: {  	[dreg:$0x18] =	wrdreg s15;
	s2 =	simm.s32 $0xB  }
0x2a: {  	_ =	swait.ge [sflag:s2], $0x4000  }
0x2b: {  	[sflag:s2] =	ssyncset.done $0x0  }
0x2c: {  	[sflag:s2] =	ssyncadd.s32 $0xFFFFC000  }
0x2d: {  	v17 =	vld.idx.msk [tilespmem:v16+s3+$0x0], $0xffff  }
0x2e: {  	s28 =	simm.s32 $0x1;
	v16 =	vshll.u32 v26, $0x7  }
0x2f: {  	v19 =	vadd.s32 s28, v0;
	v18 =	vor.u32 v0, v16  }
0x30: {  	s15 =	sand.u32 $0x30, s28;
	v19 =	vand.u32 $0xF, v19;
	v20 =	vor.u32 v2, v26  }
0x31: {  	v19 =	vor.u32 s15, v19  }
0x32: {  	v21 =	vor.u32 v1, v19;
	v17 =	vmul.f32 v17, v17;
	_ =	sdelay $0x1  }
0x33: {  	[tilespmem:v18+s31+$0x0] =	vst.idx.msk $0xffff, v17  }
0x34: {  	v18 =	vld.idx.msk [tilespmem:v20+s3+$0x0], $0xffff;
	_ =	sdelay $0x1  }
0x35: {  	v22 =	vor.u32 v3, v16;
	v21 =	vld.idx.msk [tilespmem:v21+s3+$0x0], $0xffff  }
0x36: {  	v23 =	vor.u32 v4, v26;
	v17 =	vshll.u32 v19, $0x7  }
0x37: {  	s2 =	simm.s32 $0x2;
	v24 =	vor.u32 v0, v17  }
0x38: {  	v25 =	vor.u32 v2, v19;
	v20 =	vadd.s32 s2, v0;
	v18 =	vmul.f32 v18, v18  }
0x39: {  	s15 =	sand.u32 $0x30, s2;
	v20 =	vand.u32 $0xF, v20  }
0x3a: {  	v21 =	vmul.f32 v21, v21;
	v20 =	vor.u32 s15, v20;
	[tilespmem:v22+s31+$0x0] =	vst.idx.msk $0xffff, v18  }
0x3b: {  	v18 =	vor.u32 v1, v20;
	v22 =	vld.idx.msk [tilespmem:v23+s3+$0x0], $0xffff  }
0x3c: {  	[tilespmem:v24+s31+$0x0] =	vst.idx.msk $0xffff, v21  }
0x3d: {  	v21 =	vor.u32 v5, v16;
	v23 =	vld.idx.msk [tilespmem:v25+s3+$0x0], $0xffff  }
0x3e: {  	v24 =	vor.u32 v6, v26  }
0x3f: {  	v27 =	vor.u32 v3, v17  }
0x40: {  	v25 =	vld.idx.msk [tilespmem:v18+s3+$0x0], $0xffff;
	v22 =	vmul.f32 v22, v22  }
0x41: {  	s19 =	simm.s32 $0x3;
	v28 =	vor.u32 v4, v19;
	v18 =	vshll.u32 v20, $0x7  }
0x42: {  	v30 =	vadd.s32 s19, v0;
	v29 =	vor.u32 v0, v18;
	v23 =	vmul.f32 v23, v23;
	[tilespmem:v21+s31+$0x0] =	vst.idx.msk $0xffff, v22  }
0x43: {  	s15 =	sand.u32 $0x30, s19;
	v22 =	vor.u32 v2, v20;
	v21 =	vand.u32 $0xF, v30;
	v24 =	vld.idx.msk [tilespmem:v24+s3+$0x0], $0xffff  }
0x44: {  	[tilespmem:v27+s31+$0x0] =	vst.idx.msk $0xffff, v23;
	v21 =	vor.u32 s15, v21  }
0x45: {  	v23 =	vor.u32 v7, v16;
	v25 =	vmul.f32 v25, v25;
	v27 =	vor.u32 v1, v21  }
0x46: {  	v28 =	vld.idx.msk [tilespmem:v28+s3+$0x0], $0xffff  }
0x47: {  	[tilespmem:v29+s31+$0x0] =	vst.idx.msk $0xffff, v25;
	v25 =	vor.u32 v8, v26  }
0x48: {  	v30 =	vor.u32 v5, v17;
	v29 =	vld.idx.msk [tilespmem:v22+s3+$0x0], $0xffff;
	v22 =	vmul.f32 v24, v24  }
0x49: {  	v24 =	vor.u32 v6, v19  }
0x4a: {  	v31 =	vor.u32 v3, v18;
	[tilespmem:v23+s31+$0x0] =	vst.idx.msk $0xffff, v22;
	v23 =	vld.idx.msk [tilespmem:v27+s3+$0x0], $0xffff  }
0x4b: {  	v28 =	vmul.f32 v28, v28;
	v27 =	vor.u32 v4, v20;
	v22 =	vshll.u32 v21, $0x7  }
0x4c: {  	s21 =	simm.s32 $0x4;
	v25 =	vld.idx.msk [tilespmem:v25+s3+$0x0], $0xffff;
	v32 =	vor.u32 v0, v22  }
0x4d: {  	v33 =	vadd.s32 s21, v0;
	[tilespmem:v30+s31+$0x0] =	vst.idx.msk $0xffff, v28;
	v29 =	vmul.f32 v29, v29  }
0x4e: {  	v33 =	vand.u32 $0xF, v33;
	s15 =	sand.u32 $0x30, s21;
	v28 =	vor.u32 v2, v21;
	v30 =	vor.u32 v9, v16;
	v34 =	vld.idx.msk [tilespmem:v24+s3+$0x0], $0xffff  }
0x4f: {  	v24 =	vor.u32 s15, v33;
	[tilespmem:v31+s31+$0x0] =	vst.idx.msk $0xffff, v29;
	v29 =	vor.u32 v10, v26;
	v23 =	vmul.f32 v23, v23  }
0x50: {  	v31 =	vor.u32 v7, v17;
	v33 =	vor.u32 v1, v24;
	v27 =	vld.idx.msk [tilespmem:v27+s3+$0x0], $0xffff  }
0x51: {  	v25 =	vmul.f32 v25, v25;
	[tilespmem:v32+s31+$0x0] =	vst.idx.msk $0xffff, v23;
	v23 =	vor.u32 v8, v19  }
0x52: {  	v51 =	vor.u32 v5, v18  }
0x53: {  	v28 =	vld.idx.msk [tilespmem:v28+s3+$0x0], $0xffff;
	[tilespmem:v30+s31+$0x0] =	vst.idx.msk $0xffff, v25;
	v30 =	vmul.f32 v34, v34  }
0x54: {  	v25 =	vor.u32 v6, v20;
	v29 =	vld.idx.msk [tilespmem:v29+s3+$0x0], $0xffff  }
0x55: {  	v52 =	vor.u32 v3, v22;
	v27 =	vmul.f32 v27, v27;
	[tilespmem:v31+s31+$0x0] =	vst.idx.msk $0xffff, v30;
	v30 =	vld.idx.msk [tilespmem:v33+s3+$0x0], $0xffff  }
0x56: {  	s22 =	simm.s32 $0x5;
	v53 =	vor.u32 v11, v16;
	v31 =	vor.u32 v4, v21;
	v36 =	vld.idx.msk [tilespmem:v23+s3+$0x0], $0xffff;
	v23 =	vshll.u32 v24, $0x7  }
0x57: {  	v35 =	vadd.s32 s22, v0;
	[tilespmem:v51+s31+$0x0] =	vst.idx.msk $0xffff, v27;
	v27 =	vor.u32 v12, v26;
	v55 =	vor.u32 v0, v23  }
0x58: {  	v62 =	vor.u32 v14, v26;
	v38 =	vor.u32 v2, v24;
	v28 =	vmul.f32 v28, v28  }
0x59: {  	v54 =	vand.u32 $0xF, v35;
	v39 =	vor.u32 v9, v17;
	s15 =	sand.u32 $0x30, s22;
	v37 =	vld.idx.msk [tilespmem:v25+s3+$0x0], $0xffff;
	v29 =	vmul.f32 v29, v29  }
0x5a: {  	v25 =	vor.u32 s15, v54;
	[tilespmem:v52+s31+$0x0] =	vst.idx.msk $0xffff, v28;
	v28 =	vor.u32 v10, v19;
	v30 =	vmul.f32 v30, v30  }
0x5b: {  	v61 =	vor.u32 v13, v16;
	v31 =	vld.idx.msk [tilespmem:v31+s3+$0x0], $0xffff;
	[tilespmem:v53+s31+$0x0] =	vst.idx.msk $0xffff, v29;
	v29 =	vor.u32 v1, v25  }
0x5c: {  	v56 =	vor.u32 v7, v18;
	v57 =	vmul.f32 v36, v36;
	v27 =	vld.idx.msk [tilespmem:v27+s3+$0x0], $0xffff;
	[tilespmem:v55+s31+$0x0] =	vst.idx.msk $0xffff, v30  }
0x5d: {  	v58 =	vor.u32 v8, v20;
	v35 =	vor.u32 v10, v20;
	v30 =	vor.u32 v5, v22;
	v60 =	vld.idx.msk [tilespmem:v38+s3+$0x0], $0xffff  }
0x5e: {  	v40 =	vor.u32 v6, v21;
	v34 =	vor.u32 v9, v18;
	[tilespmem:v39+s31+$0x0] =	vst.idx.msk $0xffff, v57  }
0x5f: {  	v41 =	vor.u32 v3, v23;
	v26 =	vshll.u32 v25, $0x7;
	v59 =	vmul.f32 v37, v37;
	v28 =	vld.idx.msk [tilespmem:v28+s3+$0x0], $0xffff  }
0x60: {  	s28 =	simm.s32 $0x6;
	v37 =	vor.u32 v4, v24;
	v39 =	vor.u32 v0, v26;
	v38 =	vld.idx.msk [tilespmem:v29+s3+$0x0], $0xffff;
	v29 =	vmul.f32 v31, v31  }
0x61: {  	v63 =	vadd.s32 s28, v0;
	[tilespmem:v56+s31+$0x0] =	vst.idx.msk $0xffff, v59;
	v31 =	vor.u32 v11, v17;
	v27 =	vmul.f32 v27, v27  }
0x62: {  	v32 =	vld.idx.msk [tilespmem:v58+s3+$0x0], $0xffff;
	[tilespmem:v30+s31+$0x0] =	vst.idx.msk $0xffff, v29;
	v30 =	vor.u32 v12, v19;
	v42 =	vmul.f32 v60, v60  }
0x63: {  	s15 =	sand.u32 $0x30, s28;
	v29 =	vand.u32 $0xF, v63;
	[tilespmem:v61+s31+$0x0] =	vst.idx.msk $0xffff, v27;
	v36 =	vld.idx.msk [tilespmem:v40+s3+$0x0], $0xffff;
	v40 =	vor.u32 v2, v25  }
0x64: {  	v29 =	vor.u32 s15, v29;
	s15 =	simm.s32 $0x7;
	v33 =	vmul.f32 v28, v28;
	v27 =	vld.idx.msk [tilespmem:v62+s3+$0x0], $0xffff;
	[tilespmem:v41+s31+$0x0] =	vst.idx.msk $0xffff, v42  }
.LBB2_2:
0x65: {  	v28 =	vmul.f32 v38, v38;
	v37 =	vld.idx.msk [tilespmem:v37+s3+$0x0], $0xffff  }
0x66: {  	p1 =	sne.s32 s15, $0x3F;
	v38 =	vor.u32 v7, v22;
	[tilespmem:v31+s31+$0x0] =	vst.idx.msk $0xffff, v33;
	v41 =	vmovc v24;
	v24 =	vmov v25;
	v25 =	vmov v29  }
0x67: {  	v31 =	vmul.f32 v32, v32;
	v32 =	vor.u32 v15, v16;
	v29 =	vor.u32 v1, v25;
	v30 =	vld.idx.msk [tilespmem:v30+s3+$0x0], $0xffff  }
0x68: {  	v16 =	vmovc v17;
	v17 =	vmov v18;
	v18 =	vmov v22;
	[tilespmem:v39+s31+$0x0] =	vst.idx.msk $0xffff, v28;
	v28 =	vor.u32 v8, v21  }
0x69: {  	v39 =	vor.u32 v5, v23;
	v43 =	vmul.f32 v36, v36;
	v33 =	vld.idx.msk [tilespmem:v40+s3+$0x0], $0xffff;
	[tilespmem:v34+s31+$0x0] =	vst.idx.msk $0xffff, v31  }
0x6a: {  	v34 =	vor.u32 v6, v41;
	v40 =	vor.u32 v13, v16;
	v27 =	vmul.f32 v27, v27;
	v35 =	vld.idx.msk [tilespmem:v35+s3+$0x0], $0xffff  }
0x6b: {  	v42 =	vor.u32 v14, v19;
	v22 =	vmovc v23;
	v36 =	vadd.s32 s15, v0;
	v23 =	vmov v26;
	[tilespmem:v38+s31+$0x0] =	vst.idx.msk $0xffff, v43  }
0x6c: {  	v43 =	vor.u32 v3, v23;
	v38 =	vld.idx.msk [tilespmem:v29+s3+$0x0], $0xffff;
	v29 =	vmul.f32 v37, v37;
	[tilespmem:v32+s31+$0x0] =	vst.idx.msk $0xffff, v27  }
.Ltmp2:
0x6d: {  	v31 =	vor.u32 v11, v17;
	v37 =	vor.u32 v4, v24;
	v27 =	vmul.f32 v30, v30;
	v32 =	vld.idx.msk [tilespmem:v28+s3+$0x0], $0xffff;
	(pc) =	sbr.rel @p1 .LBB2_2-.Ltmp2, $4  }
0x6e: {  	v19 =	vmovc v20;
	v26 =	vshll.u32 v25, $0x7;
	v30 =	vor.u32 v12, v20;
	v28 =	vand.u32 $0xF, v36;
	[tilespmem:v39+s31+$0x0] =	vst.idx.msk $0xffff, v29  }
0x6f: {  	v39 =	vor.u32 v0, v26;
	v44 =	vmul.f32 v33, v33;
	v36 =	vld.idx.msk [tilespmem:v34+s3+$0x0], $0xffff;
	[tilespmem:v40+s31+$0x0] =	vst.idx.msk $0xffff, v27  }
0x70: {  	s19 =	sand.u32 $0x30, s15;
	v40 =	vor.u32 v2, v25;
	v34 =	vor.u32 v9, v18;
	v33 =	vmul.f32 v35, v35;
	v27 =	vld.idx.msk [tilespmem:v42+s3+$0x0], $0xffff  }
0x71: {  	s15 =	sadd.s32 $0x1, s15;
	v20 =	vmovc v21;
	v29 =	vor.u32 s19, v28;
	v35 =	vor.u32 v10, v21;
	v21 =	vmov v41;
	[tilespmem:v43+s31+$0x0] =	vst.idx.msk $0xffff, v44  }
0x72: {  	v28 =	vor.u32 v1, v29;
	_ =	sdelay $0x4  }
0x73: {  	v41 =	vld.idx.msk [tilespmem:v28+s3+$0x0], $0xffff  }
0x74: {  	v28 =	vshll.u32 v29, $0x7  }
0x75: {  	v42 =	vor.u32 v0, v28  }
0x76: {  	v43 =	vor.u32 v2, v29  }
0x77: {  	v38 =	vmul.f32 v38, v38  }
0x78: {  	v41 =	vmul.f32 v41, v41  }
0x79: {  	[tilespmem:v39+s31+$0x0] =	vst.idx.msk $0xffff, v38  }
0x7a: {  	v38 =	vld.idx.msk [tilespmem:v40+s3+$0x0], $0xffff;
	[tilespmem:v42+s31+$0x0] =	vst.idx.msk $0xffff, v41  }
0x7b: {  	v51 =	vld.idx.msk [tilespmem:v43+s3+$0x0], $0xffff  }
0x7c: {  	v52 =	vor.u32 v3, v26  }
0x7d: {  	v53 =	vor.u32 v4, v25;
	v54 =	vor.u32 v3, v28  }
0x7e: {  	v55 =	vor.u32 v4, v29  }
0x7f: {  	v38 =	vmul.f32 v38, v38  }
0x80: {  	v39 =	vmul.f32 v51, v51  }
0x81: {  	v37 =	vld.idx.msk [tilespmem:v37+s3+$0x0], $0xffff;
	[tilespmem:v52+s31+$0x0] =	vst.idx.msk $0xffff, v38  }
0x82: {  	v38 =	vld.idx.msk [tilespmem:v53+s3+$0x0], $0xffff;
	[tilespmem:v54+s31+$0x0] =	vst.idx.msk $0xffff, v39  }
0x83: {  	v56 =	vor.u32 v5, v23;
	v57 =	vld.idx.msk [tilespmem:v55+s3+$0x0], $0xffff  }
0x84: {  	v58 =	vor.u32 v6, v24;
	v59 =	vor.u32 v5, v26  }
0x85: {  	v60 =	vor.u32 v6, v25;
	v44 =	vor.u32 v5, v28  }
0x86: {  	v45 =	vor.u32 v6, v29;
	v37 =	vmul.f32 v37, v37  }
0x87: {  	v38 =	vmul.f32 v38, v38  }
0x88: {  	[tilespmem:v56+s31+$0x0] =	vst.idx.msk $0xffff, v37;
	v61 =	vmul.f32 v57, v57  }
0x89: {  	[tilespmem:v59+s31+$0x0] =	vst.idx.msk $0xffff, v38;
	v39 =	vld.idx.msk [tilespmem:v58+s3+$0x0], $0xffff  }
0x8a: {  	v62 =	vor.u32 v7, v22;
	v63 =	vld.idx.msk [tilespmem:v60+s3+$0x0], $0xffff;
	[tilespmem:v44+s31+$0x0] =	vst.idx.msk $0xffff, v61  }
0x8b: {  	v48 =	vor.u32 v8, v21;
	v49 =	vor.u32 v7, v23;
	v50 =	vld.idx.msk [tilespmem:v45+s3+$0x0], $0xffff  }
0x8c: {  	v52 =	vor.u32 v7, v26;
	v51 =	vor.u32 v8, v24  }
0x8d: {  	v36 =	vmul.f32 v36, v36;
	v46 =	vor.u32 v7, v28;
	v53 =	vor.u32 v8, v25  }
0x8e: {  	v47 =	vor.u32 v8, v29;
	v39 =	vmul.f32 v39, v39  }
0x8f: {  	[tilespmem:v62+s31+$0x0] =	vst.idx.msk $0xffff, v36;
	v54 =	vmul.f32 v63, v63  }
0x90: {  	v37 =	vld.idx.msk [tilespmem:v48+s3+$0x0], $0xffff;
	[tilespmem:v49+s31+$0x0] =	vst.idx.msk $0xffff, v39;
	v55 =	vmul.f32 v50, v50  }
0x91: {  	[tilespmem:v52+s31+$0x0] =	vst.idx.msk $0xffff, v54;
	v39 =	vld.idx.msk [tilespmem:v51+s3+$0x0], $0xffff  }
0x92: {  	v56 =	vor.u32 v9, v22;
	v57 =	vld.idx.msk [tilespmem:v53+s3+$0x0], $0xffff;
	[tilespmem:v46+s31+$0x0] =	vst.idx.msk $0xffff, v55  }
0x93: {  	v59 =	vor.u32 v9, v23;
	v58 =	vor.u32 v10, v21;
	v60 =	vld.idx.msk [tilespmem:v47+s3+$0x0], $0xffff  }
0x94: {  	v32 =	vmul.f32 v32, v32;
	v62 =	vor.u32 v9, v26;
	v61 =	vor.u32 v10, v24  }
0x95: {  	v48 =	vor.u32 v9, v28;
	v37 =	vmul.f32 v37, v37;
	v63 =	vor.u32 v10, v25  }
0x96: {  	[tilespmem:v34+s31+$0x0] =	vst.idx.msk $0xffff, v32;
	v49 =	vor.u32 v10, v29;
	v39 =	vmul.f32 v39, v39  }
0x97: {  	v35 =	vld.idx.msk [tilespmem:v35+s3+$0x0], $0xffff;
	[tilespmem:v56+s31+$0x0] =	vst.idx.msk $0xffff, v37;
	v51 =	vmul.f32 v57, v57  }
0x98: {  	v38 =	vld.idx.msk [tilespmem:v58+s3+$0x0], $0xffff;
	[tilespmem:v59+s31+$0x0] =	vst.idx.msk $0xffff, v39;
	v52 =	vmul.f32 v60, v60  }
0x99: {  	v50 =	vor.u32 v11, v18;
	[tilespmem:v62+s31+$0x0] =	vst.idx.msk $0xffff, v51;
	v32 =	vld.idx.msk [tilespmem:v61+s3+$0x0], $0xffff  }
0x9a: {  	v53 =	vor.u32 v12, v20;
	v37 =	vld.idx.msk [tilespmem:v63+s3+$0x0], $0xffff;
	v55 =	vor.u32 v11, v22;
	[tilespmem:v48+s31+$0x0] =	vst.idx.msk $0xffff, v52  }
0x9b: {  	[tilespmem:v31+s31+$0x0] =	vst.idx.msk $0xffff, v33;
	v56 =	vor.u32 v12, v21;
	v57 =	vor.u32 v11, v23;
	v39 =	vld.idx.msk [tilespmem:v49+s3+$0x0], $0xffff  }
0x9c: {  	v30 =	vld.idx.msk [tilespmem:v30+s3+$0x0], $0xffff;
	v58 =	vor.u32 v12, v24;
	v54 =	vmul.f32 v35, v35;
	v59 =	vor.u32 v11, v26  }
0x9d: {  	v38 =	vmul.f32 v38, v38;
	v61 =	vor.u32 v11, v28;
	v60 =	vor.u32 v12, v25  }
0x9e: {  	v63 =	vor.u32 v12, v29;
	[tilespmem:v50+s31+$0x0] =	vst.idx.msk $0xffff, v54;
	v32 =	vmul.f32 v32, v32  }
0x9f: {  	v62 =	vor.u32 v13, v17;
	v40 =	vld.idx.msk [tilespmem:v53+s3+$0x0], $0xffff;
	v37 =	vmul.f32 v37, v37;
	[tilespmem:v55+s31+$0x0] =	vst.idx.msk $0xffff, v38  }
0xa0: {  	v19 =	vor.u32 v14, v19;
	v31 =	vld.idx.msk [tilespmem:v56+s3+$0x0], $0xffff;
	[tilespmem:v57+s31+$0x0] =	vst.idx.msk $0xffff, v32;
	v45 =	vmul.f32 v39, v39  }
0xa1: {  	v30 =	vmul.f32 v30, v30;
	v46 =	vor.u32 v13, v18;
	[tilespmem:v59+s31+$0x0] =	vst.idx.msk $0xffff, v37;
	v34 =	vld.idx.msk [tilespmem:v58+s3+$0x0], $0xffff  }
0xa2: {  	v47 =	vor.u32 v14, v20;
	v48 =	vor.u32 v13, v22;
	v37 =	vld.idx.msk [tilespmem:v60+s3+$0x0], $0xffff;
	[tilespmem:v61+s31+$0x0] =	vst.idx.msk $0xffff, v45  }
0xa3: {  	v51 =	vor.u32 v14, v24;
	v50 =	vor.u32 v13, v23;
	v49 =	vor.u32 v14, v21;
	v32 =	vld.idx.msk [tilespmem:v63+s3+$0x0], $0xffff  }
0xa4: {  	[tilespmem:v62+s31+$0x0] =	vst.idx.msk $0xffff, v30;
	v52 =	vor.u32 v13, v26;
	v35 =	vmul.f32 v40, v40  }
0xa5: {  	v54 =	vor.u32 v13, v28;
	v53 =	vor.u32 v14, v25;
	v31 =	vmul.f32 v31, v31  }
0xa6: {  	v19 =	vld.idx.msk [tilespmem:v19+s3+$0x0], $0xffff;
	v56 =	vor.u32 v14, v29;
	[tilespmem:v46+s31+$0x0] =	vst.idx.msk $0xffff, v35;
	v55 =	vmul.f32 v34, v34  }
0xa7: {  	v16 =	vor.u32 v15, v16;
	v20 =	vld.idx.msk [tilespmem:v47+s3+$0x0], $0xffff;
	[tilespmem:v48+s31+$0x0] =	vst.idx.msk $0xffff, v31;
	v57 =	vmul.f32 v37, v37  }
0xa8: {  	v17 =	vor.u32 v15, v17;
	v21 =	vld.idx.msk [tilespmem:v49+s3+$0x0], $0xffff;
	[tilespmem:v50+s31+$0x0] =	vst.idx.msk $0xffff, v55;
	v58 =	vmul.f32 v32, v32  }
0xa9: {  	v59 =	vor.u32 v15, v18;
	v24 =	vld.idx.msk [tilespmem:v51+s3+$0x0], $0xffff;
	[tilespmem:v52+s31+$0x0] =	vst.idx.msk $0xffff, v57  }
0xaa: {  	v27 =	vmul.f32 v27, v27;
	v60 =	vor.u32 v15, v22;
	v25 =	vld.idx.msk [tilespmem:v53+s3+$0x0], $0xffff;
	[tilespmem:v54+s31+$0x0] =	vst.idx.msk $0xffff, v58  }
0xab: {  	v19 =	vmul.f32 v19, v19;
	v61 =	vor.u32 v15, v23;
	v29 =	vld.idx.msk [tilespmem:v56+s3+$0x0], $0xffff  }
0xac: {  	[tilespmem:v16+s31+$0x0] =	vst.idx.msk $0xffff, v27;
	v62 =	vor.u32 v15, v26;
	v16 =	vmul.f32 v20, v20  }
0xad: {  	[tilespmem:v17+s31+$0x0] =	vst.idx.msk $0xffff, v19;
	v63 =	vor.u32 v15, v28;
	v17 =	vmul.f32 v21, v21  }
0xae: {  	[tilespmem:v59+s31+$0x0] =	vst.idx.msk $0xffff, v16;
	v16 =	vmul.f32 v24, v24  }
0xaf: {  	[tilespmem:v60+s31+$0x0] =	vst.idx.msk $0xffff, v17;
	v17 =	vmul.f32 v25, v25  }
0xb0: {  	[tilespmem:v61+s31+$0x0] =	vst.idx.msk $0xffff, v16;
	v16 =	vmul.f32 v29, v29  }
0xb1: {  	[tilespmem:v62+s31+$0x0] =	vst.idx.msk $0xffff, v17  }
0xb2: {  	[tilespmem:v63+s31+$0x0] =	vst.idx.msk $0xffff, v16  }
0xb3: {  	s2 =	rddreg [dreg:$0x6]  }
0xb4: {  	[tilespmem:s20], [sflag:$0x1] =	stream.strided.gather [hbm4b:s2+s16], $0x4000, s29, s16, $0x38;
	[tilespmem:$0x1A200] =	vst v63  }
0xb5: {  	s22 =	rddreg [dreg:$0x7]  }
0xb6: {  	[tilespmem:s0], [sflag:$0x5] =	stream.linear.gather [hbm4b:s22+s20], $0x80, $0x38;
	[tilespmem:$0x1A200] =	vst v63  }
0xb7: {  	s28 =	rddreg [dreg:$0x8]  }
0xb8: {  	[tilespmem:s1], [sflag:$0x2] =	stream.strided.gather [hbm4b:s28+s16], $0x4000, s29, s16, $0x38;
	[tilespmem:$0x1A200] =	vst v63  }
0xb9: {  	s15 =	rddreg [dreg:$0x9]  }
0xba: {  	[tilespmem:s6], [sflag:$0x6] =	stream.linear.gather [hbm4b:s15+s20], $0x80, $0x38;
	[tilespmem:$0x1A200] =	vst v63  }
0xbb: {  	s19 =	rddreg [dreg:$0xb]  }
0xbc: {  	[tilespmem:s7], [sflag:$0x3] =	stream.strided.gather [hbm4b:s19+s16], $0x4000, s29, s16, $0x38;
	[tilespmem:$0x1A200] =	vst v63  }
0xbd: {  	s21 =	rddreg [dreg:$0xd]  }
0xbe: {  	[tilespmem:s26], [sflag:$0x7] =	stream.linear.gather [hbm4b:s21+s20], $0x80, $0x38;
	[tilespmem:$0x1A200] =	vst v63  }
0xbf: {  	s22 =	rddreg [dreg:$0xe]  }
0xc0: {  	[tilespmem:s9], [sflag:$0x4] =	stream.strided.gather [hbm4b:s22+s16], $0x4000, s29, s16, $0x38;
	[tilespmem:$0x1A200] =	vst v63  }
0xc1: {  	s28 =	rddreg [dreg:$0xf];
	s15 =	simm.s32 $0x0  }
0xc2: {  	[tilespmem:s10], [sflag:$0x8] =	stream.linear.gather [hbm4b:s28+s20], $0x80, $0x38;
	[tilespmem:$0x1A200] =	vst v63  }
.LBB2_4:
0xc3: {  	_ =	swait.ge [sflag:s11], $0x4000  }
0xc4: {  	[sflag:s11] =	ssyncset.done $0x0  }
0xc5: {  	v16 =	vadd.s32 s20, v0;
	[sflag:s11] =	ssyncadd.s32 $0xFFFFC000  }
0xc6: {  	s19 =	sand.u32 $0x70, s20;
	v16 =	vand.u32 $0xF, v16;
	_ =	swait.ge [sflag:s12], $0x80  }
0xc7: {  	p1 =	seq.s32 s15, $0x0;
	v25 =	vor.u32 s19, v16;
	[sflag:s12] =	ssyncset.done $0x0  }
0xc8: {  	s21 =	simm.s32 @!p1 $0x9;
	[sflag:s12] =	ssyncadd.s32 $0xFFFFFF80  }
0xc9: {  	_ =	swait.ge @!p1 [sflag:s21], $0x4000  }
0xca: {  	[sflag:s21] =	ssyncset.done @!p1 $0x0  }
0xcb: {  	[sflag:s21] =	ssyncadd.s32 @!p1 $0xFFFFC000  }
0xcc: {  	v16 =	vld.idx.msk [tilespmem:v25+s0+$0x0], $0xffff;
	_ =	sdelay $0x3  }
0xcd: {  	s22 =	simm.s32 $0x1  }
0xce: {  	v17 =	vadd.s32 s22, v0;
	vm0 =	vgt.s32 v16, $0x0  }
0xcf: {  	v17 =	vand.u32 $0xF, v17;
	v16 =	vnsel vm0, $0x0, v16  }
0xd0: {  	v21 =	vor.u32 s19, v17;
	v16 =	vmin.u32 v16, $0x3F  }
0xd1: {  	v17 =	vor.u32 v1, v25;
	v29 =	vshll.u32 v16, $0x7  }
0xd2: {  	v16 =	vor.u32 v0, v29;
	_ =	sdelay $0x2  }
0xd3: {  	v19 =	vld.idx.msk [tilespmem:v21+s0+$0x0], $0xffff  }
0xd4: {  	v17 =	vld.idx.msk [tilespmem:v17+s3+$0x0], $0xffff  }
0xd5: {  	v16 =	vld.idx.msk [tilespmem:v16+s31+$0x0], $0xffff  }
0xd6: {  	v18 =	vshll.u32 v25, $0x7  }
0xd7: {  	s28 =	simm.s32 $0x2;
	v20 =	vor.u32 v0, v18  }
0xd8: {  	v22 =	vadd.s32 s28, v0;
	v23 =	vor.u32 v2, v25;
	vm11 =	vgt.s32 v19, $0x0  }
0xd9: {  	v22 =	vand.u32 $0xF, v22;
	s19 =	sand.u32 $0x70, s28;
	v19 =	vnsel vm11, $0x0, v19;
	v24 =	vor.u32 v3, v29  }
0xda: {  	v19 =	vmin.u32 v19, $0x3F;
	v16 =	vmul.f32 v16, v17;
	v17 =	vor.u32 s19, v22  }
0xdb: {  	v22 =	vshll.u32 v19, $0x7;
	v19 =	vor.u32 v1, v21  }
0xdc: {  	v26 =	vor.u32 v0, v22;
	[tilespmem:v20+s14+$0x0] =	vst.idx.msk $0xffff, v16  }
0xdd: {  	v20 =	vld.idx.msk [tilespmem:v23+s3+$0x0], $0xffff  }
0xde: {  	v23 =	vld.idx.msk [tilespmem:v24+s31+$0x0], $0xffff  }
0xdf: {  	v27 =	vld.idx.msk [tilespmem:v17+s0+$0x0], $0xffff  }
0xe0: {  	v19 =	vld.idx.msk [tilespmem:v19+s3+$0x0], $0xffff  }
0xe1: {  	v28 =	vor.u32 v3, v18;
	v26 =	vld.idx.msk [tilespmem:v26+s31+$0x0], $0xffff  }
0xe2: {  	v30 =	vor.u32 v4, v25;
	v24 =	vshll.u32 v21, $0x7  }
0xe3: {  	v31 =	vor.u32 v5, v29;
	v32 =	vor.u32 v0, v24  }
0xe4: {  	s2 =	simm.s32 $0x3;
	v20 =	vmul.f32 v23, v20;
	v23 =	vor.u32 v2, v21  }
0xe5: {  	v33 =	vor.u32 v3, v22;
	v16 =	vadd.s32 s2, v0  }
0xe6: {  	v16 =	vand.u32 $0xF, v16;
	vm12 =	vgt.s32 v27, $0x0;
	[tilespmem:v28+s14+$0x0] =	vst.idx.msk $0xffff, v20;
	v19 =	vmul.f32 v26, v19  }
0xe7: {  	v16 =	vor.u32 s19, v16;
	v27 =	vnsel vm12, $0x0, v27;
	v26 =	vld.idx.msk [tilespmem:v30+s3+$0x0], $0xffff  }
0xe8: {  	v28 =	vld.idx.msk [tilespmem:v31+s31+$0x0], $0xffff;
	v20 =	vmin.u32 v27, $0x3F;
	[tilespmem:v32+s14+$0x0] =	vst.idx.msk $0xffff, v19  }
0xe9: {  	v27 =	vor.u32 v1, v17;
	v20 =	vshll.u32 v20, $0x7;
	v23 =	vld.idx.msk [tilespmem:v23+s3+$0x0], $0xffff  }
0xea: {  	v19 =	vor.u32 v0, v20;
	v31 =	vld.idx.msk [tilespmem:v33+s31+$0x0], $0xffff  }
0xeb: {  	v30 =	vor.u32 v5, v18  }
0xec: {  	v35 =	vor.u32 v3, v24;
	v34 =	vld.idx.msk [tilespmem:v16+s0+$0x0], $0xffff  }
0xed: {  	v37 =	vor.u32 v4, v21  }
0xee: {  	v38 =	vor.u32 v5, v22;
	v26 =	vmul.f32 v28, v26;
	v27 =	vld.idx.msk [tilespmem:v27+s3+$0x0], $0xffff  }
0xef: {  	v36 =	vld.idx.msk [tilespmem:v19+s31+$0x0], $0xffff;
	v23 =	vmul.f32 v31, v23  }
0xf0: {  	v60 =	vor.u32 v6, v25;
	[tilespmem:v30+s14+$0x0] =	vst.idx.msk $0xffff, v26;
	v19 =	vshll.u32 v17, $0x7  }
0xf1: {  	v61 =	vor.u32 v7, v29;
	vm13 =	vgt.s32 v34, $0x0;
	v26 =	vor.u32 v0, v19;
	[tilespmem:v35+s14+$0x0] =	vst.idx.msk $0xffff, v23  }
0xf2: {  	v28 =	vnsel vm13, $0x0, v34;
	v31 =	vor.u32 v2, v17;
	v35 =	vld.idx.msk [tilespmem:v37+s3+$0x0], $0xffff  }
0xf3: {  	v63 =	vor.u32 v3, v20;
	v28 =	vmin.u32 v28, $0x3F;
	v46 =	vld.idx.msk [tilespmem:v38+s31+$0x0], $0xffff  }
0xf4: {  	v44 =	vor.u32 v1, v16;
	v28 =	vshll.u32 v28, $0x7;
	v23 =	vmul.f32 v36, v27  }
0xf5: {  	s22 =	simm.s32 $0x4;
	v39 =	vor.u32 v5, v24;
	v30 =	vld.idx.msk [tilespmem:v60+s3+$0x0], $0xffff;
	v45 =	vor.u32 v0, v28  }
0xf6: {  	v40 =	vor.u32 v6, v21;
	v62 =	vld.idx.msk [tilespmem:v61+s31+$0x0], $0xffff;
	v27 =	vadd.s32 s22, v0;
	[tilespmem:v26+s14+$0x0] =	vst.idx.msk $0xffff, v23  }
0xf7: {  	v48 =	vor.u32 v7, v22;
	s19 =	sand.u32 $0x70, s22;
	v27 =	vand.u32 $0xF, v27;
	v31 =	vld.idx.msk [tilespmem:v31+s3+$0x0], $0xffff  }
0xf8: {  	v26 =	vor.u32 v7, v18;
	v23 =	vor.u32 s19, v27;
	v33 =	vld.idx.msk [tilespmem:v63+s31+$0x0], $0xffff;
	v35 =	vmul.f32 v46, v35  }
0xf9: {  	v47 =	vor.u32 v8, v25;
	v34 =	vld.idx.msk [tilespmem:v44+s3+$0x0], $0xffff  }
0xfa: {  	s28 =	simm.s32 $0x5;
	v49 =	vor.u32 v3, v19;
	v36 =	vld.idx.msk [tilespmem:v45+s31+$0x0], $0xffff;
	v53 =	vor.u32 v1, v23;
	[tilespmem:v39+s14+$0x0] =	vst.idx.msk $0xffff, v35  }
0xfb: {  	v50 =	vor.u32 v4, v17;
	v30 =	vmul.f32 v62, v30;
	v27 =	vadd.s32 s28, v0;
	v39 =	vld.idx.msk [tilespmem:v40+s3+$0x0], $0xffff  }
0xfc: {  	v51 =	vor.u32 v5, v20;
	v27 =	vand.u32 $0xF, v27;
	v32 =	vld.idx.msk [tilespmem:v48+s31+$0x0], $0xffff  }
0xfd: {  	v27 =	vor.u32 s19, v27;
	[tilespmem:v26+s14+$0x0] =	vst.idx.msk $0xffff, v30;
	v41 =	vld.idx.msk [tilespmem:v23+s0+$0x0], $0xffff;
	v31 =	vmul.f32 v33, v31  }
0xfe: {  	v30 =	vor.u32 v9, v29;
	v26 =	vshll.u32 v16, $0x7;
	v38 =	vld.idx.msk [tilespmem:v47+s3+$0x0], $0xffff  }
0xff: {  	v52 =	vor.u32 v0, v26;
	v47 =	vld.idx.msk [tilespmem:v53+s3+$0x0], $0xffff;
	[tilespmem:v49+s14+$0x0] =	vst.idx.msk $0xffff, v31  }
0x100: {  	v42 =	vor.u32 v2, v16;
	v44 =	vld.idx.msk [tilespmem:v50+s3+$0x0], $0xffff  }
0x101: {  	v54 =	vor.u32 v7, v24;
	v55 =	vor.u32 v3, v28;
	v33 =	vld.idx.msk [tilespmem:v51+s31+$0x0], $0xffff  }
0x102: {  	v45 =	vor.u32 v8, v21;
	v43 =	vld.idx.msk [tilespmem:v27+s0+$0x0], $0xffff;
	v31 =	vmul.f32 v36, v34;
	vm14 =	vgt.s32 v41, $0x0  }
0x103: {  	v60 =	vor.u32 v5, v19;
	v46 =	vor.u32 v9, v22;
	v30 =	vld.idx.msk [tilespmem:v30+s31+$0x0], $0xffff;
	v56 =	vnsel vm14, $0x0, v41  }
0x104: {  	v49 =	vor.u32 v6, v17;
	v59 =	vmul.f32 v32, v39;
	[tilespmem:v52+s14+$0x0] =	vst.idx.msk $0xffff, v31;
	v31 =	vmin.u32 v56, $0x3F  }
0x105: {  	v57 =	vor.u32 v9, v18;
	v41 =	vor.u32 v7, v20;
	v42 =	vld.idx.msk [tilespmem:v42+s3+$0x0], $0xffff;
	v32 =	vshll.u32 v31, $0x7  }
0x106: {  	[tilespmem:v54+s14+$0x0] =	vst.idx.msk $0xffff, v59;
	v37 =	vld.idx.msk [tilespmem:v55+s31+$0x0], $0xffff;
	v48 =	vor.u32 v0, v32;
	v33 =	vmul.f32 v33, v44  }
0x107: {  	v58 =	vor.u32 v11, v29;
	v61 =	vor.u32 v10, v25;
	v63 =	vor.u32 v4, v16;
	v44 =	vld.idx.msk [tilespmem:v45+s3+$0x0], $0xffff  }
0x108: {  	v35 =	vor.u32 v6, v16;
	v31 =	vmul.f32 v30, v38;
	v38 =	vld.idx.msk [tilespmem:v46+s31+$0x0], $0xffff;
	[tilespmem:v60+s14+$0x0] =	vst.idx.msk $0xffff, v33  }
0x109: {  	v62 =	vor.u32 v3, v26;
	vm15 =	vgt.s32 v43, $0x0;
	v45 =	vor.u32 v1, v27;
	v39 =	vld.idx.msk [tilespmem:v49+s3+$0x0], $0xffff  }
0x10a: {  	v53 =	vor.u32 v9, v24;
	v34 =	vor.u32 v6, v27;
	v59 =	vnsel vm15, $0x0, v43;
	v43 =	vld.idx.msk [tilespmem:v41+s31+$0x0], $0xffff  }
0x10b: {  	v36 =	vor.u32 v12, v21;
	v60 =	vor.u32 v5, v28;
	[tilespmem:v57+s14+$0x0] =	vst.idx.msk $0xffff, v31;
	v40 =	vld.idx.msk [tilespmem:v48+s31+$0x0], $0xffff  }
0x10c: {  	v30 =	vshll.u32 v23, $0x7;
	v42 =	vmul.f32 v37, v42;
	v55 =	vld.idx.msk [tilespmem:v61+s3+$0x0], $0xffff;
	v61 =	vor.u32 v10, v21  }
0x10d: {  	v50 =	vor.u32 v12, v25;
	v56 =	vor.u32 v0, v30;
	v57 =	vor.u32 v11, v22;
	v51 =	vld.idx.msk [tilespmem:v58+s31+$0x0], $0xffff  }
0x10e: {  	v58 =	vor.u32 v2, v23;
	v37 =	vld.idx.msk [tilespmem:v45+s3+$0x0], $0xffff;
	[tilespmem:v62+s14+$0x0] =	vst.idx.msk $0xffff, v42;
	v62 =	vmul.f32 v38, v44  }
0x10f: {  	v52 =	vor.u32 v11, v18;
	v54 =	vor.u32 v3, v32;
	v46 =	vor.u32 v13, v29;
	v44 =	vld.idx.msk [tilespmem:v63+s3+$0x0], $0xffff  }
0x110: {  	v33 =	vmin.u32 v59, $0x3F;
	v31 =	vshll.u32 v27, $0x7;
	v45 =	vld.idx.msk [tilespmem:v60+s31+$0x0], $0xffff;
	[tilespmem:v53+s14+$0x0] =	vst.idx.msk $0xffff, v62;
	v63 =	vmul.f32 v40, v47  }
0x111: {  	v33 =	vshll.u32 v33, $0x7;
	v49 =	vor.u32 v8, v17;
	v48 =	vor.u32 v7, v19;
	v41 =	vld.idx.msk [tilespmem:v61+s3+$0x0], $0xffff  }
0x112: {  	v42 =	vor.u32 v13, v22;
	v38 =	vor.u32 v0, v33;
	v47 =	vld.idx.msk [tilespmem:v57+s31+$0x0], $0xffff;
	[tilespmem:v56+s14+$0x0] =	vst.idx.msk $0xffff, v63  }
0x113: {  	s21 =	sshll.u32 s15, $0x2;
	s19 =	simm.s32 $0x6;
	v55 =	vmul.f32 v51, v55;
	v51 =	vor.u32 v5, v26;
	v40 =	vor.u32 v11, v24;
	v53 =	vld.idx.msk [tilespmem:v58+s3+$0x0], $0xffff  }
.LBB2_5:
0x114: {  	s22 =	sadd.s32 $0x1, s19  }
0x115: {  	v56 =	vadd.s32 s19, v0;
	p2 =	slt.u32 s19, $0x7E;
	v54 =	vld.idx.msk [tilespmem:v54+s31+$0x0], $0xffff;
	v39 =	vmul.f32 v43, v39;
	[tilespmem:v52+s14+$0x0] =	vst.idx.msk $0xffff, v55;
	s28 =	smov.u32 s19;
	s19 =	sadd.s32 $0x2, s19  }
0x116: {  	v55 =	vor.u32 v7, v28;
	s28 =	sand.u32 $0x70, s28;
	v43 =	vand.u32 $0xF, v56;
	v52 =	vadd.s32 s22, v0;
	v50 =	vld.idx.msk [tilespmem:v50+s3+$0x0], $0xffff  }
0x117: {  	v44 =	vmul.f32 v45, v44;
	v43 =	vor.u32 s28, v43;
	v52 =	vand.u32 $0xF, v52;
	v45 =	vld.idx.msk [tilespmem:v46+s31+$0x0], $0xffff  }
0x118: {  	v46 =	vshll.u32 v43, $0x7;
	v52 =	vor.u32 s28, v52;
	v38 =	vld.idx.msk [tilespmem:v38+s31+$0x0], $0xffff;
	[tilespmem:v48+s14+$0x0] =	vst.idx.msk $0xffff, v39;
	v39 =	vor.u32 v15, v22  }
0x119: {  	v41 =	vmul.f32 v47, v41;
	v22 =	vmov v28;
	v48 =	vshll.u32 v52, $0x7;
	v49 =	vld.idx.msk [tilespmem:v49+s3+$0x0], $0xffff;
	[tilespmem:v51+s14+$0x0] =	vst.idx.msk $0xffff, v44  }
0x11a: {  	v47 =	vor.u32 v13, v18;
	v28 =	vor.u32 v6, v52;
	v51 =	vor.u32 v15, v29;
	v44 =	vld.idx.msk [tilespmem:v35+s3+$0x0], $0xffff  }
0x11b: {  	v53 =	vmul.f32 v54, v53;
	v54 =	vor.u32 v3, v30;
	v55 =	vld.idx.msk [tilespmem:v55+s31+$0x0], $0xffff;
	[tilespmem:v40+s14+$0x0] =	vst.idx.msk $0xffff, v41  }
0x11c: {  	v29 =	vmovc v20;
	v20 =	vmovc v32;
	v35 =	vmov v34;
	v34 =	vmov v28;
	v40 =	vor.u32 v4, v23;
	v41 =	vld.idx.msk [tilespmem:v42+s31+$0x0], $0xffff  }
0x11d: {  	v32 =	vor.u32 v9, v29;
	v42 =	vmul.f32 v45, v50;
	v28 =	vmov v33;
	v36 =	vld.idx.msk [tilespmem:v36+s3+$0x0], $0xffff  }
0x11e: {  	v56 =	vor.u32 v15, v18;
	v45 =	vor.u32 v5, v20;
	v50 =	vor.u32 v0, v31;
	v33 =	vld.idx.msk [tilespmem:v43+s0+$0x0], $0xffff  }
0x11f: {  	v57 =	vor.u32 v2, v27;
	v18 =	vld.idx.msk [tilespmem:v52+s0+$0x0], $0xffff;
	[tilespmem:v47+s14+$0x0] =	vst.idx.msk $0xffff, v42;
	v42 =	vor.u32 v13, v24  }
0x120: {  	v47 =	vor.u32 v14, v25;
	[tilespmem:v54+s14+$0x0] =	vst.idx.msk $0xffff, v53;
	v51 =	vld.idx.msk [tilespmem:v51+s31+$0x0], $0xffff;
	v53 =	vor.u32 v15, v24  }
0x121: {  	v21 =	vor.u32 v14, v21;
	v60 =	vmul.f32 v38, v37;
	v37 =	vor.u32 v8, v16;
	v24 =	vld.idx.msk [tilespmem:v40+s3+$0x0], $0xffff  }
0x122: {  	v58 =	vor.u32 v7, v26;
	v54 =	vor.u32 v11, v29;
	v40 =	vor.u32 v9, v19;
	v38 =	vld.idx.msk [tilespmem:v32+s31+$0x0], $0xffff  }
0x123: {  	v59 =	vor.u32 v1, v43;
	v32 =	vmul.f32 v41, v36;
	v45 =	vld.idx.msk [tilespmem:v45+s31+$0x0], $0xffff;
	[tilespmem:v50+s14+$0x0] =	vst.idx.msk $0xffff, v60  }
0x124: {  	v25 =	vmovc v17;
	v41 =	vor.u32 v3, v28;
	vm0 =	vgt.s32 v33, $0x0;
	v50 =	vor.u32 v9, v22;
	v36 =	vld.idx.msk [tilespmem:v57+s3+$0x0], $0xffff  }
0x125: {  	v33 =	vnsel vm0, $0x0, v33;
	vm0 =	vgt.s32 v18, $0x0;
	v57 =	vor.u32 v5, v30;
	v47 =	vld.idx.msk [tilespmem:v47+s3+$0x0], $0xffff;
	[tilespmem:v42+s14+$0x0] =	vst.idx.msk $0xffff, v32  }
0x126: {  	v17 =	vmovc v23;
	v23 =	vmovc v43;
	v32 =	vmin.u32 v33, $0x3F;
	v60 =	vnsel vm0, $0x0, v18;
	v42 =	vmul.f32 v55, v44;
	v39 =	vld.idx.msk [tilespmem:v39+s31+$0x0], $0xffff  }
0x127: {  	v43 =	vor.u32 v6, v17;
	v18 =	vmovc v19;
	v19 =	vmovc v30;
	v32 =	vshll.u32 v32, $0x7;
	v33 =	vmin.u32 v60, $0x3F;
	v44 =	vld.idx.msk [tilespmem:v21+s3+$0x0], $0xffff  }
0x128: {  	v30 =	vmovc v46;
	v33 =	vshll.u32 v33, $0x7;
	v49 =	vmul.f32 v38, v49;
	v55 =	vld.idx.msk [tilespmem:v59+s3+$0x0], $0xffff;
	v59 =	vor.u32 v0, v32  }
0x129: {  	v38 =	vor.u32 v0, v33;
	v60 =	vmul.f32 v45, v24;
	v41 =	vld.idx.msk [tilespmem:v41+s31+$0x0], $0xffff;
	[tilespmem:v58+s14+$0x0] =	vst.idx.msk $0xffff, v42  }
0x12a: {  	v21 =	vmov v16;
	v16 =	vmov v27;
	[tilespmem:v40+s14+$0x0] =	vst.idx.msk $0xffff, v49;
	v40 =	vor.u32 v10, v25;
	v42 =	vld.idx.msk [tilespmem:v50+s31+$0x0], $0xffff  }
0x12b: {  	v45 =	vor.u32 v7, v20;
	[tilespmem:v57+s14+$0x0] =	vst.idx.msk $0xffff, v60;
	v46 =	vld.idx.msk [tilespmem:v37+s3+$0x0], $0xffff;
	v37 =	vmul.f32 v51, v47  }
0x12c: {  	v27 =	vmovc v52;
	v24 =	vmov v26;
	v49 =	vor.u32 v3, v31;
	v47 =	vor.u32 v1, v52;
	v51 =	vld.idx.msk [tilespmem:v54+s31+$0x0], $0xffff  }
0x12d: {  	v52 =	vor.u32 v4, v16;
	v50 =	vld.idx.msk [tilespmem:v59+s31+$0x0], $0xffff;
	[tilespmem:v56+s14+$0x0] =	vst.idx.msk $0xffff, v37;
	v37 =	vmul.f32 v39, v44  }
0x12e: {  	v26 =	vmovc v31;
	v31 =	vmov v48;
	v57 =	vor.u32 v9, v24;
	v56 =	vor.u32 v5, v28;
	v39 =	vld.idx.msk [tilespmem:v43+s3+$0x0], $0xffff  }
0x12f: {  	v36 =	vmul.f32 v41, v36;
	v58 =	vld.idx.msk [tilespmem:v40+s3+$0x0], $0xffff;
	v40 =	vor.u32 v10, v21;
	[tilespmem:v53+s14+$0x0] =	vst.idx.msk $0xffff, v37  }
0x130: {  	v48 =	vor.u32 v0, v30;
	v53 =	vor.u32 v11, v22;
	v43 =	vld.idx.msk [tilespmem:v45+s31+$0x0], $0xffff  }
0x131: {  	v59 =	vor.u32 v2, v23;
	v37 =	vld.idx.msk [tilespmem:v47+s3+$0x0], $0xffff;
	[tilespmem:v49+s14+$0x0] =	vst.idx.msk $0xffff, v36;
	v36 =	vmul.f32 v42, v46  }
.Ltmp3:
0x132: {  	v54 =	vor.u32 v3, v32;
	v44 =	vld.idx.msk [tilespmem:v52+s3+$0x0], $0xffff;
	v52 =	vor.u32 v11, v18;
	(pc) =	sbr.rel @p2 .LBB2_5-.Ltmp3, $4  }
0x133: {  	v42 =	vmul.f32 v50, v55;
	v50 =	vor.u32 v12, v25;
	v45 =	vld.idx.msk [tilespmem:v56+s31+$0x0], $0xffff;
	[tilespmem:v57+s14+$0x0] =	vst.idx.msk $0xffff, v36  }
0x134: {  	v46 =	vor.u32 v13, v29;
	v36 =	vor.u32 v12, v21;
	v41 =	vld.idx.msk [tilespmem:v40+s3+$0x0], $0xffff;
	v40 =	vor.u32 v11, v24  }
0x135: {  	v55 =	vmul.f32 v51, v58;
	[tilespmem:v48+s14+$0x0] =	vst.idx.msk $0xffff, v42;
	v48 =	vor.u32 v7, v19;
	v47 =	vld.idx.msk [tilespmem:v53+s31+$0x0], $0xffff  }
0x136: {  	v49 =	vor.u32 v8, v17;
	v51 =	vor.u32 v5, v26;
	v42 =	vor.u32 v13, v22;
	v53 =	vld.idx.msk [tilespmem:v59+s3+$0x0], $0xffff  }
0x137: {  	_ =	sdelay $0x3  }
0x138: {  	v38 =	vld.idx.msk [tilespmem:v38+s31+$0x0], $0xffff;
	_ =	sdelay $0x1  }
0x139: {  	v56 =	vor.u32 v0, v31  }
0x13a: {  	v57 =	vor.u32 v2, v27  }
0x13b: {  	v58 =	vor.u32 v3, v33  }
0x13c: {  	v37 =	vmul.f32 v38, v37;
	_ =	sdelay $0x1  }
0x13d: {  	v62 =	vld.idx.msk [tilespmem:v54+s31+$0x0], $0xffff;
	[tilespmem:v56+s14+$0x0] =	vst.idx.msk $0xffff, v37  }
0x13e: {  	v37 =	vld.idx.msk [tilespmem:v57+s3+$0x0], $0xffff  }
0x13f: {  	v54 =	vor.u32 v3, v30;
	v56 =	vld.idx.msk [tilespmem:v58+s31+$0x0], $0xffff  }
0x140: {  	v63 =	vor.u32 v4, v23  }
0x141: {  	v60 =	vor.u32 v5, v32;
	v59 =	vor.u32 v3, v31  }
0x142: {  	v61 =	vor.u32 v4, v27;
	v38 =	vmul.f32 v62, v53  }
0x143: {  	[tilespmem:v52+s14+$0x0] =	vst.idx.msk $0xffff, v55;
	v62 =	vor.u32 v5, v33  }
0x144: {  	v46 =	vld.idx.msk [tilespmem:v46+s31+$0x0], $0xffff;
	[tilespmem:v54+s14+$0x0] =	vst.idx.msk $0xffff, v38;
	v37 =	vmul.f32 v56, v37  }
0x145: {  	v63 =	vld.idx.msk [tilespmem:v63+s3+$0x0], $0xffff  }
0x146: {  	v39 =	vmul.f32 v43, v39;
	v52 =	vor.u32 v9, v20;
	v54 =	vld.idx.msk [tilespmem:v60+s31+$0x0], $0xffff;
	[tilespmem:v59+s14+$0x0] =	vst.idx.msk $0xffff, v37  }
0x147: {  	v44 =	vmul.f32 v45, v44;
	v56 =	vld.idx.msk [tilespmem:v61+s3+$0x0], $0xffff  }
0x148: {  	v55 =	vor.u32 v7, v28;
	[tilespmem:v48+s14+$0x0] =	vst.idx.msk $0xffff, v39;
	v57 =	vor.u32 v5, v30;
	v58 =	vld.idx.msk [tilespmem:v62+s31+$0x0], $0xffff  }
0x149: {  	[tilespmem:v51+s14+$0x0] =	vst.idx.msk $0xffff, v44;
	v49 =	vld.idx.msk [tilespmem:v49+s3+$0x0], $0xffff;
	v60 =	vor.u32 v7, v32  }
0x14a: {  	v35 =	vld.idx.msk [tilespmem:v35+s3+$0x0], $0xffff;
	v59 =	vor.u32 v6, v23;
	v61 =	vor.u32 v5, v31  }
0x14b: {  	v44 =	vld.idx.msk [tilespmem:v52+s31+$0x0], $0xffff;
	v43 =	vmul.f32 v54, v63  }
0x14c: {  	v38 =	vld.idx.msk [tilespmem:v50+s3+$0x0], $0xffff;
	v62 =	vor.u32 v7, v33  }
0x14d: {  	v37 =	vld.idx.msk [tilespmem:v55+s31+$0x0], $0xffff;
	[tilespmem:v57+s14+$0x0] =	vst.idx.msk $0xffff, v43;
	v50 =	vmul.f32 v58, v56  }
0x14e: {  	v41 =	vmul.f32 v47, v41;
	v63 =	vor.u32 v13, v18;
	v47 =	vld.idx.msk [tilespmem:v60+s31+$0x0], $0xffff  }
0x14f: {  	v29 =	vor.u32 v15, v29;
	v53 =	vor.u32 v7, v26;
	v43 =	vld.idx.msk [tilespmem:v59+s3+$0x0], $0xffff;
	[tilespmem:v61+s14+$0x0] =	vst.idx.msk $0xffff, v50  }
0x150: {  	[tilespmem:v40+s14+$0x0] =	vst.idx.msk $0xffff, v41;
	v54 =	vor.u32 v9, v28;
	v34 =	vld.idx.msk [tilespmem:v34+s3+$0x0], $0xffff  }
0x151: {  	v38 =	vmul.f32 v46, v38;
	v55 =	vor.u32 v8, v16;
	v56 =	vor.u32 v7, v30;
	v40 =	vld.idx.msk [tilespmem:v62+s31+$0x0], $0xffff  }
0x152: {  	v42 =	vld.idx.msk [tilespmem:v42+s31+$0x0], $0xffff;
	v57 =	vor.u32 v8, v23;
	v35 =	vmul.f32 v37, v35  }
0x153: {  	v36 =	vld.idx.msk [tilespmem:v36+s3+$0x0], $0xffff;
	[tilespmem:v63+s14+$0x0] =	vst.idx.msk $0xffff, v38;
	v59 =	vor.u32 v7, v31;
	v58 =	vor.u32 v9, v32  }
0x154: {  	v29 =	vld.idx.msk [tilespmem:v29+s31+$0x0], $0xffff;
	[tilespmem:v53+s14+$0x0] =	vst.idx.msk $0xffff, v35;
	v61 =	vor.u32 v9, v33;
	v60 =	vmul.f32 v47, v43  }
0x155: {  	v25 =	vor.u32 v14, v25;
	v39 =	vld.idx.msk [tilespmem:v54+s31+$0x0], $0xffff;
	v62 =	vor.u32 v8, v27  }
0x156: {  	v63 =	vor.u32 v9, v19;
	v46 =	vld.idx.msk [tilespmem:v55+s3+$0x0], $0xffff;
	[tilespmem:v56+s14+$0x0] =	vst.idx.msk $0xffff, v60;
	v34 =	vmul.f32 v40, v34  }
0x157: {  	v52 =	vor.u32 v11, v20;
	v37 =	vld.idx.msk [tilespmem:v57+s3+$0x0], $0xffff  }
0x158: {  	v53 =	vor.u32 v10, v17;
	v54 =	vor.u32 v9, v26;
	v38 =	vld.idx.msk [tilespmem:v58+s31+$0x0], $0xffff;
	[tilespmem:v59+s14+$0x0] =	vst.idx.msk $0xffff, v34  }
0x159: {  	v55 =	vmul.f32 v44, v49;
	v56 =	vor.u32 v10, v16;
	v43 =	vld.idx.msk [tilespmem:v61+s31+$0x0], $0xffff  }
0x15a: {  	v57 =	vor.u32 v11, v28;
	v58 =	vor.u32 v9, v30;
	v45 =	vld.idx.msk [tilespmem:v62+s3+$0x0], $0xffff  }
0x15b: {  	v25 =	vld.idx.msk [tilespmem:v25+s3+$0x0], $0xffff;
	[tilespmem:v63+s14+$0x0] =	vst.idx.msk $0xffff, v55;
	v60 =	vor.u32 v11, v32;
	v59 =	vmul.f32 v39, v46  }
0x15c: {  	v35 =	vld.idx.msk [tilespmem:v52+s31+$0x0], $0xffff;
	v61 =	vor.u32 v10, v23;
	v62 =	vor.u32 v9, v31  }
0x15d: {  	v52 =	vor.u32 v10, v27;
	v40 =	vld.idx.msk [tilespmem:v53+s3+$0x0], $0xffff;
	[tilespmem:v54+s14+$0x0] =	vst.idx.msk $0xffff, v59;
	v63 =	vmul.f32 v38, v37  }
0x15e: {  	v22 =	vor.u32 v15, v22;
	v53 =	vor.u32 v13, v24;
	v54 =	vor.u32 v11, v33;
	v41 =	vld.idx.msk [tilespmem:v56+s3+$0x0], $0xffff  }
0x15f: {  	v55 =	vor.u32 v11, v19;
	v44 =	vld.idx.msk [tilespmem:v57+s31+$0x0], $0xffff;
	[tilespmem:v58+s14+$0x0] =	vst.idx.msk $0xffff, v63;
	v56 =	vmul.f32 v43, v45  }
0x160: {  	v36 =	vmul.f32 v42, v36;
	v57 =	vor.u32 v12, v17;
	v39 =	vld.idx.msk [tilespmem:v60+s31+$0x0], $0xffff  }
0x161: {  	v59 =	vor.u32 v11, v26;
	v58 =	vor.u32 v13, v20;
	v46 =	vld.idx.msk [tilespmem:v61+s3+$0x0], $0xffff;
	[tilespmem:v62+s14+$0x0] =	vst.idx.msk $0xffff, v56  }
0x162: {  	v60 =	vmul.f32 v35, v40;
	v61 =	vor.u32 v13, v28;
	v37 =	vld.idx.msk [tilespmem:v52+s3+$0x0], $0xffff  }
0x163: {  	[tilespmem:v53+s14+$0x0] =	vst.idx.msk $0xffff, v36;
	v63 =	vor.u32 v11, v30;
	v62 =	vor.u32 v12, v16;
	v49 =	vld.idx.msk [tilespmem:v54+s31+$0x0], $0xffff  }
0x164: {  	v51 =	vor.u32 v12, v23;
	v22 =	vld.idx.msk [tilespmem:v22+s31+$0x0], $0xffff;
	[tilespmem:v55+s14+$0x0] =	vst.idx.msk $0xffff, v60;
	v50 =	vmul.f32 v44, v41  }
0x165: {  	v53 =	vor.u32 v11, v31;
	v42 =	vld.idx.msk [tilespmem:v57+s3+$0x0], $0xffff;
	v52 =	vor.u32 v13, v32  }
0x166: {  	v55 =	vor.u32 v13, v33;
	v43 =	vld.idx.msk [tilespmem:v58+s31+$0x0], $0xffff;
	[tilespmem:v59+s14+$0x0] =	vst.idx.msk $0xffff, v50;
	v54 =	vmul.f32 v39, v46  }
0x167: {  	v21 =	vor.u32 v14, v21;
	v56 =	vor.u32 v12, v27;
	v35 =	vld.idx.msk [tilespmem:v61+s31+$0x0], $0xffff  }
0x168: {  	v57 =	vor.u32 v13, v19;
	v36 =	vld.idx.msk [tilespmem:v62+s3+$0x0], $0xffff;
	[tilespmem:v63+s14+$0x0] =	vst.idx.msk $0xffff, v54;
	v58 =	vmul.f32 v49, v37  }
0x169: {  	v20 =	vor.u32 v15, v20;
	v59 =	vld.idx.msk [tilespmem:v51+s3+$0x0], $0xffff  }
0x16a: {  	v17 =	vor.u32 v14, v17;
	v60 =	vor.u32 v13, v26;
	v61 =	vld.idx.msk [tilespmem:v52+s31+$0x0], $0xffff;
	[tilespmem:v53+s14+$0x0] =	vst.idx.msk $0xffff, v58  }
0x16b: {  	v28 =	vor.u32 v15, v28;
	v62 =	vmul.f32 v43, v42;
	v39 =	vld.idx.msk [tilespmem:v55+s31+$0x0], $0xffff  }
0x16c: {  	v16 =	vor.u32 v14, v16;
	v63 =	vor.u32 v13, v30;
	v47 =	vld.idx.msk [tilespmem:v56+s3+$0x0], $0xffff  }
0x16d: {  	v21 =	vld.idx.msk [tilespmem:v21+s3+$0x0], $0xffff;
	v49 =	vor.u32 v15, v32;
	[tilespmem:v57+s14+$0x0] =	vst.idx.msk $0xffff, v62;
	v48 =	vmul.f32 v35, v36  }
0x16e: {  	v23 =	vor.u32 v14, v23;
	v50 =	vor.u32 v13, v31;
	v20 =	vld.idx.msk [tilespmem:v20+s31+$0x0], $0xffff  }
0x16f: {  	v51 =	vor.u32 v15, v33;
	v17 =	vld.idx.msk [tilespmem:v17+s3+$0x0], $0xffff;
	v52 =	vmul.f32 v61, v59;
	[tilespmem:v60+s14+$0x0] =	vst.idx.msk $0xffff, v48  }
0x170: {  	v27 =	vor.u32 v14, v27;
	v28 =	vld.idx.msk [tilespmem:v28+s31+$0x0], $0xffff  }
0x171: {  	v16 =	vld.idx.msk [tilespmem:v16+s3+$0x0], $0xffff;
	[tilespmem:v63+s14+$0x0] =	vst.idx.msk $0xffff, v52;
	v53 =	vmul.f32 v39, v47  }
0x172: {  	v18 =	vor.u32 v15, v18;
	v32 =	vld.idx.msk [tilespmem:v49+s31+$0x0], $0xffff  }
0x173: {  	v24 =	vor.u32 v15, v24;
	v23 =	vld.idx.msk [tilespmem:v23+s3+$0x0], $0xffff;
	[tilespmem:v50+s14+$0x0] =	vst.idx.msk $0xffff, v53  }
0x174: {  	v19 =	vor.u32 v15, v19;
	v33 =	vld.idx.msk [tilespmem:v51+s31+$0x0], $0xffff  }
0x175: {  	v25 =	vmul.f32 v29, v25;
	v26 =	vor.u32 v15, v26;
	v27 =	vld.idx.msk [tilespmem:v27+s3+$0x0], $0xffff  }
0x176: {  	v21 =	vmul.f32 v22, v21;
	v22 =	vor.u32 v15, v30  }
0x177: {  	[tilespmem:v18+s14+$0x0] =	vst.idx.msk $0xffff, v25;
	v18 =	vor.u32 v15, v31;
	v17 =	vmul.f32 v20, v17  }
0x178: {  	[tilespmem:v24+s14+$0x0] =	vst.idx.msk $0xffff, v21;
	v16 =	vmul.f32 v28, v16  }
0x179: {  	[tilespmem:v19+s14+$0x0] =	vst.idx.msk $0xffff, v17;
	v17 =	vmul.f32 v32, v23  }
0x17a: {  	[tilespmem:v26+s14+$0x0] =	vst.idx.msk $0xffff, v16;
	v16 =	vmul.f32 v33, v27  }
0x17b: {  	[tilespmem:v22+s14+$0x0] =	vst.idx.msk $0xffff, v17  }
0x17c: {  	[tilespmem:v18+s14+$0x0] =	vst.idx.msk $0xffff, v16  }
0x17d: {  	s2 =	rddreg [dreg:$0x10]  }
0x17e: {  	s19 =	sshll.u32 s15, $0xD;
	s22 =	rddreg [dreg:$0x11]  }
0x17f: {  	s19 =	sadd.s32 s19, s2;
	s2 =	sadd.s32 s21, s22  }
0x180: {  	[hbm4b:s19+s3] =	stream.linear.scatter [tilespmem:s14], [sflag:$0x9], $0x4000, $0x38;
	[tilespmem:$0x1A200] =	vst v63  }
0x181: {  	s22 =	sshll.u32 s2, $0x7  }
0x182: {  	s19 =	sshll.u32 s2, $0x4;
	s22 =	sadd.s32 s4, s22  }
0x183: {  	[tilespmem:s3], [sflag:$0x1] =	stream.strided.gather [hbm4b:s22+s16], $0x4000, s29, s16, $0x38;
	[tilespmem:$0x1A200] =	vst v63  }
0x184: {  	s19 =	sadd.s32 s5, s19  }
0x185: {  	[tilespmem:s0], [sflag:$0x5] =	stream.linear.gather [hbm4b:s19+s3], $0x80, $0x38;
	[tilespmem:$0x1A200] =	vst v63  }
0x186: {  	s19 =	simm.s32 $0x2  }
0x187: {  	_ =	swait.ge [sflag:s19], $0x4000  }
0x188: {  	s22 =	simm.s32 $0x0;
	[sflag:s19] =	ssyncset.done $0x0  }
0x189: {  	s29 =	simm.s32 $0x6;
	v16 =	vadd.s32 s22, v0;
	[sflag:s19] =	ssyncadd.s32 $0xFFFFC000  }
0x18a: {  	v16 =	vand.u32 $0xF, v16;
	s19 =	sand.u32 $0x70, s22;
	_ =	swait.ge [sflag:s29], $0x80  }
0x18b: {  	v25 =	vor.u32 s19, v16;
	[sflag:s29] =	ssyncset.done $0x0  }
0x18c: {  	s22 =	simm.s32 @!p1 $0xA;
	[sflag:s29] =	ssyncadd.s32 $0xFFFFFF80  }
0x18d: {  	_ =	swait.ge @!p1 [sflag:s22], $0x4000  }
0x18e: {  	[sflag:s22] =	ssyncset.done @!p1 $0x0  }
0x18f: {  	[sflag:s22] =	ssyncadd.s32 @!p1 $0xFFFFC000  }
0x190: {  	v16 =	vld.idx.msk [tilespmem:v25+s6+$0x0], $0xffff;
	_ =	sdelay $0x3  }
0x191: {  	s16 =	simm.s32 $0x1  }
0x192: {  	v17 =	vadd.s32 s16, v0;
	vm0 =	vgt.s32 v16, $0x0  }
0x193: {  	v17 =	vand.u32 $0xF, v17;
	v16 =	vnsel vm0, $0x0, v16  }
0x194: {  	v21 =	vor.u32 s19, v17;
	v16 =	vmin.u32 v16, $0x3F  }
0x195: {  	v17 =	vor.u32 v1, v25;
	v29 =	vshll.u32 v16, $0x7  }
0x196: {  	v16 =	vor.u32 v0, v29;
	_ =	sdelay $0x2  }
0x197: {  	v19 =	vld.idx.msk [tilespmem:v21+s6+$0x0], $0xffff  }
0x198: {  	v17 =	vld.idx.msk [tilespmem:v17+s1+$0x0], $0xffff  }
0x199: {  	v16 =	vld.idx.msk [tilespmem:v16+s31+$0x0], $0xffff  }
0x19a: {  	v18 =	vshll.u32 v25, $0x7  }
0x19b: {  	v20 =	vor.u32 v0, v18;
	s22 =	simm.s32 $0x2  }
0x19c: {  	v23 =	vor.u32 v2, v25;
	v22 =	vadd.s32 s22, v0;
	vm11 =	vgt.s32 v19, $0x0  }
0x19d: {  	s19 =	sand.u32 $0x70, s22;
	v22 =	vand.u32 $0xF, v22;
	v19 =	vnsel vm11, $0x0, v19;
	v24 =	vor.u32 v3, v29  }
0x19e: {  	v19 =	vmin.u32 v19, $0x3F;
	v16 =	vmul.f32 v16, v17;
	v17 =	vor.u32 s19, v22  }
0x19f: {  	v22 =	vshll.u32 v19, $0x7;
	v19 =	vor.u32 v1, v21  }
0x1a0: {  	v26 =	vor.u32 v0, v22;
	[tilespmem:v20+s18+$0x0] =	vst.idx.msk $0xffff, v16  }
0x1a1: {  	v20 =	vld.idx.msk [tilespmem:v23+s1+$0x0], $0xffff  }
0x1a2: {  	v23 =	vld.idx.msk [tilespmem:v24+s31+$0x0], $0xffff  }
0x1a3: {  	v27 =	vld.idx.msk [tilespmem:v17+s6+$0x0], $0xffff  }
0x1a4: {  	v19 =	vld.idx.msk [tilespmem:v19+s1+$0x0], $0xffff  }
0x1a5: {  	v28 =	vor.u32 v3, v18;
	v26 =	vld.idx.msk [tilespmem:v26+s31+$0x0], $0xffff  }
0x1a6: {  	v30 =	vor.u32 v4, v25;
	s29 =	simm.s32 $0x3;
	v24 =	vshll.u32 v21, $0x7  }
0x1a7: {  	v31 =	vor.u32 v5, v29;
	v16 =	vadd.s32 s29, v0;
	v54 =	vor.u32 v0, v24  }
0x1a8: {  	v20 =	vmul.f32 v23, v20;
	v23 =	vor.u32 v2, v21;
	vm12 =	vgt.s32 v27, $0x0  }
0x1a9: {  	v55 =	vor.u32 v3, v22;
	v16 =	vand.u32 $0xF, v16;
	v27 =	vnsel vm12, $0x0, v27  }
0x1aa: {  	v16 =	vor.u32 s19, v16;
	[tilespmem:v28+s18+$0x0] =	vst.idx.msk $0xffff, v20;
	v19 =	vmul.f32 v26, v19;
	v20 =	vmin.u32 v27, $0x3F  }
0x1ab: {  	v26 =	vld.idx.msk [tilespmem:v30+s1+$0x0], $0xffff;
	v27 =	vor.u32 v1, v17;
	v20 =	vshll.u32 v20, $0x7  }
0x1ac: {  	v28 =	vld.idx.msk [tilespmem:v31+s31+$0x0], $0xffff;
	[tilespmem:v54+s18+$0x0] =	vst.idx.msk $0xffff, v19;
	v19 =	vor.u32 v0, v20  }
0x1ad: {  	v23 =	vld.idx.msk [tilespmem:v23+s1+$0x0], $0xffff  }
0x1ae: {  	v30 =	vor.u32 v5, v18;
	v31 =	vld.idx.msk [tilespmem:v55+s31+$0x0], $0xffff  }
0x1af: {  	v56 =	vld.idx.msk [tilespmem:v16+s6+$0x0], $0xffff  }
0x1b0: {  	v57 =	vor.u32 v6, v25;
	v59 =	vor.u32 v3, v24;
	v27 =	vld.idx.msk [tilespmem:v27+s1+$0x0], $0xffff  }
0x1b1: {  	v61 =	vor.u32 v4, v21;
	v26 =	vmul.f32 v28, v26;
	v60 =	vld.idx.msk [tilespmem:v19+s31+$0x0], $0xffff  }
0x1b2: {  	v58 =	vor.u32 v7, v29;
	v62 =	vor.u32 v5, v22;
	v19 =	vshll.u32 v17, $0x7  }
0x1b3: {  	[tilespmem:v30+s18+$0x0] =	vst.idx.msk $0xffff, v26;
	v23 =	vmul.f32 v31, v23;
	v26 =	vor.u32 v0, v19  }
0x1b4: {  	vm13 =	vgt.s32 v56, $0x0;
	v31 =	vor.u32 v2, v17  }
0x1b5: {  	v44 =	vor.u32 v3, v20;
	v28 =	vnsel vm13, $0x0, v56;
	v30 =	vld.idx.msk [tilespmem:v57+s1+$0x0], $0xffff;
	[tilespmem:v59+s18+$0x0] =	vst.idx.msk $0xffff, v23  }
0x1b6: {  	s2 =	simm.s32 $0x4;
	v28 =	vmin.u32 v28, $0x3F;
	v35 =	vld.idx.msk [tilespmem:v61+s1+$0x0], $0xffff;
	v23 =	vmul.f32 v60, v27  }
0x1b7: {  	v45 =	vor.u32 v1, v16;
	v28 =	vshll.u32 v28, $0x7;
	v47 =	vld.idx.msk [tilespmem:v62+s31+$0x0], $0xffff;
	v27 =	vadd.s32 s2, v0  }
0x1b8: {  	s19 =	sand.u32 $0x70, s2;
	v63 =	vld.idx.msk [tilespmem:v58+s31+$0x0], $0xffff;
	v46 =	vor.u32 v0, v28;
	v27 =	vand.u32 $0xF, v27;
	[tilespmem:v26+s18+$0x0] =	vst.idx.msk $0xffff, v23  }
0x1b9: {  	v49 =	vor.u32 v5, v24;
	v23 =	vor.u32 s19, v27;
	v31 =	vld.idx.msk [tilespmem:v31+s1+$0x0], $0xffff  }
0x1ba: {  	v50 =	vor.u32 v6, v21;
	v26 =	vor.u32 v7, v18;
	v33 =	vld.idx.msk [tilespmem:v44+s31+$0x0], $0xffff  }
0x1bb: {  	v51 =	vor.u32 v7, v22  }
0x1bc: {  	v48 =	vor.u32 v8, v25;
	v34 =	vld.idx.msk [tilespmem:v45+s1+$0x0], $0xffff;
	v52 =	vor.u32 v3, v19;
	v35 =	vmul.f32 v47, v35  }
0x1bd: {  	v54 =	vor.u32 v4, v17;
	v30 =	vmul.f32 v63, v30;
	v36 =	vld.idx.msk [tilespmem:v46+s31+$0x0], $0xffff  }
0x1be: {  	s16 =	simm.s32 $0x5;
	v55 =	vor.u32 v5, v20;
	v58 =	vor.u32 v1, v23;
	[tilespmem:v49+s18+$0x0] =	vst.idx.msk $0xffff, v35;
	v53 =	vld.idx.msk [tilespmem:v23+s6+$0x0], $0xffff  }
0x1bf: {  	v27 =	vadd.s32 s16, v0;
	v39 =	vld.idx.msk [tilespmem:v50+s1+$0x0], $0xffff;
	[tilespmem:v26+s18+$0x0] =	vst.idx.msk $0xffff, v30;
	v26 =	vshll.u32 v16, $0x7;
	v31 =	vmul.f32 v33, v31  }
0x1c0: {  	v27 =	vand.u32 $0xF, v27;
	v32 =	vld.idx.msk [tilespmem:v51+s31+$0x0], $0xffff;
	v30 =	vor.u32 v9, v29;
	v56 =	vor.u32 v0, v26  }
0x1c1: {  	v27 =	vor.u32 s19, v27;
	v38 =	vld.idx.msk [tilespmem:v48+s1+$0x0], $0xffff;
	[tilespmem:v52+s18+$0x0] =	vst.idx.msk $0xffff, v31  }
0x1c2: {  	v57 =	vor.u32 v2, v16;
	v59 =	vor.u32 v7, v24;
	v61 =	vld.idx.msk [tilespmem:v54+s1+$0x0], $0xffff  }
0x1c3: {  	v60 =	vor.u32 v3, v28;
	v31 =	vmul.f32 v36, v34;
	v33 =	vld.idx.msk [tilespmem:v55+s31+$0x0], $0xffff;
	vm14 =	vgt.s32 v53, $0x0  }
0x1c4: {  	v62 =	vor.u32 v8, v21;
	v63 =	vor.u32 v9, v22;
	v47 =	vld.idx.msk [tilespmem:v58+s1+$0x0], $0xffff;
	v52 =	vnsel vm14, $0x0, v53  }
0x1c5: {  	v30 =	vld.idx.msk [tilespmem:v30+s31+$0x0], $0xffff;
	[tilespmem:v56+s18+$0x0] =	vst.idx.msk $0xffff, v31;
	v56 =	vor.u32 v5, v19;
	v31 =	vmin.u32 v52, $0x3F  }
0x1c6: {  	v58 =	vor.u32 v6, v17;
	v43 =	vld.idx.msk [tilespmem:v27+s6+$0x0], $0xffff;
	v55 =	vmul.f32 v32, v39;
	v32 =	vshll.u32 v31, $0x7  }
0x1c7: {  	v45 =	vor.u32 v1, v27;
	v42 =	vld.idx.msk [tilespmem:v57+s1+$0x0], $0xffff;
	v57 =	vor.u32 v0, v32  }
0x1c8: {  	v53 =	vor.u32 v9, v18;
	[tilespmem:v59+s18+$0x0] =	vst.idx.msk $0xffff, v55;
	v37 =	vld.idx.msk [tilespmem:v60+s31+$0x0], $0xffff;
	v33 =	vmul.f32 v33, v61  }
0x1c9: {  	v46 =	vor.u32 v13, v29;
	v35 =	vor.u32 v6, v16;
	v54 =	vor.u32 v11, v29;
	v44 =	vld.idx.msk [tilespmem:v62+s1+$0x0], $0xffff  }
0x1ca: {  	v60 =	vor.u32 v10, v25;
	v31 =	vmul.f32 v30, v38;
	v38 =	vld.idx.msk [tilespmem:v63+s31+$0x0], $0xffff;
	[tilespmem:v56+s18+$0x0] =	vst.idx.msk $0xffff, v33  }
0x1cb: {  	v49 =	vor.u32 v5, v28;
	v62 =	vor.u32 v3, v26;
	v61 =	vor.u32 v7, v20;
	v39 =	vld.idx.msk [tilespmem:v58+s1+$0x0], $0xffff  }
0x1cc: {  	v51 =	vor.u32 v9, v24;
	v48 =	vor.u32 v7, v19;
	v63 =	vor.u32 v4, v16;
	v40 =	vld.idx.msk [tilespmem:v57+s31+$0x0], $0xffff  }
0x1cd: {  	v30 =	vshll.u32 v23, $0x7;
	[tilespmem:v53+s18+$0x0] =	vst.idx.msk $0xffff, v31;
	v42 =	vmul.f32 v37, v42;
	v37 =	vld.idx.msk [tilespmem:v45+s1+$0x0], $0xffff  }
0x1ce: {  	v36 =	vor.u32 v10, v21;
	vm15 =	vgt.s32 v43, $0x0;
	v55 =	vor.u32 v0, v30;
	v50 =	vld.idx.msk [tilespmem:v54+s31+$0x0], $0xffff  }
0x1cf: {  	v34 =	vor.u32 v6, v27;
	v59 =	vnsel vm15, $0x0, v43;
	v53 =	vld.idx.msk [tilespmem:v60+s1+$0x0], $0xffff;
	v60 =	vor.u32 v11, v22  }
0x1d0: {  	v43 =	vld.idx.msk [tilespmem:v61+s31+$0x0], $0xffff;
	v61 =	vor.u32 v2, v23;
	[tilespmem:v62+s18+$0x0] =	vst.idx.msk $0xffff, v42;
	v62 =	vmul.f32 v38, v44  }
0x1d1: {  	v52 =	vor.u32 v11, v18;
	v33 =	vmin.u32 v59, $0x3F;
	v44 =	vld.idx.msk [tilespmem:v63+s1+$0x0], $0xffff;
	v63 =	vmul.f32 v40, v47  }
0x1d2: {  	v31 =	vshll.u32 v27, $0x7;
	v33 =	vshll.u32 v33, $0x7;
	v54 =	vor.u32 v3, v32;
	v45 =	vld.idx.msk [tilespmem:v49+s31+$0x0], $0xffff;
	[tilespmem:v51+s18+$0x0] =	vst.idx.msk $0xffff, v62  }
0x1d3: {  	v42 =	vor.u32 v13, v22;
	v49 =	vor.u32 v12, v25;
	v41 =	vld.idx.msk [tilespmem:v36+s1+$0x0], $0xffff;
	[tilespmem:v55+s18+$0x0] =	vst.idx.msk $0xffff, v63  }
0x1d4: {  	s22 =	sshll.u32 s15, $0x9;
	v38 =	vor.u32 v0, v33;
	v51 =	vor.u32 v5, v26;
	v36 =	vor.u32 v12, v21;
	v47 =	vld.idx.msk [tilespmem:v60+s31+$0x0], $0xffff;
	s29 =	rddreg [dreg:$0x5]  }
0x1d5: {  	s28 =	simm.s32 $0x6;
	v40 =	vor.u32 v11, v24;
	v55 =	vmul.f32 v50, v53;
	v50 =	vor.u32 v8, v17;
	v53 =	vld.idx.msk [tilespmem:v61+s1+$0x0], $0xffff;
	s19 =	sadd.s32 s22, s29  }
.LBB2_7:
0x1d6: {  	s29 =	sadd.s32 $0x1, s28  }
0x1d7: {  	v56 =	vadd.s32 s28, v0;
	p1 =	slt.u32 s28, $0x7E;
	v54 =	vld.idx.msk [tilespmem:v54+s31+$0x0], $0xffff;
	v39 =	vmul.f32 v43, v39;
	[tilespmem:v52+s18+$0x0] =	vst.idx.msk $0xffff, v55;
	s2 =	smov.u32 s28;
	s28 =	sadd.s32 $0x2, s28  }
0x1d8: {  	v55 =	vor.u32 v7, v28;
	s2 =	sand.u32 $0x70, s2;
	v43 =	vand.u32 $0xF, v56;
	v52 =	vadd.s32 s29, v0;
	v49 =	vld.idx.msk [tilespmem:v49+s1+$0x0], $0xffff  }
0x1d9: {  	v44 =	vmul.f32 v45, v44;
	v43 =	vor.u32 s2, v43;
	v52 =	vand.u32 $0xF, v52;
	v45 =	vld.idx.msk [tilespmem:v46+s31+$0x0], $0xffff  }
0x1da: {  	v46 =	vshll.u32 v43, $0x7;
	v52 =	vor.u32 s2, v52;
	v38 =	vld.idx.msk [tilespmem:v38+s31+$0x0], $0xffff;
	[tilespmem:v48+s18+$0x0] =	vst.idx.msk $0xffff, v39;
	v39 =	vor.u32 v15, v22  }
0x1db: {  	v41 =	vmul.f32 v47, v41;
	v22 =	vmov v28;
	v48 =	vshll.u32 v52, $0x7;
	v50 =	vld.idx.msk [tilespmem:v50+s1+$0x0], $0xffff;
	[tilespmem:v51+s18+$0x0] =	vst.idx.msk $0xffff, v44  }
0x1dc: {  	v47 =	vor.u32 v13, v18;
	v28 =	vor.u32 v6, v52;
	v51 =	vor.u32 v15, v29;
	v44 =	vld.idx.msk [tilespmem:v35+s1+$0x0], $0xffff  }
0x1dd: {  	v53 =	vmul.f32 v54, v53;
	v54 =	vor.u32 v3, v30;
	v55 =	vld.idx.msk [tilespmem:v55+s31+$0x0], $0xffff;
	[tilespmem:v40+s18+$0x0] =	vst.idx.msk $0xffff, v41  }
0x1de: {  	v29 =	vmovc v20;
	v20 =	vmovc v32;
	v35 =	vmov v34;
	v34 =	vmov v28;
	v40 =	vor.u32 v4, v23;
	v41 =	vld.idx.msk [tilespmem:v42+s31+$0x0], $0xffff  }
0x1df: {  	v32 =	vor.u32 v9, v29;
	v42 =	vmul.f32 v45, v49;
	v28 =	vmov v33;
	v36 =	vld.idx.msk [tilespmem:v36+s1+$0x0], $0xffff  }
0x1e0: {  	v56 =	vor.u32 v15, v18;
	v45 =	vor.u32 v5, v20;
	v49 =	vor.u32 v0, v31;
	v33 =	vld.idx.msk [tilespmem:v43+s6+$0x0], $0xffff  }
0x1e1: {  	v57 =	vor.u32 v2, v27;
	v18 =	vld.idx.msk [tilespmem:v52+s6+$0x0], $0xffff;
	[tilespmem:v47+s18+$0x0] =	vst.idx.msk $0xffff, v42;
	v42 =	vor.u32 v13, v24  }
0x1e2: {  	v47 =	vor.u32 v14, v25;
	[tilespmem:v54+s18+$0x0] =	vst.idx.msk $0xffff, v53;
	v51 =	vld.idx.msk [tilespmem:v51+s31+$0x0], $0xffff;
	v53 =	vor.u32 v15, v24  }
0x1e3: {  	v21 =	vor.u32 v14, v21;
	v60 =	vmul.f32 v38, v37;
	v37 =	vor.u32 v8, v16;
	v24 =	vld.idx.msk [tilespmem:v40+s1+$0x0], $0xffff  }
0x1e4: {  	v58 =	vor.u32 v7, v26;
	v54 =	vor.u32 v11, v29;
	v40 =	vor.u32 v9, v19;
	v38 =	vld.idx.msk [tilespmem:v32+s31+$0x0], $0xffff  }
0x1e5: {  	v59 =	vor.u32 v1, v43;
	v32 =	vmul.f32 v41, v36;
	v45 =	vld.idx.msk [tilespmem:v45+s31+$0x0], $0xffff;
	[tilespmem:v49+s18+$0x0] =	vst.idx.msk $0xffff, v60  }
0x1e6: {  	v25 =	vmovc v17;
	v41 =	vor.u32 v3, v28;
	vm0 =	vgt.s32 v33, $0x0;
	v49 =	vor.u32 v9, v22;
	v36 =	vld.idx.msk [tilespmem:v57+s1+$0x0], $0xffff  }
0x1e7: {  	v33 =	vnsel vm0, $0x0, v33;
	vm0 =	vgt.s32 v18, $0x0;
	v57 =	vor.u32 v5, v30;
	v47 =	vld.idx.msk [tilespmem:v47+s1+$0x0], $0xffff;
	[tilespmem:v42+s18+$0x0] =	vst.idx.msk $0xffff, v32  }
0x1e8: {  	v17 =	vmovc v23;
	v23 =	vmovc v43;
	v32 =	vmin.u32 v33, $0x3F;
	v60 =	vnsel vm0, $0x0, v18;
	v42 =	vmul.f32 v55, v44;
	v39 =	vld.idx.msk [tilespmem:v39+s31+$0x0], $0xffff  }
0x1e9: {  	v43 =	vor.u32 v6, v17;
	v18 =	vmovc v19;
	v19 =	vmovc v30;
	v32 =	vshll.u32 v32, $0x7;
	v33 =	vmin.u32 v60, $0x3F;
	v44 =	vld.idx.msk [tilespmem:v21+s1+$0x0], $0xffff  }
0x1ea: {  	v30 =	vmovc v46;
	v33 =	vshll.u32 v33, $0x7;
	v50 =	vmul.f32 v38, v50;
	v55 =	vld.idx.msk [tilespmem:v59+s1+$0x0], $0xffff;
	v59 =	vor.u32 v0, v32  }
0x1eb: {  	v38 =	vor.u32 v0, v33;
	v60 =	vmul.f32 v45, v24;
	v41 =	vld.idx.msk [tilespmem:v41+s31+$0x0], $0xffff;
	[tilespmem:v58+s18+$0x0] =	vst.idx.msk $0xffff, v42  }
0x1ec: {  	v21 =	vmov v16;
	v16 =	vmov v27;
	[tilespmem:v40+s18+$0x0] =	vst.idx.msk $0xffff, v50;
	v40 =	vor.u32 v10, v25;
	v42 =	vld.idx.msk [tilespmem:v49+s31+$0x0], $0xffff  }
0x1ed: {  	v45 =	vor.u32 v7, v20;
	[tilespmem:v57+s18+$0x0] =	vst.idx.msk $0xffff, v60;
	v46 =	vld.idx.msk [tilespmem:v37+s1+$0x0], $0xffff;
	v37 =	vmul.f32 v51, v47  }
0x1ee: {  	v27 =	vmovc v52;
	v24 =	vmov v26;
	v49 =	vor.u32 v3, v31;
	v47 =	vor.u32 v1, v52;
	v50 =	vld.idx.msk [tilespmem:v54+s31+$0x0], $0xffff  }
0x1ef: {  	v52 =	vor.u32 v4, v16;
	v51 =	vld.idx.msk [tilespmem:v59+s31+$0x0], $0xffff;
	[tilespmem:v56+s18+$0x0] =	vst.idx.msk $0xffff, v37;
	v37 =	vmul.f32 v39, v44  }
0x1f0: {  	v26 =	vmovc v31;
	v31 =	vmov v48;
	v57 =	vor.u32 v9, v24;
	v56 =	vor.u32 v5, v28;
	v39 =	vld.idx.msk [tilespmem:v43+s1+$0x0], $0xffff  }
0x1f1: {  	v36 =	vmul.f32 v41, v36;
	v58 =	vld.idx.msk [tilespmem:v40+s1+$0x0], $0xffff;
	v40 =	vor.u32 v10, v21;
	[tilespmem:v53+s18+$0x0] =	vst.idx.msk $0xffff, v37  }
0x1f2: {  	v48 =	vor.u32 v0, v30;
	v53 =	vor.u32 v11, v22;
	v43 =	vld.idx.msk [tilespmem:v45+s31+$0x0], $0xffff  }
0x1f3: {  	v59 =	vor.u32 v2, v23;
	v37 =	vld.idx.msk [tilespmem:v47+s1+$0x0], $0xffff;
	[tilespmem:v49+s18+$0x0] =	vst.idx.msk $0xffff, v36;
	v36 =	vmul.f32 v42, v46  }
.Ltmp4:
0x1f4: {  	v54 =	vor.u32 v3, v32;
	v44 =	vld.idx.msk [tilespmem:v52+s1+$0x0], $0xffff;
	v52 =	vor.u32 v11, v18;
	(pc) =	sbr.rel @p1 .LBB2_7-.Ltmp4, $4  }
0x1f5: {  	v49 =	vor.u32 v12, v25;
	v42 =	vmul.f32 v51, v55;
	v45 =	vld.idx.msk [tilespmem:v56+s31+$0x0], $0xffff;
	[tilespmem:v57+s18+$0x0] =	vst.idx.msk $0xffff, v36  }
0x1f6: {  	v46 =	vor.u32 v13, v29;
	v36 =	vor.u32 v12, v21;
	v41 =	vld.idx.msk [tilespmem:v40+s1+$0x0], $0xffff;
	v40 =	vor.u32 v11, v24  }
0x1f7: {  	v55 =	vmul.f32 v50, v58;
	[tilespmem:v48+s18+$0x0] =	vst.idx.msk $0xffff, v42;
	v48 =	vor.u32 v7, v19;
	v47 =	vld.idx.msk [tilespmem:v53+s31+$0x0], $0xffff  }
0x1f8: {  	v51 =	vor.u32 v5, v26;
	v50 =	vor.u32 v8, v17;
	v42 =	vor.u32 v13, v22;
	v53 =	vld.idx.msk [tilespmem:v59+s1+$0x0], $0xffff  }
0x1f9: {  	_ =	sdelay $0x3  }
0x1fa: {  	v38 =	vld.idx.msk [tilespmem:v38+s31+$0x0], $0xffff;
	_ =	sdelay $0x1  }
0x1fb: {  	v56 =	vor.u32 v0, v31  }
0x1fc: {  	v57 =	vor.u32 v2, v27  }
0x1fd: {  	v58 =	vor.u32 v3, v33  }
0x1fe: {  	v37 =	vmul.f32 v38, v37;
	_ =	sdelay $0x1  }
0x1ff: {  	v62 =	vld.idx.msk [tilespmem:v54+s31+$0x0], $0xffff;
	[tilespmem:v56+s18+$0x0] =	vst.idx.msk $0xffff, v37  }
0x200: {  	v37 =	vld.idx.msk [tilespmem:v57+s1+$0x0], $0xffff  }
0x201: {  	v54 =	vor.u32 v3, v30;
	v56 =	vld.idx.msk [tilespmem:v58+s31+$0x0], $0xffff  }
0x202: {  	v63 =	vor.u32 v4, v23  }
0x203: {  	v60 =	vor.u32 v5, v32;
	v59 =	vor.u32 v3, v31  }
0x204: {  	v61 =	vor.u32 v4, v27;
	v38 =	vmul.f32 v62, v53  }
0x205: {  	[tilespmem:v52+s18+$0x0] =	vst.idx.msk $0xffff, v55;
	v62 =	vor.u32 v5, v33  }
0x206: {  	v46 =	vld.idx.msk [tilespmem:v46+s31+$0x0], $0xffff;
	[tilespmem:v54+s18+$0x0] =	vst.idx.msk $0xffff, v38;
	v37 =	vmul.f32 v56, v37  }
0x207: {  	v63 =	vld.idx.msk [tilespmem:v63+s1+$0x0], $0xffff  }
0x208: {  	v39 =	vmul.f32 v43, v39;
	v52 =	vor.u32 v9, v20;
	v54 =	vld.idx.msk [tilespmem:v60+s31+$0x0], $0xffff;
	[tilespmem:v59+s18+$0x0] =	vst.idx.msk $0xffff, v37  }
0x209: {  	v44 =	vmul.f32 v45, v44;
	v56 =	vld.idx.msk [tilespmem:v61+s1+$0x0], $0xffff  }
0x20a: {  	v55 =	vor.u32 v7, v28;
	[tilespmem:v48+s18+$0x0] =	vst.idx.msk $0xffff, v39;
	v57 =	vor.u32 v5, v30;
	v58 =	vld.idx.msk [tilespmem:v62+s31+$0x0], $0xffff  }
0x20b: {  	[tilespmem:v51+s18+$0x0] =	vst.idx.msk $0xffff, v44;
	v50 =	vld.idx.msk [tilespmem:v50+s1+$0x0], $0xffff;
	v60 =	vor.u32 v7, v32  }
0x20c: {  	v35 =	vld.idx.msk [tilespmem:v35+s1+$0x0], $0xffff;
	v59 =	vor.u32 v6, v23;
	v61 =	vor.u32 v5, v31  }
0x20d: {  	v44 =	vld.idx.msk [tilespmem:v52+s31+$0x0], $0xffff;
	v43 =	vmul.f32 v54, v63  }
0x20e: {  	v38 =	vld.idx.msk [tilespmem:v49+s1+$0x0], $0xffff;
	v62 =	vor.u32 v7, v33  }
0x20f: {  	v37 =	vld.idx.msk [tilespmem:v55+s31+$0x0], $0xffff;
	[tilespmem:v57+s18+$0x0] =	vst.idx.msk $0xffff, v43;
	v49 =	vmul.f32 v58, v56  }
0x210: {  	v41 =	vmul.f32 v47, v41;
	v63 =	vor.u32 v13, v18;
	v47 =	vld.idx.msk [tilespmem:v60+s31+$0x0], $0xffff  }
0x211: {  	v29 =	vor.u32 v15, v29;
	v53 =	vor.u32 v7, v26;
	v43 =	vld.idx.msk [tilespmem:v59+s1+$0x0], $0xffff;
	[tilespmem:v61+s18+$0x0] =	vst.idx.msk $0xffff, v49  }
0x212: {  	[tilespmem:v40+s18+$0x0] =	vst.idx.msk $0xffff, v41;
	v54 =	vor.u32 v9, v28;
	v34 =	vld.idx.msk [tilespmem:v34+s1+$0x0], $0xffff  }
0x213: {  	v38 =	vmul.f32 v46, v38;
	v55 =	vor.u32 v8, v16;
	v56 =	vor.u32 v7, v30;
	v40 =	vld.idx.msk [tilespmem:v62+s31+$0x0], $0xffff  }
0x214: {  	v42 =	vld.idx.msk [tilespmem:v42+s31+$0x0], $0xffff;
	v57 =	vor.u32 v8, v23;
	v35 =	vmul.f32 v37, v35  }
0x215: {  	v36 =	vld.idx.msk [tilespmem:v36+s1+$0x0], $0xffff;
	[tilespmem:v63+s18+$0x0] =	vst.idx.msk $0xffff, v38;
	v59 =	vor.u32 v7, v31;
	v58 =	vor.u32 v9, v32  }
0x216: {  	v29 =	vld.idx.msk [tilespmem:v29+s31+$0x0], $0xffff;
	[tilespmem:v53+s18+$0x0] =	vst.idx.msk $0xffff, v35;
	v61 =	vor.u32 v9, v33;
	v60 =	vmul.f32 v47, v43  }
0x217: {  	v25 =	vor.u32 v14, v25;
	v39 =	vld.idx.msk [tilespmem:v54+s31+$0x0], $0xffff;
	v62 =	vor.u32 v8, v27  }
0x218: {  	v63 =	vor.u32 v9, v19;
	v46 =	vld.idx.msk [tilespmem:v55+s1+$0x0], $0xffff;
	[tilespmem:v56+s18+$0x0] =	vst.idx.msk $0xffff, v60;
	v34 =	vmul.f32 v40, v34  }
0x219: {  	v52 =	vor.u32 v11, v20;
	v37 =	vld.idx.msk [tilespmem:v57+s1+$0x0], $0xffff  }
0x21a: {  	v53 =	vor.u32 v10, v17;
	v54 =	vor.u32 v9, v26;
	v38 =	vld.idx.msk [tilespmem:v58+s31+$0x0], $0xffff;
	[tilespmem:v59+s18+$0x0] =	vst.idx.msk $0xffff, v34  }
0x21b: {  	v55 =	vmul.f32 v44, v50;
	v56 =	vor.u32 v10, v16;
	v43 =	vld.idx.msk [tilespmem:v61+s31+$0x0], $0xffff  }
0x21c: {  	v57 =	vor.u32 v11, v28;
	v58 =	vor.u32 v9, v30;
	v45 =	vld.idx.msk [tilespmem:v62+s1+$0x0], $0xffff  }
0x21d: {  	v25 =	vld.idx.msk [tilespmem:v25+s1+$0x0], $0xffff;
	[tilespmem:v63+s18+$0x0] =	vst.idx.msk $0xffff, v55;
	v60 =	vor.u32 v11, v32;
	v59 =	vmul.f32 v39, v46  }
0x21e: {  	v35 =	vld.idx.msk [tilespmem:v52+s31+$0x0], $0xffff;
	v61 =	vor.u32 v10, v23;
	v62 =	vor.u32 v9, v31  }
0x21f: {  	v52 =	vor.u32 v10, v27;
	v40 =	vld.idx.msk [tilespmem:v53+s1+$0x0], $0xffff;
	[tilespmem:v54+s18+$0x0] =	vst.idx.msk $0xffff, v59;
	v63 =	vmul.f32 v38, v37  }
0x220: {  	v22 =	vor.u32 v15, v22;
	v53 =	vor.u32 v13, v24;
	v54 =	vor.u32 v11, v33;
	v41 =	vld.idx.msk [tilespmem:v56+s1+$0x0], $0xffff  }
0x221: {  	v55 =	vor.u32 v11, v19;
	v44 =	vld.idx.msk [tilespmem:v57+s31+$0x0], $0xffff;
	[tilespmem:v58+s18+$0x0] =	vst.idx.msk $0xffff, v63;
	v56 =	vmul.f32 v43, v45  }
0x222: {  	v36 =	vmul.f32 v42, v36;
	v57 =	vor.u32 v12, v17;
	v39 =	vld.idx.msk [tilespmem:v60+s31+$0x0], $0xffff  }
0x223: {  	v59 =	vor.u32 v11, v26;
	v58 =	vor.u32 v13, v20;
	v46 =	vld.idx.msk [tilespmem:v61+s1+$0x0], $0xffff;
	[tilespmem:v62+s18+$0x0] =	vst.idx.msk $0xffff, v56  }
0x224: {  	v60 =	vmul.f32 v35, v40;
	v61 =	vor.u32 v13, v28;
	v37 =	vld.idx.msk [tilespmem:v52+s1+$0x0], $0xffff  }
0x225: {  	[tilespmem:v53+s18+$0x0] =	vst.idx.msk $0xffff, v36;
	v63 =	vor.u32 v11, v30;
	v62 =	vor.u32 v12, v16;
	v49 =	vld.idx.msk [tilespmem:v54+s31+$0x0], $0xffff  }
0x226: {  	v51 =	vor.u32 v12, v23;
	v22 =	vld.idx.msk [tilespmem:v22+s31+$0x0], $0xffff;
	[tilespmem:v55+s18+$0x0] =	vst.idx.msk $0xffff, v60;
	v50 =	vmul.f32 v44, v41  }
0x227: {  	v53 =	vor.u32 v11, v31;
	v42 =	vld.idx.msk [tilespmem:v57+s1+$0x0], $0xffff;
	v52 =	vor.u32 v13, v32  }
0x228: {  	v55 =	vor.u32 v13, v33;
	v43 =	vld.idx.msk [tilespmem:v58+s31+$0x0], $0xffff;
	[tilespmem:v59+s18+$0x0] =	vst.idx.msk $0xffff, v50;
	v54 =	vmul.f32 v39, v46  }
0x229: {  	v21 =	vor.u32 v14, v21;
	v56 =	vor.u32 v12, v27;
	v35 =	vld.idx.msk [tilespmem:v61+s31+$0x0], $0xffff  }
0x22a: {  	v57 =	vor.u32 v13, v19;
	v36 =	vld.idx.msk [tilespmem:v62+s1+$0x0], $0xffff;
	[tilespmem:v63+s18+$0x0] =	vst.idx.msk $0xffff, v54;
	v58 =	vmul.f32 v49, v37  }
0x22b: {  	v20 =	vor.u32 v15, v20;
	v59 =	vld.idx.msk [tilespmem:v51+s1+$0x0], $0xffff  }
0x22c: {  	v17 =	vor.u32 v14, v17;
	v60 =	vor.u32 v13, v26;
	v61 =	vld.idx.msk [tilespmem:v52+s31+$0x0], $0xffff;
	[tilespmem:v53+s18+$0x0] =	vst.idx.msk $0xffff, v58  }
0x22d: {  	v28 =	vor.u32 v15, v28;
	v62 =	vmul.f32 v43, v42;
	v39 =	vld.idx.msk [tilespmem:v55+s31+$0x0], $0xffff  }
0x22e: {  	v16 =	vor.u32 v14, v16;
	v63 =	vor.u32 v13, v30;
	v47 =	vld.idx.msk [tilespmem:v56+s1+$0x0], $0xffff  }
0x22f: {  	v21 =	vld.idx.msk [tilespmem:v21+s1+$0x0], $0xffff;
	v49 =	vor.u32 v15, v32;
	[tilespmem:v57+s18+$0x0] =	vst.idx.msk $0xffff, v62;
	v48 =	vmul.f32 v35, v36  }
0x230: {  	v23 =	vor.u32 v14, v23;
	v50 =	vor.u32 v13, v31;
	v20 =	vld.idx.msk [tilespmem:v20+s31+$0x0], $0xffff  }
0x231: {  	v51 =	vor.u32 v15, v33;
	v17 =	vld.idx.msk [tilespmem:v17+s1+$0x0], $0xffff;
	v52 =	vmul.f32 v61, v59;
	[tilespmem:v60+s18+$0x0] =	vst.idx.msk $0xffff, v48  }
0x232: {  	v27 =	vor.u32 v14, v27;
	v28 =	vld.idx.msk [tilespmem:v28+s31+$0x0], $0xffff  }
0x233: {  	v16 =	vld.idx.msk [tilespmem:v16+s1+$0x0], $0xffff;
	[tilespmem:v63+s18+$0x0] =	vst.idx.msk $0xffff, v52;
	v53 =	vmul.f32 v39, v47  }
0x234: {  	v18 =	vor.u32 v15, v18;
	v32 =	vld.idx.msk [tilespmem:v49+s31+$0x0], $0xffff  }
0x235: {  	v24 =	vor.u32 v15, v24;
	v23 =	vld.idx.msk [tilespmem:v23+s1+$0x0], $0xffff;
	[tilespmem:v50+s18+$0x0] =	vst.idx.msk $0xffff, v53  }
0x236: {  	v19 =	vor.u32 v15, v19;
	v33 =	vld.idx.msk [tilespmem:v51+s31+$0x0], $0xffff  }
0x237: {  	v25 =	vmul.f32 v29, v25;
	v26 =	vor.u32 v15, v26;
	v27 =	vld.idx.msk [tilespmem:v27+s1+$0x0], $0xffff  }
0x238: {  	v21 =	vmul.f32 v22, v21;
	v22 =	vor.u32 v15, v30  }
0x239: {  	[tilespmem:v18+s18+$0x0] =	vst.idx.msk $0xffff, v25;
	v18 =	vor.u32 v15, v31;
	v17 =	vmul.f32 v20, v17  }
0x23a: {  	[tilespmem:v24+s18+$0x0] =	vst.idx.msk $0xffff, v21;
	v16 =	vmul.f32 v28, v16  }
0x23b: {  	[tilespmem:v19+s18+$0x0] =	vst.idx.msk $0xffff, v17;
	v17 =	vmul.f32 v32, v23  }
0x23c: {  	[tilespmem:v26+s18+$0x0] =	vst.idx.msk $0xffff, v16;
	v16 =	vmul.f32 v33, v27  }
0x23d: {  	s2 =	sshll.u32 s19, $0x4;
	[tilespmem:v22+s18+$0x0] =	vst.idx.msk $0xffff, v17  }
0x23e: {  	s2 =	sadd.s32 s17, s2;
	[tilespmem:v18+s18+$0x0] =	vst.idx.msk $0xffff, v16  }
0x23f: {  	[hbm4b:s2+s3] =	stream.linear.scatter [tilespmem:s18], [sflag:$0xA], $0x4000, $0x38;
	[tilespmem:$0x1A200] =	vst v63  }
0x240: {  	p1 =	seq.s32 s15, $0x5;
	s2 =	rddreg [dreg:$0x12]  }
0x241: {  	s2 =	sadd.s32 @!p1 s21, s2  }
0x242: {  	s28 =	simm.s32 @!p1 $0x400;
	s29 =	simm.s32 @!p1 $0xC3800;
	s19 =	sshll.u32 @!p1 s2, $0x7  }
0x243: {  	s16 =	simm.s32 @!p1 $0x4000;
	s2 =	sshll.u32 @!p1 s2, $0x4;
	s19 =	sadd.s32 @!p1 s4, s19  }
0x244: {  	[tilespmem:s16], [sflag:$0x2] =	stream.strided.gather @!p1 [hbm4b:s19+s28], $0x4000, s29, s28, $0x38;
	[tilespmem:$0x1A200] =	vst v63  }
0x245: {  	s2 =	sadd.s32 @!p1 s5, s2;
	s16 =	simm.s32 @!p1 $0x0;
	s19 =	simm.s32 @!p1 $0x18080  }
0x246: {  	[tilespmem:s19], [sflag:$0x6] =	stream.linear.gather @!p1 [hbm4b:s2+s16], $0x80, $0x38;
	[tilespmem:$0x1A200] =	vst v63  }
0x247: {  	_ =	swait.ge [sflag:s24], $0x4000  }
0x248: {  	s28 =	simm.s32 $0x0;
	[sflag:s24] =	ssyncset.done $0x0  }
0x249: {  	v16 =	vadd.s32 s28, v0;
	[sflag:s24] =	ssyncadd.s32 $0xFFFFC000  }
0x24a: {  	s2 =	sand.u32 $0x70, s28;
	v16 =	vand.u32 $0xF, v16;
	_ =	swait.ge [sflag:s25], $0x80  }
0x24b: {  	v25 =	vor.u32 s2, v16;
	[sflag:s25] =	ssyncset.done $0x0  }
0x24c: {  	[sflag:s25] =	ssyncadd.s32 $0xFFFFFF80  }
0x24d: {  	_ =	swait.ge [sflag:s30], $0x4000  }
0x24e: {  	[sflag:s30] =	ssyncset.done $0x0  }
0x24f: {  	[sflag:s30] =	ssyncadd.s32 $0xFFFFC000  }
0x250: {  	v16 =	vld.idx.msk [tilespmem:v25+s26+$0x0], $0xffff;
	_ =	sdelay $0x3  }
0x251: {  	s29 =	simm.s32 $0x1  }
0x252: {  	v17 =	vadd.s32 s29, v0;
	vm0 =	vgt.s32 v16, $0x0  }
0x253: {  	v17 =	vand.u32 $0xF, v17;
	v16 =	vnsel vm0, $0x0, v16  }
0x254: {  	v21 =	vor.u32 s2, v17;
	v16 =	vmin.u32 v16, $0x3F  }
0x255: {  	v17 =	vor.u32 v1, v25;
	v29 =	vshll.u32 v16, $0x7  }
0x256: {  	v16 =	vor.u32 v0, v29;
	_ =	sdelay $0x2  }
0x257: {  	v19 =	vld.idx.msk [tilespmem:v21+s26+$0x0], $0xffff  }
0x258: {  	v17 =	vld.idx.msk [tilespmem:v17+s7+$0x0], $0xffff  }
0x259: {  	v16 =	vld.idx.msk [tilespmem:v16+s31+$0x0], $0xffff  }
0x25a: {  	v18 =	vshll.u32 v25, $0x7  }
0x25b: {  	s16 =	simm.s32 $0x2;
	v20 =	vor.u32 v0, v18  }
0x25c: {  	v22 =	vadd.s32 s16, v0;
	v23 =	vor.u32 v2, v25;
	vm11 =	vgt.s32 v19, $0x0  }
0x25d: {  	s2 =	sand.u32 $0x70, s16;
	v22 =	vand.u32 $0xF, v22;
	v19 =	vnsel vm11, $0x0, v19;
	v24 =	vor.u32 v3, v29  }
0x25e: {  	v19 =	vmin.u32 v19, $0x3F;
	v16 =	vmul.f32 v16, v17;
	v17 =	vor.u32 s2, v22  }
0x25f: {  	v22 =	vshll.u32 v19, $0x7;
	v19 =	vor.u32 v1, v21  }
0x260: {  	v26 =	vor.u32 v0, v22;
	[tilespmem:v20+s14+$0x0] =	vst.idx.msk $0xffff, v16  }
0x261: {  	v20 =	vld.idx.msk [tilespmem:v23+s7+$0x0], $0xffff  }
0x262: {  	v23 =	vld.idx.msk [tilespmem:v24+s31+$0x0], $0xffff  }
0x263: {  	v27 =	vld.idx.msk [tilespmem:v17+s26+$0x0], $0xffff  }
0x264: {  	v19 =	vld.idx.msk [tilespmem:v19+s7+$0x0], $0xffff  }
0x265: {  	v28 =	vor.u32 v3, v18;
	v26 =	vld.idx.msk [tilespmem:v26+s31+$0x0], $0xffff  }
0x266: {  	v30 =	vor.u32 v4, v25;
	v24 =	vshll.u32 v21, $0x7  }
0x267: {  	v31 =	vor.u32 v5, v29;
	v54 =	vor.u32 v0, v24  }
0x268: {  	s19 =	simm.s32 $0x3;
	v20 =	vmul.f32 v23, v20;
	v23 =	vor.u32 v2, v21  }
0x269: {  	v55 =	vor.u32 v3, v22;
	v16 =	vadd.s32 s19, v0;
	vm12 =	vgt.s32 v27, $0x0  }
0x26a: {  	v16 =	vand.u32 $0xF, v16;
	[tilespmem:v28+s14+$0x0] =	vst.idx.msk $0xffff, v20;
	v27 =	vnsel vm12, $0x0, v27;
	v19 =	vmul.f32 v26, v19  }
0x26b: {  	v16 =	vor.u32 s2, v16;
	v26 =	vld.idx.msk [tilespmem:v30+s7+$0x0], $0xffff;
	v20 =	vmin.u32 v27, $0x3F  }
0x26c: {  	v28 =	vld.idx.msk [tilespmem:v31+s31+$0x0], $0xffff;
	v27 =	vor.u32 v1, v17;
	v20 =	vshll.u32 v20, $0x7;
	[tilespmem:v54+s14+$0x0] =	vst.idx.msk $0xffff, v19  }
0x26d: {  	v19 =	vor.u32 v0, v20;
	v23 =	vld.idx.msk [tilespmem:v23+s7+$0x0], $0xffff  }
0x26e: {  	v31 =	vld.idx.msk [tilespmem:v55+s31+$0x0], $0xffff  }
0x26f: {  	v30 =	vor.u32 v5, v18  }
0x270: {  	v59 =	vor.u32 v3, v24;
	v56 =	vld.idx.msk [tilespmem:v16+s26+$0x0], $0xffff  }
0x271: {  	v61 =	vor.u32 v4, v21;
	v27 =	vld.idx.msk [tilespmem:v27+s7+$0x0], $0xffff  }
0x272: {  	v62 =	vor.u32 v5, v22;
	v26 =	vmul.f32 v28, v26;
	v60 =	vld.idx.msk [tilespmem:v19+s31+$0x0], $0xffff  }
0x273: {  	v57 =	vor.u32 v6, v25;
	v19 =	vshll.u32 v17, $0x7;
	v23 =	vmul.f32 v31, v23  }
0x274: {  	v58 =	vor.u32 v7, v29;
	[tilespmem:v30+s14+$0x0] =	vst.idx.msk $0xffff, v26;
	v26 =	vor.u32 v0, v19  }
0x275: {  	vm13 =	vgt.s32 v56, $0x0;
	v31 =	vor.u32 v2, v17;
	[tilespmem:v59+s14+$0x0] =	vst.idx.msk $0xffff, v23  }
0x276: {  	v44 =	vor.u32 v3, v20;
	v28 =	vnsel vm13, $0x0, v56;
	v35 =	vld.idx.msk [tilespmem:v61+s7+$0x0], $0xffff  }
0x277: {  	v28 =	vmin.u32 v28, $0x3F;
	v47 =	vld.idx.msk [tilespmem:v62+s31+$0x0], $0xffff;
	v23 =	vmul.f32 v60, v27  }
0x278: {  	s28 =	simm.s32 $0x4;
	v49 =	vor.u32 v5, v24;
	v45 =	vor.u32 v1, v16;
	v28 =	vshll.u32 v28, $0x7;
	v30 =	vld.idx.msk [tilespmem:v57+s7+$0x0], $0xffff  }
0x279: {  	v63 =	vld.idx.msk [tilespmem:v58+s31+$0x0], $0xffff;
	v46 =	vor.u32 v0, v28;
	v27 =	vadd.s32 s28, v0;
	[tilespmem:v26+s14+$0x0] =	vst.idx.msk $0xffff, v23  }
0x27a: {  	v50 =	vor.u32 v6, v21;
	s2 =	sand.u32 $0x70, s28;
	v27 =	vand.u32 $0xF, v27;
	v31 =	vld.idx.msk [tilespmem:v31+s7+$0x0], $0xffff  }
0x27b: {  	v26 =	vor.u32 v7, v18;
	v23 =	vor.u32 s2, v27;
	v33 =	vld.idx.msk [tilespmem:v44+s31+$0x0], $0xffff  }
0x27c: {  	v51 =	vor.u32 v7, v22;
	v35 =	vmul.f32 v47, v35  }
0x27d: {  	v48 =	vor.u32 v8, v25;
	v34 =	vld.idx.msk [tilespmem:v45+s7+$0x0], $0xffff;
	v52 =	vor.u32 v3, v19  }
0x27e: {  	v54 =	vor.u32 v4, v17;
	v30 =	vmul.f32 v63, v30;
	v36 =	vld.idx.msk [tilespmem:v46+s31+$0x0], $0xffff;
	[tilespmem:v49+s14+$0x0] =	vst.idx.msk $0xffff, v35  }
0x27f: {  	v55 =	vor.u32 v5, v20;
	v58 =	vor.u32 v1, v23;
	v39 =	vld.idx.msk [tilespmem:v50+s7+$0x0], $0xffff  }
0x280: {  	[tilespmem:v26+s14+$0x0] =	vst.idx.msk $0xffff, v30;
	v53 =	vld.idx.msk [tilespmem:v23+s26+$0x0], $0xffff;
	v26 =	vshll.u32 v16, $0x7;
	v31 =	vmul.f32 v33, v31  }
0x281: {  	s29 =	simm.s32 $0x5;
	v32 =	vld.idx.msk [tilespmem:v51+s31+$0x0], $0xffff;
	v30 =	vor.u32 v9, v29;
	v56 =	vor.u32 v0, v26  }
0x282: {  	v57 =	vor.u32 v2, v16;
	v27 =	vadd.s32 s29, v0;
	v38 =	vld.idx.msk [tilespmem:v48+s7+$0x0], $0xffff;
	[tilespmem:v52+s14+$0x0] =	vst.idx.msk $0xffff, v31  }
0x283: {  	v59 =	vor.u32 v7, v24;
	v60 =	vor.u32 v3, v28;
	v27 =	vand.u32 $0xF, v27;
	v61 =	vld.idx.msk [tilespmem:v54+s7+$0x0], $0xffff  }
0x284: {  	v62 =	vor.u32 v8, v21;
	v27 =	vor.u32 s2, v27;
	v31 =	vmul.f32 v36, v34;
	v33 =	vld.idx.msk [tilespmem:v55+s31+$0x0], $0xffff  }
0x285: {  	v63 =	vor.u32 v9, v22;
	v46 =	vor.u32 v13, v29;
	v47 =	vld.idx.msk [tilespmem:v58+s7+$0x0], $0xffff;
	vm14 =	vgt.s32 v53, $0x0  }
0x286: {  	v30 =	vld.idx.msk [tilespmem:v30+s31+$0x0], $0xffff;
	v52 =	vnsel vm14, $0x0, v53;
	[tilespmem:v56+s14+$0x0] =	vst.idx.msk $0xffff, v31;
	v56 =	vor.u32 v5, v19  }
0x287: {  	v58 =	vor.u32 v6, v17;
	v55 =	vmul.f32 v32, v39;
	v31 =	vmin.u32 v52, $0x3F;
	v42 =	vld.idx.msk [tilespmem:v57+s7+$0x0], $0xffff  }
0x288: {  	v45 =	vor.u32 v1, v27;
	v53 =	vor.u32 v9, v18;
	v37 =	vld.idx.msk [tilespmem:v60+s31+$0x0], $0xffff;
	v32 =	vshll.u32 v31, $0x7  }
0x289: {  	v43 =	vld.idx.msk [tilespmem:v27+s26+$0x0], $0xffff;
	[tilespmem:v59+s14+$0x0] =	vst.idx.msk $0xffff, v55;
	v57 =	vor.u32 v0, v32;
	v33 =	vmul.f32 v33, v61  }
0x28a: {  	v35 =	vor.u32 v6, v16;
	v49 =	vor.u32 v5, v28;
	v54 =	vor.u32 v11, v29;
	v44 =	vld.idx.msk [tilespmem:v62+s7+$0x0], $0xffff  }
0x28b: {  	v60 =	vor.u32 v10, v25;
	v31 =	vmul.f32 v30, v38;
	v38 =	vld.idx.msk [tilespmem:v63+s31+$0x0], $0xffff;
	[tilespmem:v56+s14+$0x0] =	vst.idx.msk $0xffff, v33  }
0x28c: {  	v50 =	vor.u32 v12, v25;
	v62 =	vor.u32 v3, v26;
	v61 =	vor.u32 v7, v20;
	v39 =	vld.idx.msk [tilespmem:v58+s7+$0x0], $0xffff  }
0x28d: {  	v48 =	vor.u32 v7, v19;
	v63 =	vor.u32 v4, v16;
	v42 =	vmul.f32 v37, v42;
	v37 =	vld.idx.msk [tilespmem:v45+s7+$0x0], $0xffff  }
0x28e: {  	vm15 =	vgt.s32 v43, $0x0;
	[tilespmem:v53+s14+$0x0] =	vst.idx.msk $0xffff, v31;
	v53 =	vor.u32 v9, v24;
	v40 =	vld.idx.msk [tilespmem:v57+s31+$0x0], $0xffff  }
0x28f: {  	v36 =	vor.u32 v10, v21;
	v59 =	vnsel vm15, $0x0, v43;
	v30 =	vshll.u32 v23, $0x7;
	v51 =	vld.idx.msk [tilespmem:v54+s31+$0x0], $0xffff  }
0x290: {  	v33 =	vmin.u32 v59, $0x3F;
	v56 =	vor.u32 v0, v30;
	v55 =	vld.idx.msk [tilespmem:v60+s7+$0x0], $0xffff;
	v60 =	vor.u32 v11, v22  }
0x291: {  	v43 =	vld.idx.msk [tilespmem:v61+s31+$0x0], $0xffff;
	v61 =	vor.u32 v2, v23;
	[tilespmem:v62+s14+$0x0] =	vst.idx.msk $0xffff, v42;
	v62 =	vmul.f32 v38, v44  }
0x292: {  	v34 =	vor.u32 v6, v27;
	v52 =	vor.u32 v11, v18;
	v33 =	vshll.u32 v33, $0x7;
	v44 =	vld.idx.msk [tilespmem:v63+s7+$0x0], $0xffff  }
0x293: {  	v54 =	vor.u32 v3, v32;
	v45 =	vld.idx.msk [tilespmem:v49+s31+$0x0], $0xffff;
	[tilespmem:v53+s14+$0x0] =	vst.idx.msk $0xffff, v62;
	v63 =	vmul.f32 v40, v47  }
0x294: {  	v31 =	vshll.u32 v27, $0x7;
	v42 =	vor.u32 v13, v22;
	v38 =	vor.u32 v0, v33;
	v41 =	vld.idx.msk [tilespmem:v36+s7+$0x0], $0xffff  }
0x295: {  	v49 =	vor.u32 v8, v17;
	v36 =	vor.u32 v12, v21;
	v47 =	vld.idx.msk [tilespmem:v60+s31+$0x0], $0xffff;
	[tilespmem:v56+s14+$0x0] =	vst.idx.msk $0xffff, v63  }
0x296: {  	s19 =	simm.s32 $0x6;
	v55 =	vmul.f32 v51, v55;
	v51 =	vor.u32 v5, v26;
	v40 =	vor.u32 v11, v24;
	v53 =	vld.idx.msk [tilespmem:v61+s7+$0x0], $0xffff  }
.LBB2_9:
0x297: {  	s2 =	sadd.s32 $0x1, s19  }
0x298: {  	v56 =	vadd.s32 s19, v0;
	p2 =	slt.u32 s19, $0x7E;
	v54 =	vld.idx.msk [tilespmem:v54+s31+$0x0], $0xffff;
	v39 =	vmul.f32 v43, v39;
	[tilespmem:v52+s14+$0x0] =	vst.idx.msk $0xffff, v55;
	s16 =	smov.u32 s19;
	s19 =	sadd.s32 $0x2, s19  }
0x299: {  	v55 =	vor.u32 v7, v28;
	s16 =	sand.u32 $0x70, s16;
	v43 =	vand.u32 $0xF, v56;
	v52 =	vadd.s32 s2, v0;
	v50 =	vld.idx.msk [tilespmem:v50+s7+$0x0], $0xffff  }
0x29a: {  	v44 =	vmul.f32 v45, v44;
	v43 =	vor.u32 s16, v43;
	v52 =	vand.u32 $0xF, v52;
	v45 =	vld.idx.msk [tilespmem:v46+s31+$0x0], $0xffff  }
0x29b: {  	v46 =	vshll.u32 v43, $0x7;
	v52 =	vor.u32 s16, v52;
	v38 =	vld.idx.msk [tilespmem:v38+s31+$0x0], $0xffff;
	[tilespmem:v48+s14+$0x0] =	vst.idx.msk $0xffff, v39;
	v39 =	vor.u32 v15, v22  }
0x29c: {  	v41 =	vmul.f32 v47, v41;
	v22 =	vmov v28;
	v48 =	vshll.u32 v52, $0x7;
	v49 =	vld.idx.msk [tilespmem:v49+s7+$0x0], $0xffff;
	[tilespmem:v51+s14+$0x0] =	vst.idx.msk $0xffff, v44  }
0x29d: {  	v47 =	vor.u32 v13, v18;
	v28 =	vor.u32 v6, v52;
	v51 =	vor.u32 v15, v29;
	v44 =	vld.idx.msk [tilespmem:v35+s7+$0x0], $0xffff  }
0x29e: {  	v53 =	vmul.f32 v54, v53;
	v54 =	vor.u32 v3, v30;
	v55 =	vld.idx.msk [tilespmem:v55+s31+$0x0], $0xffff;
	[tilespmem:v40+s14+$0x0] =	vst.idx.msk $0xffff, v41  }
0x29f: {  	v29 =	vmovc v20;
	v20 =	vmovc v32;
	v35 =	vmov v34;
	v34 =	vmov v28;
	v40 =	vor.u32 v4, v23;
	v41 =	vld.idx.msk [tilespmem:v42+s31+$0x0], $0xffff  }
0x2a0: {  	v32 =	vor.u32 v9, v29;
	v42 =	vmul.f32 v45, v50;
	v28 =	vmov v33;
	v36 =	vld.idx.msk [tilespmem:v36+s7+$0x0], $0xffff  }
0x2a1: {  	v56 =	vor.u32 v15, v18;
	v45 =	vor.u32 v5, v20;
	v50 =	vor.u32 v0, v31;
	v33 =	vld.idx.msk [tilespmem:v43+s26+$0x0], $0xffff  }
0x2a2: {  	v57 =	vor.u32 v2, v27;
	v18 =	vld.idx.msk [tilespmem:v52+s26+$0x0], $0xffff;
	[tilespmem:v47+s14+$0x0] =	vst.idx.msk $0xffff, v42;
	v42 =	vor.u32 v13, v24  }
0x2a3: {  	v47 =	vor.u32 v14, v25;
	[tilespmem:v54+s14+$0x0] =	vst.idx.msk $0xffff, v53;
	v51 =	vld.idx.msk [tilespmem:v51+s31+$0x0], $0xffff;
	v53 =	vor.u32 v15, v24  }
0x2a4: {  	v21 =	vor.u32 v14, v21;
	v60 =	vmul.f32 v38, v37;
	v37 =	vor.u32 v8, v16;
	v24 =	vld.idx.msk [tilespmem:v40+s7+$0x0], $0xffff  }
0x2a5: {  	v58 =	vor.u32 v7, v26;
	v54 =	vor.u32 v11, v29;
	v40 =	vor.u32 v9, v19;
	v38 =	vld.idx.msk [tilespmem:v32+s31+$0x0], $0xffff  }
0x2a6: {  	v59 =	vor.u32 v1, v43;
	v32 =	vmul.f32 v41, v36;
	v45 =	vld.idx.msk [tilespmem:v45+s31+$0x0], $0xffff;
	[tilespmem:v50+s14+$0x0] =	vst.idx.msk $0xffff, v60  }
0x2a7: {  	v25 =	vmovc v17;
	v41 =	vor.u32 v3, v28;
	vm0 =	vgt.s32 v33, $0x0;
	v50 =	vor.u32 v9, v22;
	v36 =	vld.idx.msk [tilespmem:v57+s7+$0x0], $0xffff  }
0x2a8: {  	v33 =	vnsel vm0, $0x0, v33;
	vm0 =	vgt.s32 v18, $0x0;
	v57 =	vor.u32 v5, v30;
	v47 =	vld.idx.msk [tilespmem:v47+s7+$0x0], $0xffff;
	[tilespmem:v42+s14+$0x0] =	vst.idx.msk $0xffff, v32  }
0x2a9: {  	v17 =	vmovc v23;
	v23 =	vmovc v43;
	v32 =	vmin.u32 v33, $0x3F;
	v60 =	vnsel vm0, $0x0, v18;
	v42 =	vmul.f32 v55, v44;
	v39 =	vld.idx.msk [tilespmem:v39+s31+$0x0], $0xffff  }
0x2aa: {  	v43 =	vor.u32 v6, v17;
	v18 =	vmovc v19;
	v19 =	vmovc v30;
	v32 =	vshll.u32 v32, $0x7;
	v33 =	vmin.u32 v60, $0x3F;
	v44 =	vld.idx.msk [tilespmem:v21+s7+$0x0], $0xffff  }
0x2ab: {  	v30 =	vmovc v46;
	v33 =	vshll.u32 v33, $0x7;
	v49 =	vmul.f32 v38, v49;
	v55 =	vld.idx.msk [tilespmem:v59+s7+$0x0], $0xffff;
	v59 =	vor.u32 v0, v32  }
0x2ac: {  	v38 =	vor.u32 v0, v33;
	v60 =	vmul.f32 v45, v24;
	v41 =	vld.idx.msk [tilespmem:v41+s31+$0x0], $0xffff;
	[tilespmem:v58+s14+$0x0] =	vst.idx.msk $0xffff, v42  }
0x2ad: {  	v21 =	vmov v16;
	v16 =	vmov v27;
	[tilespmem:v40+s14+$0x0] =	vst.idx.msk $0xffff, v49;
	v40 =	vor.u32 v10, v25;
	v42 =	vld.idx.msk [tilespmem:v50+s31+$0x0], $0xffff  }
0x2ae: {  	v45 =	vor.u32 v7, v20;
	[tilespmem:v57+s14+$0x0] =	vst.idx.msk $0xffff, v60;
	v46 =	vld.idx.msk [tilespmem:v37+s7+$0x0], $0xffff;
	v37 =	vmul.f32 v51, v47  }
0x2af: {  	v27 =	vmovc v52;
	v24 =	vmov v26;
	v49 =	vor.u32 v3, v31;
	v47 =	vor.u32 v1, v52;
	v51 =	vld.idx.msk [tilespmem:v54+s31+$0x0], $0xffff  }
0x2b0: {  	v52 =	vor.u32 v4, v16;
	v50 =	vld.idx.msk [tilespmem:v59+s31+$0x0], $0xffff;
	[tilespmem:v56+s14+$0x0] =	vst.idx.msk $0xffff, v37;
	v37 =	vmul.f32 v39, v44  }
0x2b1: {  	v26 =	vmovc v31;
	v31 =	vmov v48;
	v57 =	vor.u32 v9, v24;
	v56 =	vor.u32 v5, v28;
	v39 =	vld.idx.msk [tilespmem:v43+s7+$0x0], $0xffff  }
0x2b2: {  	v36 =	vmul.f32 v41, v36;
	v58 =	vld.idx.msk [tilespmem:v40+s7+$0x0], $0xffff;
	v40 =	vor.u32 v10, v21;
	[tilespmem:v53+s14+$0x0] =	vst.idx.msk $0xffff, v37  }
0x2b3: {  	v48 =	vor.u32 v0, v30;
	v53 =	vor.u32 v11, v22;
	v43 =	vld.idx.msk [tilespmem:v45+s31+$0x0], $0xffff  }
0x2b4: {  	v59 =	vor.u32 v2, v23;
	v37 =	vld.idx.msk [tilespmem:v47+s7+$0x0], $0xffff;
	[tilespmem:v49+s14+$0x0] =	vst.idx.msk $0xffff, v36;
	v36 =	vmul.f32 v42, v46  }
.Ltmp5:
0x2b5: {  	v54 =	vor.u32 v3, v32;
	v44 =	vld.idx.msk [tilespmem:v52+s7+$0x0], $0xffff;
	v52 =	vor.u32 v11, v18;
	(pc) =	sbr.rel @p2 .LBB2_9-.Ltmp5, $4  }
0x2b6: {  	v42 =	vmul.f32 v50, v55;
	v50 =	vor.u32 v12, v25;
	v45 =	vld.idx.msk [tilespmem:v56+s31+$0x0], $0xffff;
	[tilespmem:v57+s14+$0x0] =	vst.idx.msk $0xffff, v36  }
0x2b7: {  	v46 =	vor.u32 v13, v29;
	v36 =	vor.u32 v12, v21;
	v41 =	vld.idx.msk [tilespmem:v40+s7+$0x0], $0xffff;
	v40 =	vor.u32 v11, v24  }
0x2b8: {  	v55 =	vmul.f32 v51, v58;
	[tilespmem:v48+s14+$0x0] =	vst.idx.msk $0xffff, v42;
	v48 =	vor.u32 v7, v19;
	v47 =	vld.idx.msk [tilespmem:v53+s31+$0x0], $0xffff  }
0x2b9: {  	v49 =	vor.u32 v8, v17;
	v51 =	vor.u32 v5, v26;
	v42 =	vor.u32 v13, v22;
	v53 =	vld.idx.msk [tilespmem:v59+s7+$0x0], $0xffff  }
0x2ba: {  	_ =	sdelay $0x3  }
0x2bb: {  	v38 =	vld.idx.msk [tilespmem:v38+s31+$0x0], $0xffff;
	_ =	sdelay $0x1  }
0x2bc: {  	v56 =	vor.u32 v0, v31  }
0x2bd: {  	v57 =	vor.u32 v2, v27  }
0x2be: {  	v58 =	vor.u32 v3, v33  }
0x2bf: {  	v37 =	vmul.f32 v38, v37;
	_ =	sdelay $0x1  }
0x2c0: {  	v62 =	vld.idx.msk [tilespmem:v54+s31+$0x0], $0xffff;
	[tilespmem:v56+s14+$0x0] =	vst.idx.msk $0xffff, v37  }
0x2c1: {  	v37 =	vld.idx.msk [tilespmem:v57+s7+$0x0], $0xffff  }
0x2c2: {  	v54 =	vor.u32 v3, v30;
	v56 =	vld.idx.msk [tilespmem:v58+s31+$0x0], $0xffff  }
0x2c3: {  	v63 =	vor.u32 v4, v23  }
0x2c4: {  	v60 =	vor.u32 v5, v32;
	v59 =	vor.u32 v3, v31  }
0x2c5: {  	v61 =	vor.u32 v4, v27;
	v38 =	vmul.f32 v62, v53  }
0x2c6: {  	[tilespmem:v52+s14+$0x0] =	vst.idx.msk $0xffff, v55;
	v62 =	vor.u32 v5, v33  }
0x2c7: {  	v46 =	vld.idx.msk [tilespmem:v46+s31+$0x0], $0xffff;
	[tilespmem:v54+s14+$0x0] =	vst.idx.msk $0xffff, v38;
	v37 =	vmul.f32 v56, v37  }
0x2c8: {  	v63 =	vld.idx.msk [tilespmem:v63+s7+$0x0], $0xffff  }
0x2c9: {  	v39 =	vmul.f32 v43, v39;
	v52 =	vor.u32 v9, v20;
	v54 =	vld.idx.msk [tilespmem:v60+s31+$0x0], $0xffff;
	[tilespmem:v59+s14+$0x0] =	vst.idx.msk $0xffff, v37  }
0x2ca: {  	v44 =	vmul.f32 v45, v44;
	v56 =	vld.idx.msk [tilespmem:v61+s7+$0x0], $0xffff  }
0x2cb: {  	v55 =	vor.u32 v7, v28;
	[tilespmem:v48+s14+$0x0] =	vst.idx.msk $0xffff, v39;
	v57 =	vor.u32 v5, v30;
	v58 =	vld.idx.msk [tilespmem:v62+s31+$0x0], $0xffff  }
0x2cc: {  	[tilespmem:v51+s14+$0x0] =	vst.idx.msk $0xffff, v44;
	v49 =	vld.idx.msk [tilespmem:v49+s7+$0x0], $0xffff;
	v60 =	vor.u32 v7, v32  }
0x2cd: {  	v35 =	vld.idx.msk [tilespmem:v35+s7+$0x0], $0xffff;
	v59 =	vor.u32 v6, v23;
	v61 =	vor.u32 v5, v31  }
0x2ce: {  	v44 =	vld.idx.msk [tilespmem:v52+s31+$0x0], $0xffff;
	v43 =	vmul.f32 v54, v63  }
0x2cf: {  	v38 =	vld.idx.msk [tilespmem:v50+s7+$0x0], $0xffff;
	v62 =	vor.u32 v7, v33  }
0x2d0: {  	v37 =	vld.idx.msk [tilespmem:v55+s31+$0x0], $0xffff;
	[tilespmem:v57+s14+$0x0] =	vst.idx.msk $0xffff, v43;
	v50 =	vmul.f32 v58, v56  }
0x2d1: {  	v41 =	vmul.f32 v47, v41;
	v63 =	vor.u32 v13, v18;
	v47 =	vld.idx.msk [tilespmem:v60+s31+$0x0], $0xffff  }
0x2d2: {  	v29 =	vor.u32 v15, v29;
	v53 =	vor.u32 v7, v26;
	v43 =	vld.idx.msk [tilespmem:v59+s7+$0x0], $0xffff;
	[tilespmem:v61+s14+$0x0] =	vst.idx.msk $0xffff, v50  }
0x2d3: {  	[tilespmem:v40+s14+$0x0] =	vst.idx.msk $0xffff, v41;
	v54 =	vor.u32 v9, v28;
	v34 =	vld.idx.msk [tilespmem:v34+s7+$0x0], $0xffff  }
0x2d4: {  	v38 =	vmul.f32 v46, v38;
	v55 =	vor.u32 v8, v16;
	v56 =	vor.u32 v7, v30;
	v40 =	vld.idx.msk [tilespmem:v62+s31+$0x0], $0xffff  }
0x2d5: {  	v42 =	vld.idx.msk [tilespmem:v42+s31+$0x0], $0xffff;
	v57 =	vor.u32 v8, v23;
	v35 =	vmul.f32 v37, v35  }
0x2d6: {  	v36 =	vld.idx.msk [tilespmem:v36+s7+$0x0], $0xffff;
	[tilespmem:v63+s14+$0x0] =	vst.idx.msk $0xffff, v38;
	v59 =	vor.u32 v7, v31;
	v58 =	vor.u32 v9, v32  }
0x2d7: {  	v29 =	vld.idx.msk [tilespmem:v29+s31+$0x0], $0xffff;
	[tilespmem:v53+s14+$0x0] =	vst.idx.msk $0xffff, v35;
	v61 =	vor.u32 v9, v33;
	v60 =	vmul.f32 v47, v43  }
0x2d8: {  	v25 =	vor.u32 v14, v25;
	v39 =	vld.idx.msk [tilespmem:v54+s31+$0x0], $0xffff;
	v62 =	vor.u32 v8, v27  }
0x2d9: {  	v63 =	vor.u32 v9, v19;
	v46 =	vld.idx.msk [tilespmem:v55+s7+$0x0], $0xffff;
	[tilespmem:v56+s14+$0x0] =	vst.idx.msk $0xffff, v60;
	v34 =	vmul.f32 v40, v34  }
0x2da: {  	v52 =	vor.u32 v11, v20;
	v37 =	vld.idx.msk [tilespmem:v57+s7+$0x0], $0xffff  }
0x2db: {  	v53 =	vor.u32 v10, v17;
	v54 =	vor.u32 v9, v26;
	v38 =	vld.idx.msk [tilespmem:v58+s31+$0x0], $0xffff;
	[tilespmem:v59+s14+$0x0] =	vst.idx.msk $0xffff, v34  }
0x2dc: {  	v55 =	vmul.f32 v44, v49;
	v56 =	vor.u32 v10, v16;
	v43 =	vld.idx.msk [tilespmem:v61+s31+$0x0], $0xffff  }
0x2dd: {  	v57 =	vor.u32 v11, v28;
	v58 =	vor.u32 v9, v30;
	v45 =	vld.idx.msk [tilespmem:v62+s7+$0x0], $0xffff  }
0x2de: {  	v25 =	vld.idx.msk [tilespmem:v25+s7+$0x0], $0xffff;
	[tilespmem:v63+s14+$0x0] =	vst.idx.msk $0xffff, v55;
	v60 =	vor.u32 v11, v32;
	v59 =	vmul.f32 v39, v46  }
0x2df: {  	v35 =	vld.idx.msk [tilespmem:v52+s31+$0x0], $0xffff;
	v61 =	vor.u32 v10, v23;
	v62 =	vor.u32 v9, v31  }
0x2e0: {  	v52 =	vor.u32 v10, v27;
	v40 =	vld.idx.msk [tilespmem:v53+s7+$0x0], $0xffff;
	[tilespmem:v54+s14+$0x0] =	vst.idx.msk $0xffff, v59;
	v63 =	vmul.f32 v38, v37  }
0x2e1: {  	v22 =	vor.u32 v15, v22;
	v53 =	vor.u32 v13, v24;
	v54 =	vor.u32 v11, v33;
	v41 =	vld.idx.msk [tilespmem:v56+s7+$0x0], $0xffff  }
0x2e2: {  	v55 =	vor.u32 v11, v19;
	v44 =	vld.idx.msk [tilespmem:v57+s31+$0x0], $0xffff;
	[tilespmem:v58+s14+$0x0] =	vst.idx.msk $0xffff, v63;
	v56 =	vmul.f32 v43, v45  }
0x2e3: {  	v36 =	vmul.f32 v42, v36;
	v57 =	vor.u32 v12, v17;
	v39 =	vld.idx.msk [tilespmem:v60+s31+$0x0], $0xffff  }
0x2e4: {  	v59 =	vor.u32 v11, v26;
	v58 =	vor.u32 v13, v20;
	v46 =	vld.idx.msk [tilespmem:v61+s7+$0x0], $0xffff;
	[tilespmem:v62+s14+$0x0] =	vst.idx.msk $0xffff, v56  }
0x2e5: {  	v60 =	vmul.f32 v35, v40;
	v61 =	vor.u32 v13, v28;
	v37 =	vld.idx.msk [tilespmem:v52+s7+$0x0], $0xffff  }
0x2e6: {  	[tilespmem:v53+s14+$0x0] =	vst.idx.msk $0xffff, v36;
	v63 =	vor.u32 v11, v30;
	v62 =	vor.u32 v12, v16;
	v49 =	vld.idx.msk [tilespmem:v54+s31+$0x0], $0xffff  }
0x2e7: {  	v51 =	vor.u32 v12, v23;
	v22 =	vld.idx.msk [tilespmem:v22+s31+$0x0], $0xffff;
	[tilespmem:v55+s14+$0x0] =	vst.idx.msk $0xffff, v60;
	v50 =	vmul.f32 v44, v41  }
0x2e8: {  	v53 =	vor.u32 v11, v31;
	v42 =	vld.idx.msk [tilespmem:v57+s7+$0x0], $0xffff;
	v52 =	vor.u32 v13, v32  }
0x2e9: {  	v55 =	vor.u32 v13, v33;
	v43 =	vld.idx.msk [tilespmem:v58+s31+$0x0], $0xffff;
	[tilespmem:v59+s14+$0x0] =	vst.idx.msk $0xffff, v50;
	v54 =	vmul.f32 v39, v46  }
0x2ea: {  	v21 =	vor.u32 v14, v21;
	v56 =	vor.u32 v12, v27;
	v35 =	vld.idx.msk [tilespmem:v61+s31+$0x0], $0xffff  }
0x2eb: {  	v57 =	vor.u32 v13, v19;
	v36 =	vld.idx.msk [tilespmem:v62+s7+$0x0], $0xffff;
	[tilespmem:v63+s14+$0x0] =	vst.idx.msk $0xffff, v54;
	v58 =	vmul.f32 v49, v37  }
0x2ec: {  	v20 =	vor.u32 v15, v20;
	v59 =	vld.idx.msk [tilespmem:v51+s7+$0x0], $0xffff  }
0x2ed: {  	v17 =	vor.u32 v14, v17;
	v60 =	vor.u32 v13, v26;
	v61 =	vld.idx.msk [tilespmem:v52+s31+$0x0], $0xffff;
	[tilespmem:v53+s14+$0x0] =	vst.idx.msk $0xffff, v58  }
0x2ee: {  	v28 =	vor.u32 v15, v28;
	v62 =	vmul.f32 v43, v42;
	v39 =	vld.idx.msk [tilespmem:v55+s31+$0x0], $0xffff  }
0x2ef: {  	v16 =	vor.u32 v14, v16;
	v63 =	vor.u32 v13, v30;
	v47 =	vld.idx.msk [tilespmem:v56+s7+$0x0], $0xffff  }
0x2f0: {  	v21 =	vld.idx.msk [tilespmem:v21+s7+$0x0], $0xffff;
	v49 =	vor.u32 v15, v32;
	[tilespmem:v57+s14+$0x0] =	vst.idx.msk $0xffff, v62;
	v48 =	vmul.f32 v35, v36  }
0x2f1: {  	v23 =	vor.u32 v14, v23;
	v50 =	vor.u32 v13, v31;
	v20 =	vld.idx.msk [tilespmem:v20+s31+$0x0], $0xffff  }
0x2f2: {  	v51 =	vor.u32 v15, v33;
	v17 =	vld.idx.msk [tilespmem:v17+s7+$0x0], $0xffff;
	v52 =	vmul.f32 v61, v59;
	[tilespmem:v60+s14+$0x0] =	vst.idx.msk $0xffff, v48  }
0x2f3: {  	v18 =	vor.u32 v15, v18;
	v27 =	vor.u32 v14, v27;
	v28 =	vld.idx.msk [tilespmem:v28+s31+$0x0], $0xffff  }
0x2f4: {  	v24 =	vor.u32 v15, v24;
	v16 =	vld.idx.msk [tilespmem:v16+s7+$0x0], $0xffff;
	[tilespmem:v63+s14+$0x0] =	vst.idx.msk $0xffff, v52;
	v53 =	vmul.f32 v39, v47  }
0x2f5: {  	v19 =	vor.u32 v15, v19;
	v32 =	vld.idx.msk [tilespmem:v49+s31+$0x0], $0xffff  }
0x2f6: {  	v25 =	vmul.f32 v29, v25;
	v26 =	vor.u32 v15, v26;
	v23 =	vld.idx.msk [tilespmem:v23+s7+$0x0], $0xffff;
	[tilespmem:v50+s14+$0x0] =	vst.idx.msk $0xffff, v53  }
0x2f7: {  	v21 =	vmul.f32 v22, v21;
	v33 =	vld.idx.msk [tilespmem:v51+s31+$0x0], $0xffff  }
0x2f8: {  	[tilespmem:v18+s14+$0x0] =	vst.idx.msk $0xffff, v25;
	v17 =	vmul.f32 v20, v17;
	v27 =	vld.idx.msk [tilespmem:v27+s7+$0x0], $0xffff  }
0x2f9: {  	v22 =	vor.u32 v15, v30;
	[tilespmem:v24+s14+$0x0] =	vst.idx.msk $0xffff, v21;
	v16 =	vmul.f32 v28, v16  }
0x2fa: {  	v18 =	vor.u32 v15, v31;
	[tilespmem:v19+s14+$0x0] =	vst.idx.msk $0xffff, v17  }
0x2fb: {  	[tilespmem:v26+s14+$0x0] =	vst.idx.msk $0xffff, v16  }
0x2fc: {  	v17 =	vmul.f32 v32, v23;
	s2 =	rddreg [dreg:$0xa]  }
0x2fd: {  	v16 =	vmul.f32 v33, v27;
	s2 =	sadd.s32 s22, s2  }
0x2fe: {  	[tilespmem:v22+s14+$0x0] =	vst.idx.msk $0xffff, v17;
	s2 =	sshll.u32 s2, $0x4  }
0x2ff: {  	[tilespmem:v18+s14+$0x0] =	vst.idx.msk $0xffff, v16;
	s2 =	sadd.s32 s17, s2  }
0x300: {  	[hbm4b:s2+s3] =	stream.linear.scatter [tilespmem:s14], [sflag:$0x9], $0x4000, $0x38;
	[tilespmem:$0x1A200] =	vst v63  }
0x301: {  	s2 =	rddreg [dreg:$0x13]  }
0x302: {  	s2 =	sadd.s32 @!p1 s21, s2  }
0x303: {  	s19 =	simm.s32 @!p1 $0x400;
	s28 =	simm.s32 @!p1 $0xC3800;
	s16 =	sshll.u32 @!p1 s2, $0x7  }
0x304: {  	s29 =	simm.s32 @!p1 $0x8000;
	s2 =	sshll.u32 @!p1 s2, $0x4;
	s16 =	sadd.s32 @!p1 s4, s16  }
0x305: {  	[tilespmem:s29], [sflag:$0x3] =	stream.strided.gather @!p1 [hbm4b:s16+s19], $0x4000, s28, s19, $0x38;
	[tilespmem:$0x1A200] =	vst v63  }
0x306: {  	s2 =	sadd.s32 @!p1 s5, s2;
	s16 =	simm.s32 @!p1 $0x0;
	s19 =	simm.s32 @!p1 $0x18100  }
0x307: {  	[tilespmem:s19], [sflag:$0x7] =	stream.linear.gather @!p1 [hbm4b:s2+s16], $0x80, $0x38;
	[tilespmem:$0x1A200] =	vst v63  }
0x308: {  	_ =	swait.ge [sflag:s23], $0x4000  }
0x309: {  	s28 =	simm.s32 $0x0;
	[sflag:s23] =	ssyncset.done $0x0  }
0x30a: {  	v16 =	vadd.s32 s28, v0;
	[sflag:s23] =	ssyncadd.s32 $0xFFFFC000  }
0x30b: {  	s2 =	sand.u32 $0x70, s28;
	v16 =	vand.u32 $0xF, v16;
	_ =	swait.ge [sflag:s8], $0x80  }
0x30c: {  	v25 =	vor.u32 s2, v16;
	[sflag:s8] =	ssyncset.done $0x0  }
0x30d: {  	[sflag:s8] =	ssyncadd.s32 $0xFFFFFF80  }
0x30e: {  	_ =	swait.ge [sflag:s13], $0x4000  }
0x30f: {  	[sflag:s13] =	ssyncset.done $0x0  }
0x310: {  	[sflag:s13] =	ssyncadd.s32 $0xFFFFC000  }
0x311: {  	v16 =	vld.idx.msk [tilespmem:v25+s10+$0x0], $0xffff;
	_ =	sdelay $0x3  }
0x312: {  	s29 =	simm.s32 $0x1  }
0x313: {  	v17 =	vadd.s32 s29, v0;
	vm0 =	vgt.s32 v16, $0x0  }
0x314: {  	v17 =	vand.u32 $0xF, v17;
	v16 =	vnsel vm0, $0x0, v16  }
0x315: {  	v21 =	vor.u32 s2, v17;
	v16 =	vmin.u32 v16, $0x3F  }
0x316: {  	v17 =	vor.u32 v1, v25;
	v29 =	vshll.u32 v16, $0x7  }
0x317: {  	v16 =	vor.u32 v0, v29;
	_ =	sdelay $0x2  }
0x318: {  	v19 =	vld.idx.msk [tilespmem:v21+s10+$0x0], $0xffff  }
0x319: {  	v17 =	vld.idx.msk [tilespmem:v17+s9+$0x0], $0xffff  }
0x31a: {  	v16 =	vld.idx.msk [tilespmem:v16+s31+$0x0], $0xffff  }
0x31b: {  	v18 =	vshll.u32 v25, $0x7  }
0x31c: {  	s16 =	simm.s32 $0x2;
	v20 =	vor.u32 v0, v18  }
0x31d: {  	v22 =	vadd.s32 s16, v0;
	v23 =	vor.u32 v2, v25;
	vm11 =	vgt.s32 v19, $0x0  }
0x31e: {  	s2 =	sand.u32 $0x70, s16;
	v22 =	vand.u32 $0xF, v22;
	v19 =	vnsel vm11, $0x0, v19;
	v24 =	vor.u32 v3, v29  }
0x31f: {  	v19 =	vmin.u32 v19, $0x3F;
	v16 =	vmul.f32 v16, v17;
	v17 =	vor.u32 s2, v22  }
0x320: {  	v22 =	vshll.u32 v19, $0x7;
	v19 =	vor.u32 v1, v21  }
0x321: {  	v26 =	vor.u32 v0, v22;
	[tilespmem:v20+s18+$0x0] =	vst.idx.msk $0xffff, v16  }
0x322: {  	v20 =	vld.idx.msk [tilespmem:v23+s9+$0x0], $0xffff  }
0x323: {  	v23 =	vld.idx.msk [tilespmem:v24+s31+$0x0], $0xffff  }
0x324: {  	v27 =	vld.idx.msk [tilespmem:v17+s10+$0x0], $0xffff  }
0x325: {  	v19 =	vld.idx.msk [tilespmem:v19+s9+$0x0], $0xffff  }
0x326: {  	v28 =	vor.u32 v3, v18;
	v26 =	vld.idx.msk [tilespmem:v26+s31+$0x0], $0xffff  }
0x327: {  	v30 =	vor.u32 v4, v25;
	v24 =	vshll.u32 v21, $0x7  }
0x328: {  	v31 =	vor.u32 v5, v29;
	v54 =	vor.u32 v0, v24  }
0x329: {  	s19 =	simm.s32 $0x3;
	v20 =	vmul.f32 v23, v20;
	v23 =	vor.u32 v2, v21  }
0x32a: {  	v55 =	vor.u32 v3, v22;
	v16 =	vadd.s32 s19, v0;
	vm12 =	vgt.s32 v27, $0x0  }
0x32b: {  	v16 =	vand.u32 $0xF, v16;
	[tilespmem:v28+s18+$0x0] =	vst.idx.msk $0xffff, v20;
	v27 =	vnsel vm12, $0x0, v27;
	v19 =	vmul.f32 v26, v19  }
0x32c: {  	v16 =	vor.u32 s2, v16;
	v26 =	vld.idx.msk [tilespmem:v30+s9+$0x0], $0xffff;
	v20 =	vmin.u32 v27, $0x3F  }
0x32d: {  	v28 =	vld.idx.msk [tilespmem:v31+s31+$0x0], $0xffff;
	v27 =	vor.u32 v1, v17;
	v20 =	vshll.u32 v20, $0x7;
	[tilespmem:v54+s18+$0x0] =	vst.idx.msk $0xffff, v19  }
0x32e: {  	v19 =	vor.u32 v0, v20;
	v23 =	vld.idx.msk [tilespmem:v23+s9+$0x0], $0xffff  }
0x32f: {  	v31 =	vld.idx.msk [tilespmem:v55+s31+$0x0], $0xffff  }
0x330: {  	v30 =	vor.u32 v5, v18  }
0x331: {  	v59 =	vor.u32 v3, v24;
	v56 =	vld.idx.msk [tilespmem:v16+s10+$0x0], $0xffff  }
0x332: {  	v61 =	vor.u32 v4, v21;
	v27 =	vld.idx.msk [tilespmem:v27+s9+$0x0], $0xffff  }
0x333: {  	v62 =	vor.u32 v5, v22;
	v26 =	vmul.f32 v28, v26;
	v60 =	vld.idx.msk [tilespmem:v19+s31+$0x0], $0xffff  }
0x334: {  	v57 =	vor.u32 v6, v25;
	v19 =	vshll.u32 v17, $0x7;
	v23 =	vmul.f32 v31, v23  }
0x335: {  	v58 =	vor.u32 v7, v29;
	[tilespmem:v30+s18+$0x0] =	vst.idx.msk $0xffff, v26;
	v26 =	vor.u32 v0, v19  }
0x336: {  	vm13 =	vgt.s32 v56, $0x0;
	v31 =	vor.u32 v2, v17;
	[tilespmem:v59+s18+$0x0] =	vst.idx.msk $0xffff, v23  }
0x337: {  	v44 =	vor.u32 v3, v20;
	v28 =	vnsel vm13, $0x0, v56;
	v35 =	vld.idx.msk [tilespmem:v61+s9+$0x0], $0xffff  }
0x338: {  	v28 =	vmin.u32 v28, $0x3F;
	v47 =	vld.idx.msk [tilespmem:v62+s31+$0x0], $0xffff;
	v23 =	vmul.f32 v60, v27  }
0x339: {  	s28 =	simm.s32 $0x4;
	v49 =	vor.u32 v5, v24;
	v45 =	vor.u32 v1, v16;
	v28 =	vshll.u32 v28, $0x7;
	v30 =	vld.idx.msk [tilespmem:v57+s9+$0x0], $0xffff  }
0x33a: {  	v63 =	vld.idx.msk [tilespmem:v58+s31+$0x0], $0xffff;
	v46 =	vor.u32 v0, v28;
	v27 =	vadd.s32 s28, v0;
	[tilespmem:v26+s18+$0x0] =	vst.idx.msk $0xffff, v23  }
0x33b: {  	v50 =	vor.u32 v6, v21;
	s2 =	sand.u32 $0x70, s28;
	v27 =	vand.u32 $0xF, v27;
	v31 =	vld.idx.msk [tilespmem:v31+s9+$0x0], $0xffff  }
0x33c: {  	v26 =	vor.u32 v7, v18;
	v23 =	vor.u32 s2, v27;
	v33 =	vld.idx.msk [tilespmem:v44+s31+$0x0], $0xffff  }
0x33d: {  	v51 =	vor.u32 v7, v22;
	v35 =	vmul.f32 v47, v35  }
0x33e: {  	v48 =	vor.u32 v8, v25;
	v34 =	vld.idx.msk [tilespmem:v45+s9+$0x0], $0xffff;
	v52 =	vor.u32 v3, v19  }
0x33f: {  	v54 =	vor.u32 v4, v17;
	v30 =	vmul.f32 v63, v30;
	v36 =	vld.idx.msk [tilespmem:v46+s31+$0x0], $0xffff;
	[tilespmem:v49+s18+$0x0] =	vst.idx.msk $0xffff, v35  }
0x340: {  	v55 =	vor.u32 v5, v20;
	v58 =	vor.u32 v1, v23;
	v39 =	vld.idx.msk [tilespmem:v50+s9+$0x0], $0xffff  }
0x341: {  	[tilespmem:v26+s18+$0x0] =	vst.idx.msk $0xffff, v30;
	v53 =	vld.idx.msk [tilespmem:v23+s10+$0x0], $0xffff;
	v26 =	vshll.u32 v16, $0x7;
	v31 =	vmul.f32 v33, v31  }
0x342: {  	s29 =	simm.s32 $0x5;
	v32 =	vld.idx.msk [tilespmem:v51+s31+$0x0], $0xffff;
	v30 =	vor.u32 v9, v29;
	v56 =	vor.u32 v0, v26  }
0x343: {  	v57 =	vor.u32 v2, v16;
	v27 =	vadd.s32 s29, v0;
	v38 =	vld.idx.msk [tilespmem:v48+s9+$0x0], $0xffff;
	[tilespmem:v52+s18+$0x0] =	vst.idx.msk $0xffff, v31  }
0x344: {  	v59 =	vor.u32 v7, v24;
	v60 =	vor.u32 v3, v28;
	v27 =	vand.u32 $0xF, v27;
	v61 =	vld.idx.msk [tilespmem:v54+s9+$0x0], $0xffff  }
0x345: {  	v62 =	vor.u32 v8, v21;
	v27 =	vor.u32 s2, v27;
	v31 =	vmul.f32 v36, v34;
	v33 =	vld.idx.msk [tilespmem:v55+s31+$0x0], $0xffff  }
0x346: {  	v63 =	vor.u32 v9, v22;
	v46 =	vor.u32 v13, v29;
	v47 =	vld.idx.msk [tilespmem:v58+s9+$0x0], $0xffff;
	vm14 =	vgt.s32 v53, $0x0  }
0x347: {  	v30 =	vld.idx.msk [tilespmem:v30+s31+$0x0], $0xffff;
	v52 =	vnsel vm14, $0x0, v53;
	[tilespmem:v56+s18+$0x0] =	vst.idx.msk $0xffff, v31;
	v56 =	vor.u32 v5, v19  }
0x348: {  	v58 =	vor.u32 v6, v17;
	v55 =	vmul.f32 v32, v39;
	v31 =	vmin.u32 v52, $0x3F;
	v42 =	vld.idx.msk [tilespmem:v57+s9+$0x0], $0xffff  }
0x349: {  	v45 =	vor.u32 v1, v27;
	v53 =	vor.u32 v9, v18;
	v37 =	vld.idx.msk [tilespmem:v60+s31+$0x0], $0xffff;
	v32 =	vshll.u32 v31, $0x7  }
0x34a: {  	v43 =	vld.idx.msk [tilespmem:v27+s10+$0x0], $0xffff;
	[tilespmem:v59+s18+$0x0] =	vst.idx.msk $0xffff, v55;
	v57 =	vor.u32 v0, v32;
	v33 =	vmul.f32 v33, v61  }
0x34b: {  	v35 =	vor.u32 v6, v16;
	v49 =	vor.u32 v5, v28;
	v54 =	vor.u32 v11, v29;
	v44 =	vld.idx.msk [tilespmem:v62+s9+$0x0], $0xffff  }
0x34c: {  	v60 =	vor.u32 v10, v25;
	v31 =	vmul.f32 v30, v38;
	v38 =	vld.idx.msk [tilespmem:v63+s31+$0x0], $0xffff;
	[tilespmem:v56+s18+$0x0] =	vst.idx.msk $0xffff, v33  }
0x34d: {  	v50 =	vor.u32 v12, v25;
	v62 =	vor.u32 v3, v26;
	v61 =	vor.u32 v7, v20;
	v39 =	vld.idx.msk [tilespmem:v58+s9+$0x0], $0xffff  }
0x34e: {  	v48 =	vor.u32 v7, v19;
	v63 =	vor.u32 v4, v16;
	v42 =	vmul.f32 v37, v42;
	v37 =	vld.idx.msk [tilespmem:v45+s9+$0x0], $0xffff  }
0x34f: {  	vm15 =	vgt.s32 v43, $0x0;
	[tilespmem:v53+s18+$0x0] =	vst.idx.msk $0xffff, v31;
	v53 =	vor.u32 v9, v24;
	v40 =	vld.idx.msk [tilespmem:v57+s31+$0x0], $0xffff  }
0x350: {  	v36 =	vor.u32 v10, v21;
	v59 =	vnsel vm15, $0x0, v43;
	v30 =	vshll.u32 v23, $0x7;
	v51 =	vld.idx.msk [tilespmem:v54+s31+$0x0], $0xffff  }
0x351: {  	v33 =	vmin.u32 v59, $0x3F;
	v56 =	vor.u32 v0, v30;
	v55 =	vld.idx.msk [tilespmem:v60+s9+$0x0], $0xffff;
	v60 =	vor.u32 v11, v22  }
0x352: {  	v43 =	vld.idx.msk [tilespmem:v61+s31+$0x0], $0xffff;
	v61 =	vor.u32 v2, v23;
	[tilespmem:v62+s18+$0x0] =	vst.idx.msk $0xffff, v42;
	v62 =	vmul.f32 v38, v44  }
0x353: {  	v34 =	vor.u32 v6, v27;
	v52 =	vor.u32 v11, v18;
	v33 =	vshll.u32 v33, $0x7;
	v44 =	vld.idx.msk [tilespmem:v63+s9+$0x0], $0xffff  }
0x354: {  	v54 =	vor.u32 v3, v32;
	v45 =	vld.idx.msk [tilespmem:v49+s31+$0x0], $0xffff;
	[tilespmem:v53+s18+$0x0] =	vst.idx.msk $0xffff, v62;
	v63 =	vmul.f32 v40, v47  }
0x355: {  	v31 =	vshll.u32 v27, $0x7;
	v42 =	vor.u32 v13, v22;
	v38 =	vor.u32 v0, v33;
	v41 =	vld.idx.msk [tilespmem:v36+s9+$0x0], $0xffff  }
0x356: {  	v49 =	vor.u32 v8, v17;
	v36 =	vor.u32 v12, v21;
	v47 =	vld.idx.msk [tilespmem:v60+s31+$0x0], $0xffff;
	[tilespmem:v56+s18+$0x0] =	vst.idx.msk $0xffff, v63  }
0x357: {  	s19 =	simm.s32 $0x6;
	v55 =	vmul.f32 v51, v55;
	v51 =	vor.u32 v5, v26;
	v40 =	vor.u32 v11, v24;
	v53 =	vld.idx.msk [tilespmem:v61+s9+$0x0], $0xffff  }
.LBB2_11:
0x358: {  	s2 =	sadd.s32 $0x1, s19  }
0x359: {  	v56 =	vadd.s32 s19, v0;
	p2 =	slt.u32 s19, $0x7E;
	v54 =	vld.idx.msk [tilespmem:v54+s31+$0x0], $0xffff;
	v39 =	vmul.f32 v43, v39;
	[tilespmem:v52+s18+$0x0] =	vst.idx.msk $0xffff, v55;
	s16 =	smov.u32 s19;
	s19 =	sadd.s32 $0x2, s19  }
0x35a: {  	v55 =	vor.u32 v7, v28;
	s16 =	sand.u32 $0x70, s16;
	v43 =	vand.u32 $0xF, v56;
	v52 =	vadd.s32 s2, v0;
	v50 =	vld.idx.msk [tilespmem:v50+s9+$0x0], $0xffff  }
0x35b: {  	v44 =	vmul.f32 v45, v44;
	v43 =	vor.u32 s16, v43;
	v52 =	vand.u32 $0xF, v52;
	v45 =	vld.idx.msk [tilespmem:v46+s31+$0x0], $0xffff  }
0x35c: {  	v46 =	vshll.u32 v43, $0x7;
	v52 =	vor.u32 s16, v52;
	v38 =	vld.idx.msk [tilespmem:v38+s31+$0x0], $0xffff;
	[tilespmem:v48+s18+$0x0] =	vst.idx.msk $0xffff, v39;
	v39 =	vor.u32 v15, v22  }
0x35d: {  	v41 =	vmul.f32 v47, v41;
	v22 =	vmov v28;
	v48 =	vshll.u32 v52, $0x7;
	v49 =	vld.idx.msk [tilespmem:v49+s9+$0x0], $0xffff;
	[tilespmem:v51+s18+$0x0] =	vst.idx.msk $0xffff, v44  }
0x35e: {  	v47 =	vor.u32 v13, v18;
	v28 =	vor.u32 v6, v52;
	v51 =	vor.u32 v15, v29;
	v44 =	vld.idx.msk [tilespmem:v35+s9+$0x0], $0xffff  }
0x35f: {  	v53 =	vmul.f32 v54, v53;
	v54 =	vor.u32 v3, v30;
	v55 =	vld.idx.msk [tilespmem:v55+s31+$0x0], $0xffff;
	[tilespmem:v40+s18+$0x0] =	vst.idx.msk $0xffff, v41  }
0x360: {  	v29 =	vmovc v20;
	v20 =	vmovc v32;
	v35 =	vmov v34;
	v34 =	vmov v28;
	v40 =	vor.u32 v4, v23;
	v41 =	vld.idx.msk [tilespmem:v42+s31+$0x0], $0xffff  }
0x361: {  	v32 =	vor.u32 v9, v29;
	v42 =	vmul.f32 v45, v50;
	v28 =	vmov v33;
	v36 =	vld.idx.msk [tilespmem:v36+s9+$0x0], $0xffff  }
0x362: {  	v56 =	vor.u32 v15, v18;
	v45 =	vor.u32 v5, v20;
	v50 =	vor.u32 v0, v31;
	v33 =	vld.idx.msk [tilespmem:v43+s10+$0x0], $0xffff  }
0x363: {  	v57 =	vor.u32 v2, v27;
	v18 =	vld.idx.msk [tilespmem:v52+s10+$0x0], $0xffff;
	[tilespmem:v47+s18+$0x0] =	vst.idx.msk $0xffff, v42;
	v42 =	vor.u32 v13, v24  }
0x364: {  	v47 =	vor.u32 v14, v25;
	[tilespmem:v54+s18+$0x0] =	vst.idx.msk $0xffff, v53;
	v51 =	vld.idx.msk [tilespmem:v51+s31+$0x0], $0xffff;
	v53 =	vor.u32 v15, v24  }
0x365: {  	v21 =	vor.u32 v14, v21;
	v60 =	vmul.f32 v38, v37;
	v37 =	vor.u32 v8, v16;
	v24 =	vld.idx.msk [tilespmem:v40+s9+$0x0], $0xffff  }
0x366: {  	v58 =	vor.u32 v7, v26;
	v54 =	vor.u32 v11, v29;
	v40 =	vor.u32 v9, v19;
	v38 =	vld.idx.msk [tilespmem:v32+s31+$0x0], $0xffff  }
0x367: {  	v59 =	vor.u32 v1, v43;
	v32 =	vmul.f32 v41, v36;
	v45 =	vld.idx.msk [tilespmem:v45+s31+$0x0], $0xffff;
	[tilespmem:v50+s18+$0x0] =	vst.idx.msk $0xffff, v60  }
0x368: {  	v25 =	vmovc v17;
	v41 =	vor.u32 v3, v28;
	vm0 =	vgt.s32 v33, $0x0;
	v50 =	vor.u32 v9, v22;
	v36 =	vld.idx.msk [tilespmem:v57+s9+$0x0], $0xffff  }
0x369: {  	v33 =	vnsel vm0, $0x0, v33;
	vm0 =	vgt.s32 v18, $0x0;
	v57 =	vor.u32 v5, v30;
	v47 =	vld.idx.msk [tilespmem:v47+s9+$0x0], $0xffff;
	[tilespmem:v42+s18+$0x0] =	vst.idx.msk $0xffff, v32  }
0x36a: {  	v17 =	vmovc v23;
	v23 =	vmovc v43;
	v32 =	vmin.u32 v33, $0x3F;
	v60 =	vnsel vm0, $0x0, v18;
	v42 =	vmul.f32 v55, v44;
	v39 =	vld.idx.msk [tilespmem:v39+s31+$0x0], $0xffff  }
0x36b: {  	v43 =	vor.u32 v6, v17;
	v18 =	vmovc v19;
	v19 =	vmovc v30;
	v32 =	vshll.u32 v32, $0x7;
	v33 =	vmin.u32 v60, $0x3F;
	v44 =	vld.idx.msk [tilespmem:v21+s9+$0x0], $0xffff  }
0x36c: {  	v30 =	vmovc v46;
	v33 =	vshll.u32 v33, $0x7;
	v49 =	vmul.f32 v38, v49;
	v55 =	vld.idx.msk [tilespmem:v59+s9+$0x0], $0xffff;
	v59 =	vor.u32 v0, v32  }
0x36d: {  	v38 =	vor.u32 v0, v33;
	v60 =	vmul.f32 v45, v24;
	v41 =	vld.idx.msk [tilespmem:v41+s31+$0x0], $0xffff;
	[tilespmem:v58+s18+$0x0] =	vst.idx.msk $0xffff, v42  }
0x36e: {  	v21 =	vmov v16;
	v16 =	vmov v27;
	[tilespmem:v40+s18+$0x0] =	vst.idx.msk $0xffff, v49;
	v40 =	vor.u32 v10, v25;
	v42 =	vld.idx.msk [tilespmem:v50+s31+$0x0], $0xffff  }
0x36f: {  	v45 =	vor.u32 v7, v20;
	[tilespmem:v57+s18+$0x0] =	vst.idx.msk $0xffff, v60;
	v46 =	vld.idx.msk [tilespmem:v37+s9+$0x0], $0xffff;
	v37 =	vmul.f32 v51, v47  }
0x370: {  	v27 =	vmovc v52;
	v24 =	vmov v26;
	v49 =	vor.u32 v3, v31;
	v47 =	vor.u32 v1, v52;
	v51 =	vld.idx.msk [tilespmem:v54+s31+$0x0], $0xffff  }
0x371: {  	v52 =	vor.u32 v4, v16;
	v50 =	vld.idx.msk [tilespmem:v59+s31+$0x0], $0xffff;
	[tilespmem:v56+s18+$0x0] =	vst.idx.msk $0xffff, v37;
	v37 =	vmul.f32 v39, v44  }
0x372: {  	v26 =	vmovc v31;
	v31 =	vmov v48;
	v57 =	vor.u32 v9, v24;
	v56 =	vor.u32 v5, v28;
	v39 =	vld.idx.msk [tilespmem:v43+s9+$0x0], $0xffff  }
0x373: {  	v36 =	vmul.f32 v41, v36;
	v58 =	vld.idx.msk [tilespmem:v40+s9+$0x0], $0xffff;
	v40 =	vor.u32 v10, v21;
	[tilespmem:v53+s18+$0x0] =	vst.idx.msk $0xffff, v37  }
0x374: {  	v48 =	vor.u32 v0, v30;
	v53 =	vor.u32 v11, v22;
	v43 =	vld.idx.msk [tilespmem:v45+s31+$0x0], $0xffff  }
0x375: {  	v59 =	vor.u32 v2, v23;
	v37 =	vld.idx.msk [tilespmem:v47+s9+$0x0], $0xffff;
	[tilespmem:v49+s18+$0x0] =	vst.idx.msk $0xffff, v36;
	v36 =	vmul.f32 v42, v46  }
.Ltmp6:
0x376: {  	v54 =	vor.u32 v3, v32;
	v44 =	vld.idx.msk [tilespmem:v52+s9+$0x0], $0xffff;
	v52 =	vor.u32 v11, v18;
	(pc) =	sbr.rel @p2 .LBB2_11-.Ltmp6, $4  }
0x377: {  	v42 =	vmul.f32 v50, v55;
	v50 =	vor.u32 v12, v25;
	v45 =	vld.idx.msk [tilespmem:v56+s31+$0x0], $0xffff;
	[tilespmem:v57+s18+$0x0] =	vst.idx.msk $0xffff, v36  }
0x378: {  	v46 =	vor.u32 v13, v29;
	v36 =	vor.u32 v12, v21;
	v41 =	vld.idx.msk [tilespmem:v40+s9+$0x0], $0xffff;
	v40 =	vor.u32 v11, v24  }
0x379: {  	v55 =	vmul.f32 v51, v58;
	[tilespmem:v48+s18+$0x0] =	vst.idx.msk $0xffff, v42;
	v48 =	vor.u32 v7, v19;
	v47 =	vld.idx.msk [tilespmem:v53+s31+$0x0], $0xffff  }
0x37a: {  	v49 =	vor.u32 v8, v17;
	v51 =	vor.u32 v5, v26;
	v42 =	vor.u32 v13, v22;
	v53 =	vld.idx.msk [tilespmem:v59+s9+$0x0], $0xffff  }
0x37b: {  	_ =	sdelay $0x3  }
0x37c: {  	v38 =	vld.idx.msk [tilespmem:v38+s31+$0x0], $0xffff;
	_ =	sdelay $0x1  }
0x37d: {  	v56 =	vor.u32 v0, v31  }
0x37e: {  	v57 =	vor.u32 v2, v27  }
0x37f: {  	v58 =	vor.u32 v3, v33  }
0x380: {  	v37 =	vmul.f32 v38, v37;
	_ =	sdelay $0x1  }
0x381: {  	v62 =	vld.idx.msk [tilespmem:v54+s31+$0x0], $0xffff;
	[tilespmem:v56+s18+$0x0] =	vst.idx.msk $0xffff, v37  }
0x382: {  	v37 =	vld.idx.msk [tilespmem:v57+s9+$0x0], $0xffff  }
0x383: {  	v54 =	vor.u32 v3, v30;
	v56 =	vld.idx.msk [tilespmem:v58+s31+$0x0], $0xffff  }
0x384: {  	v63 =	vor.u32 v4, v23  }
0x385: {  	v60 =	vor.u32 v5, v32;
	v59 =	vor.u32 v3, v31  }
0x386: {  	v61 =	vor.u32 v4, v27;
	v38 =	vmul.f32 v62, v53  }
0x387: {  	[tilespmem:v52+s18+$0x0] =	vst.idx.msk $0xffff, v55;
	v62 =	vor.u32 v5, v33  }
0x388: {  	v46 =	vld.idx.msk [tilespmem:v46+s31+$0x0], $0xffff;
	[tilespmem:v54+s18+$0x0] =	vst.idx.msk $0xffff, v38;
	v37 =	vmul.f32 v56, v37  }
0x389: {  	v63 =	vld.idx.msk [tilespmem:v63+s9+$0x0], $0xffff  }
0x38a: {  	v39 =	vmul.f32 v43, v39;
	v52 =	vor.u32 v9, v20;
	v54 =	vld.idx.msk [tilespmem:v60+s31+$0x0], $0xffff;
	[tilespmem:v59+s18+$0x0] =	vst.idx.msk $0xffff, v37  }
0x38b: {  	v44 =	vmul.f32 v45, v44;
	v56 =	vld.idx.msk [tilespmem:v61+s9+$0x0], $0xffff  }
0x38c: {  	v55 =	vor.u32 v7, v28;
	[tilespmem:v48+s18+$0x0] =	vst.idx.msk $0xffff, v39;
	v57 =	vor.u32 v5, v30;
	v58 =	vld.idx.msk [tilespmem:v62+s31+$0x0], $0xffff  }
0x38d: {  	[tilespmem:v51+s18+$0x0] =	vst.idx.msk $0xffff, v44;
	v49 =	vld.idx.msk [tilespmem:v49+s9+$0x0], $0xffff;
	v60 =	vor.u32 v7, v32  }
0x38e: {  	v35 =	vld.idx.msk [tilespmem:v35+s9+$0x0], $0xffff;
	v59 =	vor.u32 v6, v23;
	v61 =	vor.u32 v5, v31  }
0x38f: {  	v44 =	vld.idx.msk [tilespmem:v52+s31+$0x0], $0xffff;
	v43 =	vmul.f32 v54, v63  }
0x390: {  	v38 =	vld.idx.msk [tilespmem:v50+s9+$0x0], $0xffff;
	v62 =	vor.u32 v7, v33  }
0x391: {  	v37 =	vld.idx.msk [tilespmem:v55+s31+$0x0], $0xffff;
	[tilespmem:v57+s18+$0x0] =	vst.idx.msk $0xffff, v43;
	v50 =	vmul.f32 v58, v56  }
0x392: {  	v41 =	vmul.f32 v47, v41;
	v63 =	vor.u32 v13, v18;
	v47 =	vld.idx.msk [tilespmem:v60+s31+$0x0], $0xffff  }
0x393: {  	v29 =	vor.u32 v15, v29;
	v53 =	vor.u32 v7, v26;
	v43 =	vld.idx.msk [tilespmem:v59+s9+$0x0], $0xffff;
	[tilespmem:v61+s18+$0x0] =	vst.idx.msk $0xffff, v50  }
0x394: {  	[tilespmem:v40+s18+$0x0] =	vst.idx.msk $0xffff, v41;
	v54 =	vor.u32 v9, v28;
	v34 =	vld.idx.msk [tilespmem:v34+s9+$0x0], $0xffff  }
0x395: {  	v38 =	vmul.f32 v46, v38;
	v55 =	vor.u32 v8, v16;
	v56 =	vor.u32 v7, v30;
	v40 =	vld.idx.msk [tilespmem:v62+s31+$0x0], $0xffff  }
0x396: {  	v42 =	vld.idx.msk [tilespmem:v42+s31+$0x0], $0xffff;
	v57 =	vor.u32 v8, v23;
	v35 =	vmul.f32 v37, v35  }
0x397: {  	v36 =	vld.idx.msk [tilespmem:v36+s9+$0x0], $0xffff;
	[tilespmem:v63+s18+$0x0] =	vst.idx.msk $0xffff, v38;
	v59 =	vor.u32 v7, v31;
	v58 =	vor.u32 v9, v32  }
0x398: {  	v29 =	vld.idx.msk [tilespmem:v29+s31+$0x0], $0xffff;
	[tilespmem:v53+s18+$0x0] =	vst.idx.msk $0xffff, v35;
	v61 =	vor.u32 v9, v33;
	v60 =	vmul.f32 v47, v43  }
0x399: {  	v25 =	vor.u32 v14, v25;
	v39 =	vld.idx.msk [tilespmem:v54+s31+$0x0], $0xffff;
	v62 =	vor.u32 v8, v27  }
0x39a: {  	v63 =	vor.u32 v9, v19;
	v46 =	vld.idx.msk [tilespmem:v55+s9+$0x0], $0xffff;
	[tilespmem:v56+s18+$0x0] =	vst.idx.msk $0xffff, v60;
	v34 =	vmul.f32 v40, v34  }
0x39b: {  	v52 =	vor.u32 v11, v20;
	v37 =	vld.idx.msk [tilespmem:v57+s9+$0x0], $0xffff  }
0x39c: {  	v53 =	vor.u32 v10, v17;
	v54 =	vor.u32 v9, v26;
	v38 =	vld.idx.msk [tilespmem:v58+s31+$0x0], $0xffff;
	[tilespmem:v59+s18+$0x0] =	vst.idx.msk $0xffff, v34  }
0x39d: {  	v55 =	vmul.f32 v44, v49;
	v56 =	vor.u32 v10, v16;
	v43 =	vld.idx.msk [tilespmem:v61+s31+$0x0], $0xffff  }
0x39e: {  	v57 =	vor.u32 v11, v28;
	v58 =	vor.u32 v9, v30;
	v45 =	vld.idx.msk [tilespmem:v62+s9+$0x0], $0xffff  }
0x39f: {  	v25 =	vld.idx.msk [tilespmem:v25+s9+$0x0], $0xffff;
	[tilespmem:v63+s18+$0x0] =	vst.idx.msk $0xffff, v55;
	v60 =	vor.u32 v11, v32;
	v59 =	vmul.f32 v39, v46  }
0x3a0: {  	v35 =	vld.idx.msk [tilespmem:v52+s31+$0x0], $0xffff;
	v61 =	vor.u32 v10, v23;
	v62 =	vor.u32 v9, v31  }
0x3a1: {  	v52 =	vor.u32 v10, v27;
	v40 =	vld.idx.msk [tilespmem:v53+s9+$0x0], $0xffff;
	[tilespmem:v54+s18+$0x0] =	vst.idx.msk $0xffff, v59;
	v63 =	vmul.f32 v38, v37  }
0x3a2: {  	v22 =	vor.u32 v15, v22;
	v53 =	vor.u32 v13, v24;
	v54 =	vor.u32 v11, v33;
	v41 =	vld.idx.msk [tilespmem:v56+s9+$0x0], $0xffff  }
0x3a3: {  	v55 =	vor.u32 v11, v19;
	v44 =	vld.idx.msk [tilespmem:v57+s31+$0x0], $0xffff;
	[tilespmem:v58+s18+$0x0] =	vst.idx.msk $0xffff, v63;
	v56 =	vmul.f32 v43, v45  }
0x3a4: {  	v36 =	vmul.f32 v42, v36;
	v57 =	vor.u32 v12, v17;
	v39 =	vld.idx.msk [tilespmem:v60+s31+$0x0], $0xffff  }
0x3a5: {  	v59 =	vor.u32 v11, v26;
	v58 =	vor.u32 v13, v20;
	v46 =	vld.idx.msk [tilespmem:v61+s9+$0x0], $0xffff;
	[tilespmem:v62+s18+$0x0] =	vst.idx.msk $0xffff, v56  }
0x3a6: {  	v60 =	vmul.f32 v35, v40;
	v61 =	vor.u32 v13, v28;
	v37 =	vld.idx.msk [tilespmem:v52+s9+$0x0], $0xffff  }
0x3a7: {  	[tilespmem:v53+s18+$0x0] =	vst.idx.msk $0xffff, v36;
	v63 =	vor.u32 v11, v30;
	v62 =	vor.u32 v12, v16;
	v49 =	vld.idx.msk [tilespmem:v54+s31+$0x0], $0xffff  }
0x3a8: {  	v51 =	vor.u32 v12, v23;
	v22 =	vld.idx.msk [tilespmem:v22+s31+$0x0], $0xffff;
	[tilespmem:v55+s18+$0x0] =	vst.idx.msk $0xffff, v60;
	v50 =	vmul.f32 v44, v41  }
0x3a9: {  	v53 =	vor.u32 v11, v31;
	v42 =	vld.idx.msk [tilespmem:v57+s9+$0x0], $0xffff;
	v52 =	vor.u32 v13, v32  }
0x3aa: {  	v55 =	vor.u32 v13, v33;
	v43 =	vld.idx.msk [tilespmem:v58+s31+$0x0], $0xffff;
	[tilespmem:v59+s18+$0x0] =	vst.idx.msk $0xffff, v50;
	v54 =	vmul.f32 v39, v46  }
0x3ab: {  	v21 =	vor.u32 v14, v21;
	v56 =	vor.u32 v12, v27;
	v35 =	vld.idx.msk [tilespmem:v61+s31+$0x0], $0xffff  }
0x3ac: {  	v57 =	vor.u32 v13, v19;
	v36 =	vld.idx.msk [tilespmem:v62+s9+$0x0], $0xffff;
	[tilespmem:v63+s18+$0x0] =	vst.idx.msk $0xffff, v54;
	v58 =	vmul.f32 v49, v37  }
0x3ad: {  	v59 =	vor.u32 v15, v20;
	v60 =	vld.idx.msk [tilespmem:v51+s9+$0x0], $0xffff  }
0x3ae: {  	v17 =	vor.u32 v14, v17;
	v61 =	vor.u32 v13, v26;
	v62 =	vld.idx.msk [tilespmem:v52+s31+$0x0], $0xffff;
	[tilespmem:v53+s18+$0x0] =	vst.idx.msk $0xffff, v58  }
0x3af: {  	v63 =	vor.u32 v15, v28;
	v47 =	vmul.f32 v43, v42;
	v39 =	vld.idx.msk [tilespmem:v55+s31+$0x0], $0xffff  }
0x3b0: {  	v48 =	vor.u32 v13, v30;
	v16 =	vor.u32 v14, v16;
	v49 =	vld.idx.msk [tilespmem:v56+s9+$0x0], $0xffff  }
0x3b1: {  	v21 =	vld.idx.msk [tilespmem:v21+s9+$0x0], $0xffff;
	v51 =	vor.u32 v15, v32;
	[tilespmem:v57+s18+$0x0] =	vst.idx.msk $0xffff, v47;
	v50 =	vmul.f32 v35, v36  }
0x3b2: {  	v52 =	vor.u32 v13, v31;
	v53 =	vor.u32 v14, v23;
	v20 =	vld.idx.msk [tilespmem:v59+s31+$0x0], $0xffff  }
0x3b3: {  	v54 =	vor.u32 v15, v33;
	v17 =	vld.idx.msk [tilespmem:v17+s9+$0x0], $0xffff;
	v55 =	vmul.f32 v62, v60;
	[tilespmem:v61+s18+$0x0] =	vst.idx.msk $0xffff, v50  }
0x3b4: {  	v58 =	vor.u32 v15, v18;
	v56 =	vor.u32 v14, v27;
	v28 =	vld.idx.msk [tilespmem:v63+s31+$0x0], $0xffff  }
0x3b5: {  	v59 =	vor.u32 v15, v24;
	v16 =	vld.idx.msk [tilespmem:v16+s9+$0x0], $0xffff;
	[tilespmem:v48+s18+$0x0] =	vst.idx.msk $0xffff, v55;
	v57 =	vmul.f32 v39, v49  }
0x3b6: {  	v60 =	vor.u32 v15, v19;
	v32 =	vld.idx.msk [tilespmem:v51+s31+$0x0], $0xffff  }
0x3b7: {  	v25 =	vmul.f32 v29, v25;
	v61 =	vor.u32 v15, v26;
	v23 =	vld.idx.msk [tilespmem:v53+s9+$0x0], $0xffff;
	[tilespmem:v52+s18+$0x0] =	vst.idx.msk $0xffff, v57  }
0x3b8: {  	v21 =	vmul.f32 v22, v21;
	v33 =	vld.idx.msk [tilespmem:v54+s31+$0x0], $0xffff  }
0x3b9: {  	[tilespmem:v58+s18+$0x0] =	vst.idx.msk $0xffff, v25;
	v17 =	vmul.f32 v20, v17;
	v27 =	vld.idx.msk [tilespmem:v56+s9+$0x0], $0xffff  }
0x3ba: {  	v62 =	vor.u32 v15, v30;
	[tilespmem:v59+s18+$0x0] =	vst.idx.msk $0xffff, v21;
	v16 =	vmul.f32 v28, v16  }
0x3bb: {  	v63 =	vor.u32 v15, v31;
	[tilespmem:v60+s18+$0x0] =	vst.idx.msk $0xffff, v17  }
0x3bc: {  	[tilespmem:v61+s18+$0x0] =	vst.idx.msk $0xffff, v16  }
.Ltmp7:
0x3bd: {  	v17 =	vmul.f32 v32, v23;
	s2 =	rddreg [dreg:$0xc];
	(pc) =	sbr.rel @p1 .LBB2_14-.Ltmp7, $4  }
0x3be: {  	v16 =	vmul.f32 v33, v27;
	s2 =	sadd.s32 s22, s2  }
0x3bf: {  	[tilespmem:v62+s18+$0x0] =	vst.idx.msk $0xffff, v17;
	s2 =	sshll.u32 s2, $0x4  }
0x3c0: {  	s29 =	simm.s32 $0xC3800;
	[tilespmem:v63+s18+$0x0] =	vst.idx.msk $0xffff, v16;
	s2 =	sadd.s32 s17, s2  }
0x3c1: {  	[hbm4b:s2+s3] =	stream.linear.scatter [tilespmem:s18], [sflag:$0xA], $0x4000, $0x38;
	[tilespmem:$0x1A200] =	vst v63  }
0x3c2: {  	s2 =	rddreg [dreg:$0x14]  }
0x3c3: {  	s2 =	sadd.s32 s21, s2  }
.Ltmp8:
0x3c4: {  	s16 =	sshll.u32 s2, $0x7;
	(pc) =	sbr.rel .LBB2_4-.Ltmp8, $4  }
0x3c5: {  	s19 =	simm.s32 $0x400;
	s2 =	sshll.u32 s2, $0x4;
	s16 =	sadd.s32 s4, s16  }
0x3c6: {  	[tilespmem:s9], [sflag:$0x4] =	stream.strided.gather [hbm4b:s16+s19], $0x4000, s29, s19, $0x38;
	[tilespmem:$0x1A200] =	vst v63  }
0x3c7: {  	s15 =	sadd.s32 $0x1, s15;
	s2 =	sadd.s32 s5, s2;
	s16 =	simm.s32 $0x400  }
0x3c8: {  	[tilespmem:s10], [sflag:$0x8] =	stream.linear.gather [hbm4b:s2+s3], $0x80, $0x38;
	[tilespmem:$0x1A200] =	vst v63  }
.LBB2_14:
0x3c9: {  	_ =	swait.ge [sflag:s11], $0x4000  }
0x3ca: {  	s2 =	simm.s32 $0x0;
	[sflag:s11] =	ssyncset.done $0x0  }
0x3cb: {  	v16 =	vadd.s32 s2, v0;
	[sflag:s11] =	ssyncadd.s32 $0xFFFFC000  }
0x3cc: {  	s2 =	sand.u32 $0x70, s2;
	v16 =	vand.u32 $0xF, v16;
	_ =	swait.ge [sflag:s12], $0x80  }
0x3cd: {  	v25 =	vor.u32 s2, v16;
	[sflag:s12] =	ssyncset.done $0x0  }
0x3ce: {  	[sflag:s12] =	ssyncadd.s32 $0xFFFFFF80  }
0x3cf: {  	_ =	swait.ge [sflag:s30], $0x4000  }
0x3d0: {  	[sflag:s30] =	ssyncset.done $0x0  }
0x3d1: {  	[sflag:s30] =	ssyncadd.s32 $0xFFFFC000  }
0x3d2: {  	v16 =	vld.idx.msk [tilespmem:v25+s0+$0x0], $0xffff;
	_ =	sdelay $0x3  }
0x3d3: {  	s15 =	simm.s32 $0x1  }
0x3d4: {  	v17 =	vadd.s32 s15, v0;
	vm0 =	vgt.s32 v16, $0x0  }
0x3d5: {  	v17 =	vand.u32 $0xF, v17;
	v16 =	vnsel vm0, $0x0, v16  }
0x3d6: {  	v21 =	vor.u32 s2, v17;
	v16 =	vmin.u32 v16, $0x3F  }
0x3d7: {  	v17 =	vor.u32 v1, v25;
	v29 =	vshll.u32 v16, $0x7  }
0x3d8: {  	v16 =	vor.u32 v0, v29;
	_ =	sdelay $0x2  }
0x3d9: {  	v19 =	vld.idx.msk [tilespmem:v21+s0+$0x0], $0xffff  }
0x3da: {  	v17 =	vld.idx.msk [tilespmem:v17+s3+$0x0], $0xffff  }
0x3db: {  	v16 =	vld.idx.msk [tilespmem:v16+s31+$0x0], $0xffff  }
0x3dc: {  	v18 =	vshll.u32 v25, $0x7  }
0x3dd: {  	s19 =	simm.s32 $0x2;
	v20 =	vor.u32 v0, v18  }
0x3de: {  	v22 =	vadd.s32 s19, v0;
	v23 =	vor.u32 v2, v25;
	vm11 =	vgt.s32 v19, $0x0  }
0x3df: {  	v22 =	vand.u32 $0xF, v22;
	s2 =	sand.u32 $0x70, s19;
	v19 =	vnsel vm11, $0x0, v19;
	v24 =	vor.u32 v3, v29  }
0x3e0: {  	v19 =	vmin.u32 v19, $0x3F;
	v16 =	vmul.f32 v16, v17;
	v17 =	vor.u32 s2, v22  }
0x3e1: {  	v22 =	vshll.u32 v19, $0x7;
	v19 =	vor.u32 v1, v21  }
0x3e2: {  	v26 =	vor.u32 v0, v22;
	[tilespmem:v20+s14+$0x0] =	vst.idx.msk $0xffff, v16  }
0x3e3: {  	v20 =	vld.idx.msk [tilespmem:v23+s3+$0x0], $0xffff  }
0x3e4: {  	v23 =	vld.idx.msk [tilespmem:v24+s31+$0x0], $0xffff  }
0x3e5: {  	v27 =	vld.idx.msk [tilespmem:v17+s0+$0x0], $0xffff  }
0x3e6: {  	v19 =	vld.idx.msk [tilespmem:v19+s3+$0x0], $0xffff  }
0x3e7: {  	v28 =	vor.u32 v3, v18;
	v26 =	vld.idx.msk [tilespmem:v26+s31+$0x0], $0xffff  }
0x3e8: {  	v30 =	vor.u32 v4, v25;
	v24 =	vshll.u32 v21, $0x7  }
0x3e9: {  	v31 =	vor.u32 v5, v29;
	v32 =	vor.u32 v0, v24  }
0x3ea: {  	s21 =	simm.s32 $0x3;
	v20 =	vmul.f32 v23, v20;
	v23 =	vor.u32 v2, v21  }
0x3eb: {  	v33 =	vor.u32 v3, v22;
	v16 =	vadd.s32 s21, v0  }
0x3ec: {  	v16 =	vand.u32 $0xF, v16;
	vm12 =	vgt.s32 v27, $0x0;
	[tilespmem:v28+s14+$0x0] =	vst.idx.msk $0xffff, v20;
	v19 =	vmul.f32 v26, v19  }
0x3ed: {  	v16 =	vor.u32 s2, v16;
	v27 =	vnsel vm12, $0x0, v27;
	v26 =	vld.idx.msk [tilespmem:v30+s3+$0x0], $0xffff  }
0x3ee: {  	v28 =	vld.idx.msk [tilespmem:v31+s31+$0x0], $0xffff;
	v20 =	vmin.u32 v27, $0x3F;
	[tilespmem:v32+s14+$0x0] =	vst.idx.msk $0xffff, v19  }
0x3ef: {  	v27 =	vor.u32 v1, v17;
	v20 =	vshll.u32 v20, $0x7;
	v23 =	vld.idx.msk [tilespmem:v23+s3+$0x0], $0xffff  }
0x3f0: {  	v19 =	vor.u32 v0, v20;
	v31 =	vld.idx.msk [tilespmem:v33+s31+$0x0], $0xffff  }
0x3f1: {  	v30 =	vor.u32 v5, v18  }
0x3f2: {  	v35 =	vor.u32 v3, v24;
	v34 =	vld.idx.msk [tilespmem:v16+s0+$0x0], $0xffff  }
0x3f3: {  	v37 =	vor.u32 v4, v21  }
0x3f4: {  	v38 =	vor.u32 v5, v22;
	v26 =	vmul.f32 v28, v26;
	v27 =	vld.idx.msk [tilespmem:v27+s3+$0x0], $0xffff  }
0x3f5: {  	v36 =	vld.idx.msk [tilespmem:v19+s31+$0x0], $0xffff;
	v23 =	vmul.f32 v31, v23  }
0x3f6: {  	v60 =	vor.u32 v6, v25;
	[tilespmem:v30+s14+$0x0] =	vst.idx.msk $0xffff, v26;
	v19 =	vshll.u32 v17, $0x7  }
0x3f7: {  	v61 =	vor.u32 v7, v29;
	vm13 =	vgt.s32 v34, $0x0;
	v26 =	vor.u32 v0, v19;
	[tilespmem:v35+s14+$0x0] =	vst.idx.msk $0xffff, v23  }
0x3f8: {  	v28 =	vnsel vm13, $0x0, v34;
	v31 =	vor.u32 v2, v17;
	v35 =	vld.idx.msk [tilespmem:v37+s3+$0x0], $0xffff  }
0x3f9: {  	v63 =	vor.u32 v3, v20;
	v28 =	vmin.u32 v28, $0x3F;
	v46 =	vld.idx.msk [tilespmem:v38+s31+$0x0], $0xffff  }
0x3fa: {  	v44 =	vor.u32 v1, v16;
	v28 =	vshll.u32 v28, $0x7;
	v23 =	vmul.f32 v36, v27  }
0x3fb: {  	s22 =	simm.s32 $0x4;
	v39 =	vor.u32 v5, v24;
	v30 =	vld.idx.msk [tilespmem:v60+s3+$0x0], $0xffff;
	v45 =	vor.u32 v0, v28  }
0x3fc: {  	v40 =	vor.u32 v6, v21;
	v62 =	vld.idx.msk [tilespmem:v61+s31+$0x0], $0xffff;
	v27 =	vadd.s32 s22, v0;
	[tilespmem:v26+s14+$0x0] =	vst.idx.msk $0xffff, v23  }
0x3fd: {  	v48 =	vor.u32 v7, v22;
	s2 =	sand.u32 $0x70, s22;
	v27 =	vand.u32 $0xF, v27;
	v31 =	vld.idx.msk [tilespmem:v31+s3+$0x0], $0xffff  }
0x3fe: {  	v26 =	vor.u32 v7, v18;
	v23 =	vor.u32 s2, v27;
	v33 =	vld.idx.msk [tilespmem:v63+s31+$0x0], $0xffff;
	v35 =	vmul.f32 v46, v35  }
0x3ff: {  	v47 =	vor.u32 v8, v25;
	v34 =	vld.idx.msk [tilespmem:v44+s3+$0x0], $0xffff  }
0x400: {  	s28 =	simm.s32 $0x5;
	v49 =	vor.u32 v3, v19;
	v36 =	vld.idx.msk [tilespmem:v45+s31+$0x0], $0xffff;
	v53 =	vor.u32 v1, v23;
	[tilespmem:v39+s14+$0x0] =	vst.idx.msk $0xffff, v35  }
0x401: {  	v50 =	vor.u32 v4, v17;
	v30 =	vmul.f32 v62, v30;
	v27 =	vadd.s32 s28, v0;
	v39 =	vld.idx.msk [tilespmem:v40+s3+$0x0], $0xffff  }
0x402: {  	v51 =	vor.u32 v5, v20;
	v27 =	vand.u32 $0xF, v27;
	v32 =	vld.idx.msk [tilespmem:v48+s31+$0x0], $0xffff  }
0x403: {  	v27 =	vor.u32 s2, v27;
	[tilespmem:v26+s14+$0x0] =	vst.idx.msk $0xffff, v30;
	v41 =	vld.idx.msk [tilespmem:v23+s0+$0x0], $0xffff;
	v31 =	vmul.f32 v33, v31  }
0x404: {  	v30 =	vor.u32 v9, v29;
	v26 =	vshll.u32 v16, $0x7;
	v38 =	vld.idx.msk [tilespmem:v47+s3+$0x0], $0xffff  }
0x405: {  	v52 =	vor.u32 v0, v26;
	v47 =	vld.idx.msk [tilespmem:v53+s3+$0x0], $0xffff;
	[tilespmem:v49+s14+$0x0] =	vst.idx.msk $0xffff, v31  }
0x406: {  	v42 =	vor.u32 v2, v16;
	v44 =	vld.idx.msk [tilespmem:v50+s3+$0x0], $0xffff  }
0x407: {  	v54 =	vor.u32 v7, v24;
	v55 =	vor.u32 v3, v28;
	v33 =	vld.idx.msk [tilespmem:v51+s31+$0x0], $0xffff  }
0x408: {  	v45 =	vor.u32 v8, v21;
	v43 =	vld.idx.msk [tilespmem:v27+s0+$0x0], $0xffff;
	v31 =	vmul.f32 v36, v34;
	vm14 =	vgt.s32 v41, $0x0  }
0x409: {  	v60 =	vor.u32 v5, v19;
	v46 =	vor.u32 v9, v22;
	v30 =	vld.idx.msk [tilespmem:v30+s31+$0x0], $0xffff;
	v56 =	vnsel vm14, $0x0, v41  }
0x40a: {  	v49 =	vor.u32 v6, v17;
	v59 =	vmul.f32 v32, v39;
	[tilespmem:v52+s14+$0x0] =	vst.idx.msk $0xffff, v31;
	v31 =	vmin.u32 v56, $0x3F  }
0x40b: {  	v57 =	vor.u32 v9, v18;
	v41 =	vor.u32 v7, v20;
	v42 =	vld.idx.msk [tilespmem:v42+s3+$0x0], $0xffff;
	v32 =	vshll.u32 v31, $0x7  }
0x40c: {  	[tilespmem:v54+s14+$0x0] =	vst.idx.msk $0xffff, v59;
	v37 =	vld.idx.msk [tilespmem:v55+s31+$0x0], $0xffff;
	v48 =	vor.u32 v0, v32;
	v33 =	vmul.f32 v33, v44  }
0x40d: {  	v58 =	vor.u32 v11, v29;
	v61 =	vor.u32 v10, v25;
	v63 =	vor.u32 v4, v16;
	v44 =	vld.idx.msk [tilespmem:v45+s3+$0x0], $0xffff  }
0x40e: {  	v35 =	vor.u32 v6, v16;
	v31 =	vmul.f32 v30, v38;
	v38 =	vld.idx.msk [tilespmem:v46+s31+$0x0], $0xffff;
	[tilespmem:v60+s14+$0x0] =	vst.idx.msk $0xffff, v33  }
0x40f: {  	v62 =	vor.u32 v3, v26;
	vm15 =	vgt.s32 v43, $0x0;
	v45 =	vor.u32 v1, v27;
	v39 =	vld.idx.msk [tilespmem:v49+s3+$0x0], $0xffff  }
0x410: {  	v53 =	vor.u32 v9, v24;
	v34 =	vor.u32 v6, v27;
	v59 =	vnsel vm15, $0x0, v43;
	v43 =	vld.idx.msk [tilespmem:v41+s31+$0x0], $0xffff  }
0x411: {  	v36 =	vor.u32 v12, v21;
	v60 =	vor.u32 v5, v28;
	[tilespmem:v57+s14+$0x0] =	vst.idx.msk $0xffff, v31;
	v40 =	vld.idx.msk [tilespmem:v48+s31+$0x0], $0xffff  }
0x412: {  	v30 =	vshll.u32 v23, $0x7;
	v42 =	vmul.f32 v37, v42;
	v55 =	vld.idx.msk [tilespmem:v61+s3+$0x0], $0xffff;
	v61 =	vor.u32 v10, v21  }
0x413: {  	v50 =	vor.u32 v12, v25;
	v56 =	vor.u32 v0, v30;
	v57 =	vor.u32 v11, v22;
	v51 =	vld.idx.msk [tilespmem:v58+s31+$0x0], $0xffff  }
0x414: {  	v58 =	vor.u32 v2, v23;
	v37 =	vld.idx.msk [tilespmem:v45+s3+$0x0], $0xffff;
	[tilespmem:v62+s14+$0x0] =	vst.idx.msk $0xffff, v42;
	v62 =	vmul.f32 v38, v44  }
0x415: {  	v52 =	vor.u32 v11, v18;
	v54 =	vor.u32 v3, v32;
	v46 =	vor.u32 v13, v29;
	v44 =	vld.idx.msk [tilespmem:v63+s3+$0x0], $0xffff  }
0x416: {  	v33 =	vmin.u32 v59, $0x3F;
	v31 =	vshll.u32 v27, $0x7;
	v45 =	vld.idx.msk [tilespmem:v60+s31+$0x0], $0xffff;
	[tilespmem:v53+s14+$0x0] =	vst.idx.msk $0xffff, v62;
	v63 =	vmul.f32 v40, v47  }
0x417: {  	v33 =	vshll.u32 v33, $0x7;
	v49 =	vor.u32 v8, v17;
	v48 =	vor.u32 v7, v19;
	v41 =	vld.idx.msk [tilespmem:v61+s3+$0x0], $0xffff  }
0x418: {  	v42 =	vor.u32 v13, v22;
	v38 =	vor.u32 v0, v33;
	v47 =	vld.idx.msk [tilespmem:v57+s31+$0x0], $0xffff;
	[tilespmem:v56+s14+$0x0] =	vst.idx.msk $0xffff, v63  }
0x419: {  	s15 =	simm.s32 $0x6;
	v55 =	vmul.f32 v51, v55;
	v51 =	vor.u32 v5, v26;
	v40 =	vor.u32 v11, v24;
	v53 =	vld.idx.msk [tilespmem:v58+s3+$0x0], $0xffff  }
.LBB2_15:
0x41a: {  	s2 =	sadd.s32 $0x1, s15  }
0x41b: {  	v56 =	vadd.s32 s15, v0;
	p1 =	slt.u32 s15, $0x7E;
	v54 =	vld.idx.msk [tilespmem:v54+s31+$0x0], $0xffff;
	v39 =	vmul.f32 v43, v39;
	[tilespmem:v52+s14+$0x0] =	vst.idx.msk $0xffff, v55;
	s16 =	smov.u32 s15;
	s15 =	sadd.s32 $0x2, s15  }
0x41c: {  	v55 =	vor.u32 v7, v28;
	s16 =	sand.u32 $0x70, s16;
	v43 =	vand.u32 $0xF, v56;
	v52 =	vadd.s32 s2, v0;
	v50 =	vld.idx.msk [tilespmem:v50+s3+$0x0], $0xffff  }
0x41d: {  	v44 =	vmul.f32 v45, v44;
	v43 =	vor.u32 s16, v43;
	v52 =	vand.u32 $0xF, v52;
	v45 =	vld.idx.msk [tilespmem:v46+s31+$0x0], $0xffff  }
0x41e: {  	v46 =	vshll.u32 v43, $0x7;
	v52 =	vor.u32 s16, v52;
	v38 =	vld.idx.msk [tilespmem:v38+s31+$0x0], $0xffff;
	[tilespmem:v48+s14+$0x0] =	vst.idx.msk $0xffff, v39;
	v39 =	vor.u32 v15, v22  }
0x41f: {  	v41 =	vmul.f32 v47, v41;
	v22 =	vmov v28;
	v48 =	vshll.u32 v52, $0x7;
	v49 =	vld.idx.msk [tilespmem:v49+s3+$0x0], $0xffff;
	[tilespmem:v51+s14+$0x0] =	vst.idx.msk $0xffff, v44  }
0x420: {  	v47 =	vor.u32 v13, v18;
	v28 =	vor.u32 v6, v52;
	v51 =	vor.u32 v15, v29;
	v44 =	vld.idx.msk [tilespmem:v35+s3+$0x0], $0xffff  }
0x421: {  	v53 =	vmul.f32 v54, v53;
	v54 =	vor.u32 v3, v30;
	v55 =	vld.idx.msk [tilespmem:v55+s31+$0x0], $0xffff;
	[tilespmem:v40+s14+$0x0] =	vst.idx.msk $0xffff, v41  }
0x422: {  	v29 =	vmovc v20;
	v20 =	vmovc v32;
	v35 =	vmov v34;
	v34 =	vmov v28;
	v40 =	vor.u32 v4, v23;
	v41 =	vld.idx.msk [tilespmem:v42+s31+$0x0], $0xffff  }
0x423: {  	v32 =	vor.u32 v9, v29;
	v42 =	vmul.f32 v45, v50;
	v28 =	vmov v33;
	v36 =	vld.idx.msk [tilespmem:v36+s3+$0x0], $0xffff  }
0x424: {  	v56 =	vor.u32 v15, v18;
	v45 =	vor.u32 v5, v20;
	v50 =	vor.u32 v0, v31;
	v33 =	vld.idx.msk [tilespmem:v43+s0+$0x0], $0xffff  }
0x425: {  	v57 =	vor.u32 v2, v27;
	v18 =	vld.idx.msk [tilespmem:v52+s0+$0x0], $0xffff;
	[tilespmem:v47+s14+$0x0] =	vst.idx.msk $0xffff, v42;
	v42 =	vor.u32 v13, v24  }
0x426: {  	v47 =	vor.u32 v14, v25;
	[tilespmem:v54+s14+$0x0] =	vst.idx.msk $0xffff, v53;
	v51 =	vld.idx.msk [tilespmem:v51+s31+$0x0], $0xffff;
	v53 =	vor.u32 v15, v24  }
0x427: {  	v21 =	vor.u32 v14, v21;
	v60 =	vmul.f32 v38, v37;
	v37 =	vor.u32 v8, v16;
	v24 =	vld.idx.msk [tilespmem:v40+s3+$0x0], $0xffff  }
0x428: {  	v58 =	vor.u32 v7, v26;
	v54 =	vor.u32 v11, v29;
	v40 =	vor.u32 v9, v19;
	v38 =	vld.idx.msk [tilespmem:v32+s31+$0x0], $0xffff  }
0x429: {  	v59 =	vor.u32 v1, v43;
	v32 =	vmul.f32 v41, v36;
	v45 =	vld.idx.msk [tilespmem:v45+s31+$0x0], $0xffff;
	[tilespmem:v50+s14+$0x0] =	vst.idx.msk $0xffff, v60  }
0x42a: {  	v25 =	vmovc v17;
	v41 =	vor.u32 v3, v28;
	vm0 =	vgt.s32 v33, $0x0;
	v50 =	vor.u32 v9, v22;
	v36 =	vld.idx.msk [tilespmem:v57+s3+$0x0], $0xffff  }
0x42b: {  	v33 =	vnsel vm0, $0x0, v33;
	vm0 =	vgt.s32 v18, $0x0;
	v57 =	vor.u32 v5, v30;
	v47 =	vld.idx.msk [tilespmem:v47+s3+$0x0], $0xffff;
	[tilespmem:v42+s14+$0x0] =	vst.idx.msk $0xffff, v32  }
0x42c: {  	v17 =	vmovc v23;
	v23 =	vmovc v43;
	v32 =	vmin.u32 v33, $0x3F;
	v60 =	vnsel vm0, $0x0, v18;
	v42 =	vmul.f32 v55, v44;
	v39 =	vld.idx.msk [tilespmem:v39+s31+$0x0], $0xffff  }
0x42d: {  	v43 =	vor.u32 v6, v17;
	v18 =	vmovc v19;
	v19 =	vmovc v30;
	v32 =	vshll.u32 v32, $0x7;
	v33 =	vmin.u32 v60, $0x3F;
	v44 =	vld.idx.msk [tilespmem:v21+s3+$0x0], $0xffff  }
0x42e: {  	v30 =	vmovc v46;
	v33 =	vshll.u32 v33, $0x7;
	v49 =	vmul.f32 v38, v49;
	v55 =	vld.idx.msk [tilespmem:v59+s3+$0x0], $0xffff;
	v59 =	vor.u32 v0, v32  }
0x42f: {  	v38 =	vor.u32 v0, v33;
	v60 =	vmul.f32 v45, v24;
	v41 =	vld.idx.msk [tilespmem:v41+s31+$0x0], $0xffff;
	[tilespmem:v58+s14+$0x0] =	vst.idx.msk $0xffff, v42  }
0x430: {  	v21 =	vmov v16;
	v16 =	vmov v27;
	[tilespmem:v40+s14+$0x0] =	vst.idx.msk $0xffff, v49;
	v40 =	vor.u32 v10, v25;
	v42 =	vld.idx.msk [tilespmem:v50+s31+$0x0], $0xffff  }
0x431: {  	v45 =	vor.u32 v7, v20;
	[tilespmem:v57+s14+$0x0] =	vst.idx.msk $0xffff, v60;
	v46 =	vld.idx.msk [tilespmem:v37+s3+$0x0], $0xffff;
	v37 =	vmul.f32 v51, v47  }
0x432: {  	v27 =	vmovc v52;
	v24 =	vmov v26;
	v49 =	vor.u32 v3, v31;
	v47 =	vor.u32 v1, v52;
	v51 =	vld.idx.msk [tilespmem:v54+s31+$0x0], $0xffff  }
0x433: {  	v52 =	vor.u32 v4, v16;
	v50 =	vld.idx.msk [tilespmem:v59+s31+$0x0], $0xffff;
	[tilespmem:v56+s14+$0x0] =	vst.idx.msk $0xffff, v37;
	v37 =	vmul.f32 v39, v44  }
0x434: {  	v26 =	vmovc v31;
	v31 =	vmov v48;
	v57 =	vor.u32 v9, v24;
	v56 =	vor.u32 v5, v28;
	v39 =	vld.idx.msk [tilespmem:v43+s3+$0x0], $0xffff  }
0x435: {  	v36 =	vmul.f32 v41, v36;
	v58 =	vld.idx.msk [tilespmem:v40+s3+$0x0], $0xffff;
	v40 =	vor.u32 v10, v21;
	[tilespmem:v53+s14+$0x0] =	vst.idx.msk $0xffff, v37  }
0x436: {  	v48 =	vor.u32 v0, v30;
	v53 =	vor.u32 v11, v22;
	v43 =	vld.idx.msk [tilespmem:v45+s31+$0x0], $0xffff  }
0x437: {  	v59 =	vor.u32 v2, v23;
	v37 =	vld.idx.msk [tilespmem:v47+s3+$0x0], $0xffff;
	[tilespmem:v49+s14+$0x0] =	vst.idx.msk $0xffff, v36;
	v36 =	vmul.f32 v42, v46  }
.Ltmp9:
0x438: {  	v54 =	vor.u32 v3, v32;
	v44 =	vld.idx.msk [tilespmem:v52+s3+$0x0], $0xffff;
	v52 =	vor.u32 v11, v18;
	(pc) =	sbr.rel @p1 .LBB2_15-.Ltmp9, $4  }
0x439: {  	v42 =	vmul.f32 v50, v55;
	v50 =	vor.u32 v12, v25;
	v45 =	vld.idx.msk [tilespmem:v56+s31+$0x0], $0xffff;
	[tilespmem:v57+s14+$0x0] =	vst.idx.msk $0xffff, v36  }
0x43a: {  	v46 =	vor.u32 v13, v29;
	v36 =	vor.u32 v12, v21;
	v41 =	vld.idx.msk [tilespmem:v40+s3+$0x0], $0xffff;
	v40 =	vor.u32 v11, v24  }
0x43b: {  	v55 =	vmul.f32 v51, v58;
	[tilespmem:v48+s14+$0x0] =	vst.idx.msk $0xffff, v42;
	v48 =	vor.u32 v7, v19;
	v47 =	vld.idx.msk [tilespmem:v53+s31+$0x0], $0xffff  }
0x43c: {  	v49 =	vor.u32 v8, v17;
	v51 =	vor.u32 v5, v26;
	v42 =	vor.u32 v13, v22;
	v53 =	vld.idx.msk [tilespmem:v59+s3+$0x0], $0xffff  }
0x43d: {  	_ =	sdelay $0x3  }
0x43e: {  	v38 =	vld.idx.msk [tilespmem:v38+s31+$0x0], $0xffff;
	_ =	sdelay $0x1  }
0x43f: {  	v56 =	vor.u32 v0, v31  }
0x440: {  	v57 =	vor.u32 v2, v27  }
0x441: {  	v58 =	vor.u32 v3, v33  }
0x442: {  	v37 =	vmul.f32 v38, v37;
	_ =	sdelay $0x1  }
0x443: {  	v62 =	vld.idx.msk [tilespmem:v54+s31+$0x0], $0xffff;
	[tilespmem:v56+s14+$0x0] =	vst.idx.msk $0xffff, v37  }
0x444: {  	v37 =	vld.idx.msk [tilespmem:v57+s3+$0x0], $0xffff  }
0x445: {  	v54 =	vor.u32 v3, v30;
	v56 =	vld.idx.msk [tilespmem:v58+s31+$0x0], $0xffff  }
0x446: {  	v63 =	vor.u32 v4, v23  }
0x447: {  	v60 =	vor.u32 v5, v32;
	v59 =	vor.u32 v3, v31  }
0x448: {  	v61 =	vor.u32 v4, v27;
	v38 =	vmul.f32 v62, v53  }
0x449: {  	[tilespmem:v52+s14+$0x0] =	vst.idx.msk $0xffff, v55;
	v62 =	vor.u32 v5, v33  }
0x44a: {  	v46 =	vld.idx.msk [tilespmem:v46+s31+$0x0], $0xffff;
	[tilespmem:v54+s14+$0x0] =	vst.idx.msk $0xffff, v38;
	v37 =	vmul.f32 v56, v37  }
0x44b: {  	v63 =	vld.idx.msk [tilespmem:v63+s3+$0x0], $0xffff  }
0x44c: {  	v39 =	vmul.f32 v43, v39;
	v52 =	vor.u32 v9, v20;
	v54 =	vld.idx.msk [tilespmem:v60+s31+$0x0], $0xffff;
	[tilespmem:v59+s14+$0x0] =	vst.idx.msk $0xffff, v37  }
0x44d: {  	v44 =	vmul.f32 v45, v44;
	v56 =	vld.idx.msk [tilespmem:v61+s3+$0x0], $0xffff  }
0x44e: {  	v55 =	vor.u32 v7, v28;
	[tilespmem:v48+s14+$0x0] =	vst.idx.msk $0xffff, v39;
	v57 =	vor.u32 v5, v30;
	v58 =	vld.idx.msk [tilespmem:v62+s31+$0x0], $0xffff  }
0x44f: {  	[tilespmem:v51+s14+$0x0] =	vst.idx.msk $0xffff, v44;
	v49 =	vld.idx.msk [tilespmem:v49+s3+$0x0], $0xffff;
	v60 =	vor.u32 v7, v32  }
0x450: {  	v35 =	vld.idx.msk [tilespmem:v35+s3+$0x0], $0xffff;
	v59 =	vor.u32 v6, v23;
	v61 =	vor.u32 v5, v31  }
0x451: {  	v44 =	vld.idx.msk [tilespmem:v52+s31+$0x0], $0xffff;
	v43 =	vmul.f32 v54, v63  }
0x452: {  	v38 =	vld.idx.msk [tilespmem:v50+s3+$0x0], $0xffff;
	v62 =	vor.u32 v7, v33  }
0x453: {  	v37 =	vld.idx.msk [tilespmem:v55+s31+$0x0], $0xffff;
	[tilespmem:v57+s14+$0x0] =	vst.idx.msk $0xffff, v43;
	v50 =	vmul.f32 v58, v56  }
0x454: {  	v41 =	vmul.f32 v47, v41;
	v63 =	vor.u32 v13, v18;
	v47 =	vld.idx.msk [tilespmem:v60+s31+$0x0], $0xffff  }
0x455: {  	v29 =	vor.u32 v15, v29;
	v53 =	vor.u32 v7, v26;
	v43 =	vld.idx.msk [tilespmem:v59+s3+$0x0], $0xffff;
	[tilespmem:v61+s14+$0x0] =	vst.idx.msk $0xffff, v50  }
0x456: {  	[tilespmem:v40+s14+$0x0] =	vst.idx.msk $0xffff, v41;
	v54 =	vor.u32 v9, v28;
	v34 =	vld.idx.msk [tilespmem:v34+s3+$0x0], $0xffff  }
0x457: {  	v38 =	vmul.f32 v46, v38;
	v55 =	vor.u32 v8, v16;
	v56 =	vor.u32 v7, v30;
	v40 =	vld.idx.msk [tilespmem:v62+s31+$0x0], $0xffff  }
0x458: {  	v42 =	vld.idx.msk [tilespmem:v42+s31+$0x0], $0xffff;
	v57 =	vor.u32 v8, v23;
	v35 =	vmul.f32 v37, v35  }
0x459: {  	v36 =	vld.idx.msk [tilespmem:v36+s3+$0x0], $0xffff;
	[tilespmem:v63+s14+$0x0] =	vst.idx.msk $0xffff, v38;
	v59 =	vor.u32 v7, v31;
	v58 =	vor.u32 v9, v32  }
0x45a: {  	v29 =	vld.idx.msk [tilespmem:v29+s31+$0x0], $0xffff;
	[tilespmem:v53+s14+$0x0] =	vst.idx.msk $0xffff, v35;
	v61 =	vor.u32 v9, v33;
	v60 =	vmul.f32 v47, v43  }
0x45b: {  	v25 =	vor.u32 v14, v25;
	v39 =	vld.idx.msk [tilespmem:v54+s31+$0x0], $0xffff;
	v62 =	vor.u32 v8, v27  }
0x45c: {  	v63 =	vor.u32 v9, v19;
	v46 =	vld.idx.msk [tilespmem:v55+s3+$0x0], $0xffff;
	[tilespmem:v56+s14+$0x0] =	vst.idx.msk $0xffff, v60;
	v34 =	vmul.f32 v40, v34  }
0x45d: {  	v52 =	vor.u32 v11, v20;
	v37 =	vld.idx.msk [tilespmem:v57+s3+$0x0], $0xffff  }
0x45e: {  	v53 =	vor.u32 v10, v17;
	v54 =	vor.u32 v9, v26;
	v38 =	vld.idx.msk [tilespmem:v58+s31+$0x0], $0xffff;
	[tilespmem:v59+s14+$0x0] =	vst.idx.msk $0xffff, v34  }
0x45f: {  	v55 =	vmul.f32 v44, v49;
	v56 =	vor.u32 v10, v16;
	v43 =	vld.idx.msk [tilespmem:v61+s31+$0x0], $0xffff  }
0x460: {  	v57 =	vor.u32 v11, v28;
	v58 =	vor.u32 v9, v30;
	v45 =	vld.idx.msk [tilespmem:v62+s3+$0x0], $0xffff  }
0x461: {  	v25 =	vld.idx.msk [tilespmem:v25+s3+$0x0], $0xffff;
	[tilespmem:v63+s14+$0x0] =	vst.idx.msk $0xffff, v55;
	v60 =	vor.u32 v11, v32;
	v59 =	vmul.f32 v39, v46  }
0x462: {  	v35 =	vld.idx.msk [tilespmem:v52+s31+$0x0], $0xffff;
	v61 =	vor.u32 v10, v23;
	v62 =	vor.u32 v9, v31  }
0x463: {  	v52 =	vor.u32 v10, v27;
	v40 =	vld.idx.msk [tilespmem:v53+s3+$0x0], $0xffff;
	[tilespmem:v54+s14+$0x0] =	vst.idx.msk $0xffff, v59;
	v63 =	vmul.f32 v38, v37  }
0x464: {  	v22 =	vor.u32 v15, v22;
	v53 =	vor.u32 v13, v24;
	v54 =	vor.u32 v11, v33;
	v41 =	vld.idx.msk [tilespmem:v56+s3+$0x0], $0xffff  }
0x465: {  	v55 =	vor.u32 v11, v19;
	v44 =	vld.idx.msk [tilespmem:v57+s31+$0x0], $0xffff;
	[tilespmem:v58+s14+$0x0] =	vst.idx.msk $0xffff, v63;
	v56 =	vmul.f32 v43, v45  }
0x466: {  	v36 =	vmul.f32 v42, v36;
	v57 =	vor.u32 v12, v17;
	v39 =	vld.idx.msk [tilespmem:v60+s31+$0x0], $0xffff  }
0x467: {  	v59 =	vor.u32 v11, v26;
	v58 =	vor.u32 v13, v20;
	v46 =	vld.idx.msk [tilespmem:v61+s3+$0x0], $0xffff;
	[tilespmem:v62+s14+$0x0] =	vst.idx.msk $0xffff, v56  }
0x468: {  	v60 =	vmul.f32 v35, v40;
	v61 =	vor.u32 v13, v28;
	v37 =	vld.idx.msk [tilespmem:v52+s3+$0x0], $0xffff  }
0x469: {  	[tilespmem:v53+s14+$0x0] =	vst.idx.msk $0xffff, v36;
	v63 =	vor.u32 v11, v30;
	v62 =	vor.u32 v12, v16;
	v49 =	vld.idx.msk [tilespmem:v54+s31+$0x0], $0xffff  }
0x46a: {  	v51 =	vor.u32 v12, v23;
	v22 =	vld.idx.msk [tilespmem:v22+s31+$0x0], $0xffff;
	[tilespmem:v55+s14+$0x0] =	vst.idx.msk $0xffff, v60;
	v50 =	vmul.f32 v44, v41  }
0x46b: {  	v53 =	vor.u32 v11, v31;
	v42 =	vld.idx.msk [tilespmem:v57+s3+$0x0], $0xffff;
	v52 =	vor.u32 v13, v32  }
0x46c: {  	v55 =	vor.u32 v13, v33;
	v43 =	vld.idx.msk [tilespmem:v58+s31+$0x0], $0xffff;
	[tilespmem:v59+s14+$0x0] =	vst.idx.msk $0xffff, v50;
	v54 =	vmul.f32 v39, v46  }
0x46d: {  	v21 =	vor.u32 v14, v21;
	v56 =	vor.u32 v12, v27;
	v35 =	vld.idx.msk [tilespmem:v61+s31+$0x0], $0xffff  }
0x46e: {  	v57 =	vor.u32 v13, v19;
	v36 =	vld.idx.msk [tilespmem:v62+s3+$0x0], $0xffff;
	[tilespmem:v63+s14+$0x0] =	vst.idx.msk $0xffff, v54;
	v58 =	vmul.f32 v49, v37  }
0x46f: {  	v59 =	vor.u32 v15, v20;
	v60 =	vld.idx.msk [tilespmem:v51+s3+$0x0], $0xffff  }
0x470: {  	v17 =	vor.u32 v14, v17;
	v61 =	vor.u32 v13, v26;
	v62 =	vld.idx.msk [tilespmem:v52+s31+$0x0], $0xffff;
	[tilespmem:v53+s14+$0x0] =	vst.idx.msk $0xffff, v58  }
0x471: {  	v63 =	vor.u32 v15, v28;
	v47 =	vmul.f32 v43, v42;
	v39 =	vld.idx.msk [tilespmem:v55+s31+$0x0], $0xffff  }
0x472: {  	v48 =	vor.u32 v13, v30;
	v16 =	vor.u32 v14, v16;
	v49 =	vld.idx.msk [tilespmem:v56+s3+$0x0], $0xffff  }
0x473: {  	v21 =	vld.idx.msk [tilespmem:v21+s3+$0x0], $0xffff;
	v51 =	vor.u32 v15, v32;
	[tilespmem:v57+s14+$0x0] =	vst.idx.msk $0xffff, v47;
	v50 =	vmul.f32 v35, v36  }
0x474: {  	v52 =	vor.u32 v13, v31;
	v53 =	vor.u32 v14, v23;
	v20 =	vld.idx.msk [tilespmem:v59+s31+$0x0], $0xffff  }
0x475: {  	v54 =	vor.u32 v15, v33;
	v17 =	vld.idx.msk [tilespmem:v17+s3+$0x0], $0xffff;
	v55 =	vmul.f32 v62, v60;
	[tilespmem:v61+s14+$0x0] =	vst.idx.msk $0xffff, v50  }
0x476: {  	v56 =	vor.u32 v14, v27;
	v28 =	vld.idx.msk [tilespmem:v63+s31+$0x0], $0xffff  }
0x477: {  	v16 =	vld.idx.msk [tilespmem:v16+s3+$0x0], $0xffff;
	[tilespmem:v48+s14+$0x0] =	vst.idx.msk $0xffff, v55;
	v57 =	vmul.f32 v39, v49  }
0x478: {  	v58 =	vor.u32 v15, v18;
	v32 =	vld.idx.msk [tilespmem:v51+s31+$0x0], $0xffff  }
0x479: {  	v59 =	vor.u32 v15, v24;
	v23 =	vld.idx.msk [tilespmem:v53+s3+$0x0], $0xffff;
	[tilespmem:v52+s14+$0x0] =	vst.idx.msk $0xffff, v57  }
0x47a: {  	v60 =	vor.u32 v15, v19;
	v33 =	vld.idx.msk [tilespmem:v54+s31+$0x0], $0xffff  }
0x47b: {  	v25 =	vmul.f32 v29, v25;
	v61 =	vor.u32 v15, v26;
	v27 =	vld.idx.msk [tilespmem:v56+s3+$0x0], $0xffff  }
0x47c: {  	v21 =	vmul.f32 v22, v21;
	v62 =	vor.u32 v15, v30  }
0x47d: {  	[tilespmem:v58+s14+$0x0] =	vst.idx.msk $0xffff, v25;
	v63 =	vor.u32 v15, v31;
	v17 =	vmul.f32 v20, v17  }
0x47e: {  	[tilespmem:v59+s14+$0x0] =	vst.idx.msk $0xffff, v21;
	v16 =	vmul.f32 v28, v16  }
0x47f: {  	[tilespmem:v60+s14+$0x0] =	vst.idx.msk $0xffff, v17;
	v17 =	vmul.f32 v32, v23  }
0x480: {  	[tilespmem:v61+s14+$0x0] =	vst.idx.msk $0xffff, v16;
	v16 =	vmul.f32 v33, v27  }
0x481: {  	[tilespmem:v62+s14+$0x0] =	vst.idx.msk $0xffff, v17  }
0x482: {  	[tilespmem:v63+s14+$0x0] =	vst.idx.msk $0xffff, v16  }
0x483: {  	s2 =	rddreg [dreg:$0x15]  }
0x484: {  	[hbm4b:s2+s3] =	stream.linear.scatter [tilespmem:s14], [sflag:$0x9], $0x4000, $0x38;
	[tilespmem:$0x1A200] =	vst v63  }
0x485: {  	_ =	swait.ge [sflag:s13], $0x4000  }
.Ltmp10:
0x486: {  	[sflag:s13] =	ssyncset.done $0x0;
	(pc) =	sbr.rel @p0 .LBB2_20-.Ltmp10, $4  }
0x487: {  	[sflag:s13] =	ssyncadd.s32 $0xFFFFC000  }
0x488: {  	_ =	swait.ge [sflag:s30], $0x4000  }
0x489: {  	[sflag:s30] =	ssyncset.done $0x0  }
0x48a: {  	s15 =	rddreg [dreg:$0x18];
	[sflag:s30] =	ssyncadd.s32 $0xFFFFC000  }
0x48b: {  	s2 =	simm.s32 $0x0;
	s15 =	rddreg [dreg:$0x3];
	s19 =	simm.s32 $0xB  }
0x48c: {  	[tilespmem:s1], [sflag:$0xB] =	stream.linear.gather [hbm4b:s15+s2], $0x4000, $0x38;
	[tilespmem:$0x1A200] =	vst v63  }
0x48d: {  	v16 =	vadd.s32 s2, v0;
	_ =	swait.ge [sflag:s19], $0x4000  }
0x48e: {  	s28 =	sand.u32 $0x70, s2;
	v16 =	vand.u32 $0xF, v16;
	[sflag:s19] =	ssyncset.done $0x0  }
0x48f: {  	v25 =	vor.u32 s28, v16;
	s16 =	rddreg [dreg:$0x4];
	[sflag:s19] =	ssyncadd.s32 $0xFFFFC000  }
0x490: {  	[tilespmem:s6], [sflag:$0xB] =	stream.linear.gather [hbm4b:s16+s2], $0x80, $0x38;
	[tilespmem:$0x1A200] =	vst v63  }
0x491: {  	_ =	swait.ge [sflag:s19], $0x80  }
0x492: {  	[sflag:s19] =	ssyncset.done $0x0  }
0x493: {  	[sflag:s19] =	ssyncadd.s32 $0xFFFFFF80  }
0x494: {  	v16 =	vld.idx.msk [tilespmem:v25+s6+$0x0], $0xffff;
	_ =	sdelay $0x3  }
0x495: {  	s16 =	simm.s32 $0x1  }
0x496: {  	v17 =	vadd.s32 s16, v0;
	vm0 =	vgt.s32 v16, $0x0  }
0x497: {  	v17 =	vand.u32 $0xF, v17;
	v16 =	vnsel vm0, $0x0, v16  }
0x498: {  	v21 =	vor.u32 s28, v17;
	v16 =	vmin.u32 v16, $0x3F  }
0x499: {  	v17 =	vor.u32 v1, v25;
	v29 =	vshll.u32 v16, $0x7  }
0x49a: {  	v16 =	vor.u32 v0, v29;
	_ =	sdelay $0x2  }
0x49b: {  	v19 =	vld.idx.msk [tilespmem:v21+s6+$0x0], $0xffff  }
0x49c: {  	v17 =	vld.idx.msk [tilespmem:v17+s1+$0x0], $0xffff  }
0x49d: {  	v16 =	vld.idx.msk [tilespmem:v16+s31+$0x0], $0xffff  }
0x49e: {  	v18 =	vshll.u32 v25, $0x7  }
0x49f: {  	v20 =	vor.u32 v0, v18;
	s19 =	simm.s32 $0x2  }
0x4a0: {  	v23 =	vor.u32 v2, v25;
	v22 =	vadd.s32 s19, v0;
	vm11 =	vgt.s32 v19, $0x0  }
0x4a1: {  	s2 =	sand.u32 $0x70, s19;
	v22 =	vand.u32 $0xF, v22;
	v24 =	vor.u32 v3, v29;
	v19 =	vnsel vm11, $0x0, v19  }
0x4a2: {  	v19 =	vmin.u32 v19, $0x3F;
	v16 =	vmul.f32 v16, v17;
	v17 =	vor.u32 s2, v22  }
0x4a3: {  	v22 =	vshll.u32 v19, $0x7;
	v19 =	vor.u32 v1, v21  }
0x4a4: {  	v26 =	vor.u32 v0, v22;
	[tilespmem:v20+s18+$0x0] =	vst.idx.msk $0xffff, v16  }
0x4a5: {  	v20 =	vld.idx.msk [tilespmem:v23+s1+$0x0], $0xffff  }
0x4a6: {  	v23 =	vld.idx.msk [tilespmem:v24+s31+$0x0], $0xffff  }
0x4a7: {  	v27 =	vld.idx.msk [tilespmem:v17+s6+$0x0], $0xffff  }
0x4a8: {  	v19 =	vld.idx.msk [tilespmem:v19+s1+$0x0], $0xffff  }
0x4a9: {  	v28 =	vor.u32 v3, v18;
	v26 =	vld.idx.msk [tilespmem:v26+s31+$0x0], $0xffff  }
0x4aa: {  	v30 =	vor.u32 v4, v25;
	v24 =	vshll.u32 v21, $0x7  }
0x4ab: {  	v31 =	vor.u32 v5, v29;
	v32 =	vor.u32 v0, v24  }
0x4ac: {  	s21 =	simm.s32 $0x3;
	v20 =	vmul.f32 v23, v20;
	v23 =	vor.u32 v2, v21  }
0x4ad: {  	v33 =	vor.u32 v3, v22;
	v16 =	vadd.s32 s21, v0  }
0x4ae: {  	v16 =	vand.u32 $0xF, v16;
	vm12 =	vgt.s32 v27, $0x0;
	[tilespmem:v28+s18+$0x0] =	vst.idx.msk $0xffff, v20;
	v19 =	vmul.f32 v26, v19  }
0x4af: {  	v16 =	vor.u32 s2, v16;
	v27 =	vnsel vm12, $0x0, v27;
	v26 =	vld.idx.msk [tilespmem:v30+s1+$0x0], $0xffff  }
0x4b0: {  	v28 =	vld.idx.msk [tilespmem:v31+s31+$0x0], $0xffff;
	v20 =	vmin.u32 v27, $0x3F;
	[tilespmem:v32+s18+$0x0] =	vst.idx.msk $0xffff, v19  }
0x4b1: {  	v27 =	vor.u32 v1, v17;
	v20 =	vshll.u32 v20, $0x7;
	v23 =	vld.idx.msk [tilespmem:v23+s1+$0x0], $0xffff  }
0x4b2: {  	v19 =	vor.u32 v0, v20;
	v31 =	vld.idx.msk [tilespmem:v33+s31+$0x0], $0xffff  }
0x4b3: {  	v30 =	vor.u32 v5, v18  }
0x4b4: {  	v35 =	vor.u32 v3, v24;
	v34 =	vld.idx.msk [tilespmem:v16+s6+$0x0], $0xffff  }
0x4b5: {  	v37 =	vor.u32 v4, v21  }
0x4b6: {  	v38 =	vor.u32 v5, v22;
	v26 =	vmul.f32 v28, v26;
	v27 =	vld.idx.msk [tilespmem:v27+s1+$0x0], $0xffff  }
0x4b7: {  	v36 =	vld.idx.msk [tilespmem:v19+s31+$0x0], $0xffff;
	v23 =	vmul.f32 v31, v23  }
0x4b8: {  	v60 =	vor.u32 v6, v25;
	[tilespmem:v30+s18+$0x0] =	vst.idx.msk $0xffff, v26;
	v19 =	vshll.u32 v17, $0x7  }
0x4b9: {  	v61 =	vor.u32 v7, v29;
	vm13 =	vgt.s32 v34, $0x0;
	v26 =	vor.u32 v0, v19;
	[tilespmem:v35+s18+$0x0] =	vst.idx.msk $0xffff, v23  }
0x4ba: {  	v28 =	vnsel vm13, $0x0, v34;
	v31 =	vor.u32 v2, v17;
	v35 =	vld.idx.msk [tilespmem:v37+s1+$0x0], $0xffff  }
0x4bb: {  	v63 =	vor.u32 v3, v20;
	v28 =	vmin.u32 v28, $0x3F;
	v46 =	vld.idx.msk [tilespmem:v38+s31+$0x0], $0xffff  }
0x4bc: {  	v44 =	vor.u32 v1, v16;
	v28 =	vshll.u32 v28, $0x7;
	v23 =	vmul.f32 v36, v27  }
0x4bd: {  	s22 =	simm.s32 $0x4;
	v39 =	vor.u32 v5, v24;
	v30 =	vld.idx.msk [tilespmem:v60+s1+$0x0], $0xffff;
	v45 =	vor.u32 v0, v28  }
0x4be: {  	v40 =	vor.u32 v6, v21;
	v62 =	vld.idx.msk [tilespmem:v61+s31+$0x0], $0xffff;
	v27 =	vadd.s32 s22, v0;
	[tilespmem:v26+s18+$0x0] =	vst.idx.msk $0xffff, v23  }
0x4bf: {  	v48 =	vor.u32 v7, v22;
	s2 =	sand.u32 $0x70, s22;
	v27 =	vand.u32 $0xF, v27;
	v31 =	vld.idx.msk [tilespmem:v31+s1+$0x0], $0xffff  }
0x4c0: {  	v26 =	vor.u32 v7, v18;
	v23 =	vor.u32 s2, v27;
	v33 =	vld.idx.msk [tilespmem:v63+s31+$0x0], $0xffff;
	v35 =	vmul.f32 v46, v35  }
0x4c1: {  	v47 =	vor.u32 v8, v25;
	v34 =	vld.idx.msk [tilespmem:v44+s1+$0x0], $0xffff  }
0x4c2: {  	s28 =	simm.s32 $0x5;
	v49 =	vor.u32 v3, v19;
	v36 =	vld.idx.msk [tilespmem:v45+s31+$0x0], $0xffff;
	v53 =	vor.u32 v1, v23;
	[tilespmem:v39+s18+$0x0] =	vst.idx.msk $0xffff, v35  }
0x4c3: {  	v50 =	vor.u32 v4, v17;
	v30 =	vmul.f32 v62, v30;
	v27 =	vadd.s32 s28, v0;
	v39 =	vld.idx.msk [tilespmem:v40+s1+$0x0], $0xffff  }
0x4c4: {  	v51 =	vor.u32 v5, v20;
	v27 =	vand.u32 $0xF, v27;
	v32 =	vld.idx.msk [tilespmem:v48+s31+$0x0], $0xffff  }
0x4c5: {  	v27 =	vor.u32 s2, v27;
	[tilespmem:v26+s18+$0x0] =	vst.idx.msk $0xffff, v30;
	v41 =	vld.idx.msk [tilespmem:v23+s6+$0x0], $0xffff;
	v31 =	vmul.f32 v33, v31  }
0x4c6: {  	v30 =	vor.u32 v9, v29;
	v26 =	vshll.u32 v16, $0x7;
	v38 =	vld.idx.msk [tilespmem:v47+s1+$0x0], $0xffff  }
0x4c7: {  	v52 =	vor.u32 v0, v26;
	v47 =	vld.idx.msk [tilespmem:v53+s1+$0x0], $0xffff;
	[tilespmem:v49+s18+$0x0] =	vst.idx.msk $0xffff, v31  }
0x4c8: {  	v42 =	vor.u32 v2, v16;
	v44 =	vld.idx.msk [tilespmem:v50+s1+$0x0], $0xffff  }
0x4c9: {  	v54 =	vor.u32 v7, v24;
	v55 =	vor.u32 v3, v28;
	v33 =	vld.idx.msk [tilespmem:v51+s31+$0x0], $0xffff  }
0x4ca: {  	v45 =	vor.u32 v8, v21;
	v43 =	vld.idx.msk [tilespmem:v27+s6+$0x0], $0xffff;
	v31 =	vmul.f32 v36, v34;
	vm14 =	vgt.s32 v41, $0x0  }
0x4cb: {  	v60 =	vor.u32 v5, v19;
	v46 =	vor.u32 v9, v22;
	v30 =	vld.idx.msk [tilespmem:v30+s31+$0x0], $0xffff;
	v56 =	vnsel vm14, $0x0, v41  }
0x4cc: {  	v49 =	vor.u32 v6, v17;
	v59 =	vmul.f32 v32, v39;
	[tilespmem:v52+s18+$0x0] =	vst.idx.msk $0xffff, v31;
	v31 =	vmin.u32 v56, $0x3F  }
0x4cd: {  	v57 =	vor.u32 v9, v18;
	v41 =	vor.u32 v7, v20;
	v42 =	vld.idx.msk [tilespmem:v42+s1+$0x0], $0xffff;
	v32 =	vshll.u32 v31, $0x7  }
0x4ce: {  	[tilespmem:v54+s18+$0x0] =	vst.idx.msk $0xffff, v59;
	v37 =	vld.idx.msk [tilespmem:v55+s31+$0x0], $0xffff;
	v48 =	vor.u32 v0, v32;
	v33 =	vmul.f32 v33, v44  }
0x4cf: {  	v58 =	vor.u32 v11, v29;
	v61 =	vor.u32 v10, v25;
	v63 =	vor.u32 v4, v16;
	v44 =	vld.idx.msk [tilespmem:v45+s1+$0x0], $0xffff  }
0x4d0: {  	v35 =	vor.u32 v6, v16;
	v31 =	vmul.f32 v30, v38;
	v38 =	vld.idx.msk [tilespmem:v46+s31+$0x0], $0xffff;
	[tilespmem:v60+s18+$0x0] =	vst.idx.msk $0xffff, v33  }
0x4d1: {  	v62 =	vor.u32 v3, v26;
	vm15 =	vgt.s32 v43, $0x0;
	v45 =	vor.u32 v1, v27;
	v39 =	vld.idx.msk [tilespmem:v49+s1+$0x0], $0xffff  }
0x4d2: {  	v53 =	vor.u32 v9, v24;
	v34 =	vor.u32 v6, v27;
	v59 =	vnsel vm15, $0x0, v43;
	v43 =	vld.idx.msk [tilespmem:v41+s31+$0x0], $0xffff  }
0x4d3: {  	v36 =	vor.u32 v12, v21;
	v60 =	vor.u32 v5, v28;
	[tilespmem:v57+s18+$0x0] =	vst.idx.msk $0xffff, v31;
	v40 =	vld.idx.msk [tilespmem:v48+s31+$0x0], $0xffff  }
0x4d4: {  	v30 =	vshll.u32 v23, $0x7;
	v42 =	vmul.f32 v37, v42;
	v55 =	vld.idx.msk [tilespmem:v61+s1+$0x0], $0xffff;
	v61 =	vor.u32 v10, v21  }
0x4d5: {  	v50 =	vor.u32 v12, v25;
	v56 =	vor.u32 v0, v30;
	v57 =	vor.u32 v11, v22;
	v51 =	vld.idx.msk [tilespmem:v58+s31+$0x0], $0xffff  }
0x4d6: {  	v58 =	vor.u32 v2, v23;
	v37 =	vld.idx.msk [tilespmem:v45+s1+$0x0], $0xffff;
	[tilespmem:v62+s18+$0x0] =	vst.idx.msk $0xffff, v42;
	v62 =	vmul.f32 v38, v44  }
0x4d7: {  	v52 =	vor.u32 v11, v18;
	v54 =	vor.u32 v3, v32;
	v46 =	vor.u32 v13, v29;
	v44 =	vld.idx.msk [tilespmem:v63+s1+$0x0], $0xffff  }
0x4d8: {  	v33 =	vmin.u32 v59, $0x3F;
	v31 =	vshll.u32 v27, $0x7;
	v45 =	vld.idx.msk [tilespmem:v60+s31+$0x0], $0xffff;
	[tilespmem:v53+s18+$0x0] =	vst.idx.msk $0xffff, v62;
	v63 =	vmul.f32 v40, v47  }
0x4d9: {  	v33 =	vshll.u32 v33, $0x7;
	v49 =	vor.u32 v8, v17;
	v48 =	vor.u32 v7, v19;
	v41 =	vld.idx.msk [tilespmem:v61+s1+$0x0], $0xffff  }
0x4da: {  	v42 =	vor.u32 v13, v22;
	v38 =	vor.u32 v0, v33;
	v47 =	vld.idx.msk [tilespmem:v57+s31+$0x0], $0xffff;
	[tilespmem:v56+s18+$0x0] =	vst.idx.msk $0xffff, v63  }
0x4db: {  	s15 =	simm.s32 $0x6;
	v55 =	vmul.f32 v51, v55;
	v51 =	vor.u32 v5, v26;
	v40 =	vor.u32 v11, v24;
	v53 =	vld.idx.msk [tilespmem:v58+s1+$0x0], $0xffff  }
.LBB2_18:
0x4dc: {  	s2 =	sadd.s32 $0x1, s15  }
0x4dd: {  	v56 =	vadd.s32 s15, v0;
	p1 =	slt.u32 s15, $0x7E;
	v54 =	vld.idx.msk [tilespmem:v54+s31+$0x0], $0xffff;
	v39 =	vmul.f32 v43, v39;
	[tilespmem:v52+s18+$0x0] =	vst.idx.msk $0xffff, v55;
	s16 =	smov.u32 s15;
	s15 =	sadd.s32 $0x2, s15  }
0x4de: {  	v55 =	vor.u32 v7, v28;
	s16 =	sand.u32 $0x70, s16;
	v43 =	vand.u32 $0xF, v56;
	v52 =	vadd.s32 s2, v0;
	v50 =	vld.idx.msk [tilespmem:v50+s1+$0x0], $0xffff  }
0x4df: {  	v44 =	vmul.f32 v45, v44;
	v43 =	vor.u32 s16, v43;
	v52 =	vand.u32 $0xF, v52;
	v45 =	vld.idx.msk [tilespmem:v46+s31+$0x0], $0xffff  }
0x4e0: {  	v46 =	vshll.u32 v43, $0x7;
	v52 =	vor.u32 s16, v52;
	v38 =	vld.idx.msk [tilespmem:v38+s31+$0x0], $0xffff;
	[tilespmem:v48+s18+$0x0] =	vst.idx.msk $0xffff, v39;
	v39 =	vor.u32 v15, v22  }
0x4e1: {  	v41 =	vmul.f32 v47, v41;
	v22 =	vmov v28;
	v48 =	vshll.u32 v52, $0x7;
	v49 =	vld.idx.msk [tilespmem:v49+s1+$0x0], $0xffff;
	[tilespmem:v51+s18+$0x0] =	vst.idx.msk $0xffff, v44  }
0x4e2: {  	v47 =	vor.u32 v13, v18;
	v28 =	vor.u32 v6, v52;
	v51 =	vor.u32 v15, v29;
	v44 =	vld.idx.msk [tilespmem:v35+s1+$0x0], $0xffff  }
0x4e3: {  	v53 =	vmul.f32 v54, v53;
	v54 =	vor.u32 v3, v30;
	v55 =	vld.idx.msk [tilespmem:v55+s31+$0x0], $0xffff;
	[tilespmem:v40+s18+$0x0] =	vst.idx.msk $0xffff, v41  }
0x4e4: {  	v29 =	vmovc v20;
	v20 =	vmovc v32;
	v35 =	vmov v34;
	v34 =	vmov v28;
	v40 =	vor.u32 v4, v23;
	v41 =	vld.idx.msk [tilespmem:v42+s31+$0x0], $0xffff  }
0x4e5: {  	v32 =	vor.u32 v9, v29;
	v42 =	vmul.f32 v45, v50;
	v28 =	vmov v33;
	v36 =	vld.idx.msk [tilespmem:v36+s1+$0x0], $0xffff  }
0x4e6: {  	v56 =	vor.u32 v15, v18;
	v45 =	vor.u32 v5, v20;
	v50 =	vor.u32 v0, v31;
	v33 =	vld.idx.msk [tilespmem:v43+s6+$0x0], $0xffff  }
0x4e7: {  	v57 =	vor.u32 v2, v27;
	v18 =	vld.idx.msk [tilespmem:v52+s6+$0x0], $0xffff;
	[tilespmem:v47+s18+$0x0] =	vst.idx.msk $0xffff, v42;
	v42 =	vor.u32 v13, v24  }
0x4e8: {  	v47 =	vor.u32 v14, v25;
	[tilespmem:v54+s18+$0x0] =	vst.idx.msk $0xffff, v53;
	v51 =	vld.idx.msk [tilespmem:v51+s31+$0x0], $0xffff;
	v53 =	vor.u32 v15, v24  }
0x4e9: {  	v21 =	vor.u32 v14, v21;
	v60 =	vmul.f32 v38, v37;
	v37 =	vor.u32 v8, v16;
	v24 =	vld.idx.msk [tilespmem:v40+s1+$0x0], $0xffff  }
0x4ea: {  	v58 =	vor.u32 v7, v26;
	v54 =	vor.u32 v11, v29;
	v40 =	vor.u32 v9, v19;
	v38 =	vld.idx.msk [tilespmem:v32+s31+$0x0], $0xffff  }
0x4eb: {  	v59 =	vor.u32 v1, v43;
	v32 =	vmul.f32 v41, v36;
	v45 =	vld.idx.msk [tilespmem:v45+s31+$0x0], $0xffff;
	[tilespmem:v50+s18+$0x0] =	vst.idx.msk $0xffff, v60  }
0x4ec: {  	v25 =	vmovc v17;
	v41 =	vor.u32 v3, v28;
	vm0 =	vgt.s32 v33, $0x0;
	v50 =	vor.u32 v9, v22;
	v36 =	vld.idx.msk [tilespmem:v57+s1+$0x0], $0xffff  }
0x4ed: {  	v33 =	vnsel vm0, $0x0, v33;
	vm0 =	vgt.s32 v18, $0x0;
	v57 =	vor.u32 v5, v30;
	v47 =	vld.idx.msk [tilespmem:v47+s1+$0x0], $0xffff;
	[tilespmem:v42+s18+$0x0] =	vst.idx.msk $0xffff, v32  }
0x4ee: {  	v17 =	vmovc v23;
	v23 =	vmovc v43;
	v32 =	vmin.u32 v33, $0x3F;
	v60 =	vnsel vm0, $0x0, v18;
	v42 =	vmul.f32 v55, v44;
	v39 =	vld.idx.msk [tilespmem:v39+s31+$0x0], $0xffff  }
0x4ef: {  	v43 =	vor.u32 v6, v17;
	v18 =	vmovc v19;
	v19 =	vmovc v30;
	v32 =	vshll.u32 v32, $0x7;
	v33 =	vmin.u32 v60, $0x3F;
	v44 =	vld.idx.msk [tilespmem:v21+s1+$0x0], $0xffff  }
0x4f0: {  	v30 =	vmovc v46;
	v33 =	vshll.u32 v33, $0x7;
	v49 =	vmul.f32 v38, v49;
	v55 =	vld.idx.msk [tilespmem:v59+s1+$0x0], $0xffff;
	v59 =	vor.u32 v0, v32  }
0x4f1: {  	v38 =	vor.u32 v0, v33;
	v60 =	vmul.f32 v45, v24;
	v41 =	vld.idx.msk [tilespmem:v41+s31+$0x0], $0xffff;
	[tilespmem:v58+s18+$0x0] =	vst.idx.msk $0xffff, v42  }
0x4f2: {  	v21 =	vmov v16;
	v16 =	vmov v27;
	[tilespmem:v40+s18+$0x0] =	vst.idx.msk $0xffff, v49;
	v40 =	vor.u32 v10, v25;
	v42 =	vld.idx.msk [tilespmem:v50+s31+$0x0], $0xffff  }
0x4f3: {  	v45 =	vor.u32 v7, v20;
	[tilespmem:v57+s18+$0x0] =	vst.idx.msk $0xffff, v60;
	v46 =	vld.idx.msk [tilespmem:v37+s1+$0x0], $0xffff;
	v37 =	vmul.f32 v51, v47  }
0x4f4: {  	v27 =	vmovc v52;
	v24 =	vmov v26;
	v49 =	vor.u32 v3, v31;
	v47 =	vor.u32 v1, v52;
	v51 =	vld.idx.msk [tilespmem:v54+s31+$0x0], $0xffff  }
0x4f5: {  	v52 =	vor.u32 v4, v16;
	v50 =	vld.idx.msk [tilespmem:v59+s31+$0x0], $0xffff;
	[tilespmem:v56+s18+$0x0] =	vst.idx.msk $0xffff, v37;
	v37 =	vmul.f32 v39, v44  }
0x4f6: {  	v26 =	vmovc v31;
	v31 =	vmov v48;
	v57 =	vor.u32 v9, v24;
	v56 =	vor.u32 v5, v28;
	v39 =	vld.idx.msk [tilespmem:v43+s1+$0x0], $0xffff  }
0x4f7: {  	v36 =	vmul.f32 v41, v36;
	v58 =	vld.idx.msk [tilespmem:v40+s1+$0x0], $0xffff;
	v40 =	vor.u32 v10, v21;
	[tilespmem:v53+s18+$0x0] =	vst.idx.msk $0xffff, v37  }
0x4f8: {  	v48 =	vor.u32 v0, v30;
	v53 =	vor.u32 v11, v22;
	v43 =	vld.idx.msk [tilespmem:v45+s31+$0x0], $0xffff  }
0x4f9: {  	v59 =	vor.u32 v2, v23;
	v37 =	vld.idx.msk [tilespmem:v47+s1+$0x0], $0xffff;
	[tilespmem:v49+s18+$0x0] =	vst.idx.msk $0xffff, v36;
	v36 =	vmul.f32 v42, v46  }
.Ltmp11:
0x4fa: {  	v54 =	vor.u32 v3, v32;
	v44 =	vld.idx.msk [tilespmem:v52+s1+$0x0], $0xffff;
	v52 =	vor.u32 v11, v18;
	(pc) =	sbr.rel @p1 .LBB2_18-.Ltmp11, $4  }
0x4fb: {  	v42 =	vmul.f32 v50, v55;
	v50 =	vor.u32 v12, v25;
	v45 =	vld.idx.msk [tilespmem:v56+s31+$0x0], $0xffff;
	[tilespmem:v57+s18+$0x0] =	vst.idx.msk $0xffff, v36  }
0x4fc: {  	v46 =	vor.u32 v13, v29;
	v36 =	vor.u32 v12, v21;
	v41 =	vld.idx.msk [tilespmem:v40+s1+$0x0], $0xffff;
	v40 =	vor.u32 v11, v24  }
0x4fd: {  	v55 =	vmul.f32 v51, v58;
	[tilespmem:v48+s18+$0x0] =	vst.idx.msk $0xffff, v42;
	v48 =	vor.u32 v7, v19;
	v47 =	vld.idx.msk [tilespmem:v53+s31+$0x0], $0xffff  }
0x4fe: {  	v49 =	vor.u32 v8, v17;
	v51 =	vor.u32 v5, v26;
	v42 =	vor.u32 v13, v22;
	v53 =	vld.idx.msk [tilespmem:v59+s1+$0x0], $0xffff  }
0x4ff: {  	_ =	sdelay $0x3  }
0x500: {  	v38 =	vld.idx.msk [tilespmem:v38+s31+$0x0], $0xffff;
	_ =	sdelay $0x1  }
0x501: {  	v56 =	vor.u32 v0, v31  }
0x502: {  	v57 =	vor.u32 v2, v27  }
0x503: {  	v58 =	vor.u32 v3, v33  }
0x504: {  	v37 =	vmul.f32 v38, v37;
	_ =	sdelay $0x1  }
0x505: {  	v62 =	vld.idx.msk [tilespmem:v54+s31+$0x0], $0xffff;
	[tilespmem:v56+s18+$0x0] =	vst.idx.msk $0xffff, v37  }
0x506: {  	v37 =	vld.idx.msk [tilespmem:v57+s1+$0x0], $0xffff  }
0x507: {  	v54 =	vor.u32 v3, v30;
	v56 =	vld.idx.msk [tilespmem:v58+s31+$0x0], $0xffff  }
0x508: {  	v63 =	vor.u32 v4, v23  }
0x509: {  	v60 =	vor.u32 v5, v32;
	v59 =	vor.u32 v3, v31  }
0x50a: {  	v61 =	vor.u32 v4, v27;
	v38 =	vmul.f32 v62, v53  }
0x50b: {  	[tilespmem:v52+s18+$0x0] =	vst.idx.msk $0xffff, v55;
	v62 =	vor.u32 v5, v33  }
0x50c: {  	v46 =	vld.idx.msk [tilespmem:v46+s31+$0x0], $0xffff;
	[tilespmem:v54+s18+$0x0] =	vst.idx.msk $0xffff, v38;
	v37 =	vmul.f32 v56, v37  }
0x50d: {  	v63 =	vld.idx.msk [tilespmem:v63+s1+$0x0], $0xffff  }
0x50e: {  	v39 =	vmul.f32 v43, v39;
	v52 =	vor.u32 v9, v20;
	v54 =	vld.idx.msk [tilespmem:v60+s31+$0x0], $0xffff;
	[tilespmem:v59+s18+$0x0] =	vst.idx.msk $0xffff, v37  }
0x50f: {  	v44 =	vmul.f32 v45, v44;
	v56 =	vld.idx.msk [tilespmem:v61+s1+$0x0], $0xffff  }
0x510: {  	v55 =	vor.u32 v7, v28;
	[tilespmem:v48+s18+$0x0] =	vst.idx.msk $0xffff, v39;
	v57 =	vor.u32 v5, v30;
	v58 =	vld.idx.msk [tilespmem:v62+s31+$0x0], $0xffff  }
0x511: {  	[tilespmem:v51+s18+$0x0] =	vst.idx.msk $0xffff, v44;
	v49 =	vld.idx.msk [tilespmem:v49+s1+$0x0], $0xffff;
	v60 =	vor.u32 v7, v32  }
0x512: {  	v35 =	vld.idx.msk [tilespmem:v35+s1+$0x0], $0xffff;
	v59 =	vor.u32 v6, v23;
	v61 =	vor.u32 v5, v31  }
0x513: {  	v44 =	vld.idx.msk [tilespmem:v52+s31+$0x0], $0xffff;
	v43 =	vmul.f32 v54, v63  }
0x514: {  	v38 =	vld.idx.msk [tilespmem:v50+s1+$0x0], $0xffff;
	v62 =	vor.u32 v7, v33  }
0x515: {  	v37 =	vld.idx.msk [tilespmem:v55+s31+$0x0], $0xffff;
	[tilespmem:v57+s18+$0x0] =	vst.idx.msk $0xffff, v43;
	v50 =	vmul.f32 v58, v56  }
0x516: {  	v41 =	vmul.f32 v47, v41;
	v63 =	vor.u32 v13, v18;
	v47 =	vld.idx.msk [tilespmem:v60+s31+$0x0], $0xffff  }
0x517: {  	v29 =	vor.u32 v15, v29;
	v53 =	vor.u32 v7, v26;
	v43 =	vld.idx.msk [tilespmem:v59+s1+$0x0], $0xffff;
	[tilespmem:v61+s18+$0x0] =	vst.idx.msk $0xffff, v50  }
0x518: {  	[tilespmem:v40+s18+$0x0] =	vst.idx.msk $0xffff, v41;
	v54 =	vor.u32 v9, v28;
	v34 =	vld.idx.msk [tilespmem:v34+s1+$0x0], $0xffff  }
0x519: {  	v38 =	vmul.f32 v46, v38;
	v55 =	vor.u32 v8, v16;
	v56 =	vor.u32 v7, v30;
	v40 =	vld.idx.msk [tilespmem:v62+s31+$0x0], $0xffff  }
0x51a: {  	v42 =	vld.idx.msk [tilespmem:v42+s31+$0x0], $0xffff;
	v57 =	vor.u32 v8, v23;
	v35 =	vmul.f32 v37, v35  }
0x51b: {  	v36 =	vld.idx.msk [tilespmem:v36+s1+$0x0], $0xffff;
	[tilespmem:v63+s18+$0x0] =	vst.idx.msk $0xffff, v38;
	v59 =	vor.u32 v7, v31;
	v58 =	vor.u32 v9, v32  }
0x51c: {  	v29 =	vld.idx.msk [tilespmem:v29+s31+$0x0], $0xffff;
	[tilespmem:v53+s18+$0x0] =	vst.idx.msk $0xffff, v35;
	v61 =	vor.u32 v9, v33;
	v60 =	vmul.f32 v47, v43  }
0x51d: {  	v25 =	vor.u32 v14, v25;
	v39 =	vld.idx.msk [tilespmem:v54+s31+$0x0], $0xffff;
	v62 =	vor.u32 v8, v27  }
0x51e: {  	v63 =	vor.u32 v9, v19;
	v46 =	vld.idx.msk [tilespmem:v55+s1+$0x0], $0xffff;
	[tilespmem:v56+s18+$0x0] =	vst.idx.msk $0xffff, v60;
	v34 =	vmul.f32 v40, v34  }
0x51f: {  	v52 =	vor.u32 v11, v20;
	v37 =	vld.idx.msk [tilespmem:v57+s1+$0x0], $0xffff  }
0x520: {  	v53 =	vor.u32 v10, v17;
	v54 =	vor.u32 v9, v26;
	v38 =	vld.idx.msk [tilespmem:v58+s31+$0x0], $0xffff;
	[tilespmem:v59+s18+$0x0] =	vst.idx.msk $0xffff, v34  }
0x521: {  	v55 =	vmul.f32 v44, v49;
	v56 =	vor.u32 v10, v16;
	v43 =	vld.idx.msk [tilespmem:v61+s31+$0x0], $0xffff  }
0x522: {  	v57 =	vor.u32 v11, v28;
	v58 =	vor.u32 v9, v30;
	v45 =	vld.idx.msk [tilespmem:v62+s1+$0x0], $0xffff  }
0x523: {  	v25 =	vld.idx.msk [tilespmem:v25+s1+$0x0], $0xffff;
	[tilespmem:v63+s18+$0x0] =	vst.idx.msk $0xffff, v55;
	v60 =	vor.u32 v11, v32;
	v59 =	vmul.f32 v39, v46  }
0x524: {  	v35 =	vld.idx.msk [tilespmem:v52+s31+$0x0], $0xffff;
	v61 =	vor.u32 v10, v23;
	v62 =	vor.u32 v9, v31  }
0x525: {  	v52 =	vor.u32 v10, v27;
	v40 =	vld.idx.msk [tilespmem:v53+s1+$0x0], $0xffff;
	[tilespmem:v54+s18+$0x0] =	vst.idx.msk $0xffff, v59;
	v63 =	vmul.f32 v38, v37  }
0x526: {  	v22 =	vor.u32 v15, v22;
	v53 =	vor.u32 v13, v24;
	v54 =	vor.u32 v11, v33;
	v41 =	vld.idx.msk [tilespmem:v56+s1+$0x0], $0xffff  }
0x527: {  	v55 =	vor.u32 v11, v19;
	v44 =	vld.idx.msk [tilespmem:v57+s31+$0x0], $0xffff;
	[tilespmem:v58+s18+$0x0] =	vst.idx.msk $0xffff, v63;
	v56 =	vmul.f32 v43, v45  }
0x528: {  	v36 =	vmul.f32 v42, v36;
	v57 =	vor.u32 v12, v17;
	v39 =	vld.idx.msk [tilespmem:v60+s31+$0x0], $0xffff  }
0x529: {  	v59 =	vor.u32 v11, v26;
	v58 =	vor.u32 v13, v20;
	v46 =	vld.idx.msk [tilespmem:v61+s1+$0x0], $0xffff;
	[tilespmem:v62+s18+$0x0] =	vst.idx.msk $0xffff, v56  }
0x52a: {  	v60 =	vmul.f32 v35, v40;
	v61 =	vor.u32 v13, v28;
	v37 =	vld.idx.msk [tilespmem:v52+s1+$0x0], $0xffff  }
0x52b: {  	[tilespmem:v53+s18+$0x0] =	vst.idx.msk $0xffff, v36;
	v63 =	vor.u32 v11, v30;
	v62 =	vor.u32 v12, v16;
	v49 =	vld.idx.msk [tilespmem:v54+s31+$0x0], $0xffff  }
0x52c: {  	v51 =	vor.u32 v12, v23;
	v22 =	vld.idx.msk [tilespmem:v22+s31+$0x0], $0xffff;
	[tilespmem:v55+s18+$0x0] =	vst.idx.msk $0xffff, v60;
	v50 =	vmul.f32 v44, v41  }
0x52d: {  	v53 =	vor.u32 v11, v31;
	v42 =	vld.idx.msk [tilespmem:v57+s1+$0x0], $0xffff;
	v52 =	vor.u32 v13, v32  }
0x52e: {  	v55 =	vor.u32 v13, v33;
	v43 =	vld.idx.msk [tilespmem:v58+s31+$0x0], $0xffff;
	[tilespmem:v59+s18+$0x0] =	vst.idx.msk $0xffff, v50;
	v54 =	vmul.f32 v39, v46  }
0x52f: {  	v21 =	vor.u32 v14, v21;
	v56 =	vor.u32 v12, v27;
	v35 =	vld.idx.msk [tilespmem:v61+s31+$0x0], $0xffff  }
0x530: {  	v57 =	vor.u32 v13, v19;
	v36 =	vld.idx.msk [tilespmem:v62+s1+$0x0], $0xffff;
	[tilespmem:v63+s18+$0x0] =	vst.idx.msk $0xffff, v54;
	v58 =	vmul.f32 v49, v37  }
0x531: {  	v59 =	vor.u32 v15, v20;
	v60 =	vld.idx.msk [tilespmem:v51+s1+$0x0], $0xffff  }
0x532: {  	v17 =	vor.u32 v14, v17;
	v61 =	vor.u32 v13, v26;
	v62 =	vld.idx.msk [tilespmem:v52+s31+$0x0], $0xffff;
	[tilespmem:v53+s18+$0x0] =	vst.idx.msk $0xffff, v58  }
0x533: {  	v63 =	vor.u32 v15, v28;
	v47 =	vmul.f32 v43, v42;
	v39 =	vld.idx.msk [tilespmem:v55+s31+$0x0], $0xffff  }
0x534: {  	v48 =	vor.u32 v13, v30;
	v16 =	vor.u32 v14, v16;
	v49 =	vld.idx.msk [tilespmem:v56+s1+$0x0], $0xffff  }
0x535: {  	v21 =	vld.idx.msk [tilespmem:v21+s1+$0x0], $0xffff;
	v51 =	vor.u32 v15, v32;
	[tilespmem:v57+s18+$0x0] =	vst.idx.msk $0xffff, v47;
	v50 =	vmul.f32 v35, v36  }
0x536: {  	v52 =	vor.u32 v13, v31;
	v53 =	vor.u32 v14, v23;
	v20 =	vld.idx.msk [tilespmem:v59+s31+$0x0], $0xffff  }
0x537: {  	v54 =	vor.u32 v15, v33;
	v17 =	vld.idx.msk [tilespmem:v17+s1+$0x0], $0xffff;
	v55 =	vmul.f32 v62, v60;
	[tilespmem:v61+s18+$0x0] =	vst.idx.msk $0xffff, v50  }
0x538: {  	v56 =	vor.u32 v14, v27;
	v28 =	vld.idx.msk [tilespmem:v63+s31+$0x0], $0xffff  }
0x539: {  	v16 =	vld.idx.msk [tilespmem:v16+s1+$0x0], $0xffff;
	[tilespmem:v48+s18+$0x0] =	vst.idx.msk $0xffff, v55;
	v57 =	vmul.f32 v39, v49  }
0x53a: {  	v58 =	vor.u32 v15, v18;
	v32 =	vld.idx.msk [tilespmem:v51+s31+$0x0], $0xffff  }
0x53b: {  	v59 =	vor.u32 v15, v24;
	v23 =	vld.idx.msk [tilespmem:v53+s1+$0x0], $0xffff;
	[tilespmem:v52+s18+$0x0] =	vst.idx.msk $0xffff, v57  }
0x53c: {  	v60 =	vor.u32 v15, v19;
	v33 =	vld.idx.msk [tilespmem:v54+s31+$0x0], $0xffff  }
0x53d: {  	v25 =	vmul.f32 v29, v25;
	v61 =	vor.u32 v15, v26;
	v27 =	vld.idx.msk [tilespmem:v56+s1+$0x0], $0xffff  }
0x53e: {  	v21 =	vmul.f32 v22, v21;
	v62 =	vor.u32 v15, v30  }
0x53f: {  	[tilespmem:v58+s18+$0x0] =	vst.idx.msk $0xffff, v25;
	v63 =	vor.u32 v15, v31;
	v17 =	vmul.f32 v20, v17  }
0x540: {  	[tilespmem:v59+s18+$0x0] =	vst.idx.msk $0xffff, v21;
	v16 =	vmul.f32 v28, v16  }
0x541: {  	[tilespmem:v60+s18+$0x0] =	vst.idx.msk $0xffff, v17;
	v17 =	vmul.f32 v32, v23  }
0x542: {  	[tilespmem:v61+s18+$0x0] =	vst.idx.msk $0xffff, v16;
	v16 =	vmul.f32 v33, v27  }
0x543: {  	[tilespmem:v62+s18+$0x0] =	vst.idx.msk $0xffff, v17  }
0x544: {  	[tilespmem:v63+s18+$0x0] =	vst.idx.msk $0xffff, v16  }
.Ltmp12:
0x545: {  	s2 =	rddreg [dreg:$0x17];
	(pc) =	sbr.rel .LBB2_20-.Ltmp12, $4  }
0x546: {  	[hbm4b:s2+s3] =	stream.linear.scatter [tilespmem:s18], [sflag:$0xA], $0x4000, $0x38;
	[tilespmem:$0x1A200] =	vst v63  }
0x547: {  	_ =	swait.ge [sflag:s13], $0x4000  }
0x548: {  	[sflag:s13] =	ssyncset.done $0x0  }
0x549: {  	s15 =	rddreg [dreg:$0x18];
	[sflag:s13] =	ssyncadd.s32 $0xFFFFC000  }
.LBB2_21:
0x54a: {  	_ =	sfence.sel $0x180000  }
0x54b: {  	[bflag:$0x0] =	sbarrier.arrive $0xFFFF  }
0x54c: {  	_ =	strace $0x90000047  }
0x54d: {  	s0 =	stileid.u32;
	[bflag:$0x2] =	sbarrier.arrive $0xFFFF  }
0x54e: {  	p0 =	sne.s32 s0, $0x0;
	s0 =	rddreg [dreg:$0x2]  }
0x54f: {  	s0 =	sadd.s32 @!p0 $0x100000, s0  }
0x550: {  	[sflag:s0] =	ssyncadd.tile.s32 @!p0 $0x1;
	_ =	shalt  }
.Lfunc_end2:
_tile_overlayer_lowered:
.L_overlay_start_2:
0x551: {  	(tag) =	ssettag $0x2  }
0x552: {  	s0 =	rddreg [dreg:$0x0];
	s2 =	stileid.u32  }
0x553: {  	s1 =	rddreg [dreg:$0x1];
	p0 =	sne.s32 s2, $0x0  }
0x554: {  	s3 =	rddreg [dreg:$0x2];
	[bflag:$0x3] =	sbarrier.arrive $0xFFFF;
	s2 =	simm.s32 @!p0 $0x1C0B  }
0x555: {  	[timem:s3], [sflag:s2] =	dma.local @!p0 [hbm:s0], s1  }
0x556: {  	s0 =	simm.s32 @!p0 $0xB  }
0x557: {  	_ =	swait.ge @!p0 [sflag:s0], s1  }
0x558: {  	s1 =	ssub.s32 @!p0 $0x0, s1;
	[sflag:s0] =	ssyncset.done @!p0 $0x0  }
0x559: {  	[sflag:s0] =	ssyncadd.s32 @!p0 s1  }
0x55a: {  	[bflag:$0x3] =	sbarrier.arrive $0xFFFF  }
0x55b: {  	_ =	shalt  }

</sc_bundles>
